<compile_context>
chip_gen: v7x
topology: tpu7x:2x2x1
jax: 0.10.2.dev20260603
libtpu: 0.0.44.dev20260713+nightly
codegen_flags: <defaults>
</compile_context>

<pallas_src>
import functools

import jax
import jax.numpy as jnp
from jax import lax
from jax.experimental import pallas as pl
from jax.experimental.pallas import tpu as pltpu, tpu_sc as plsc

_LANE = 128
_NBUF = 8


def kernel(indices_or_features, embedding_weight):
    idx = jnp.squeeze(indices_or_features).astype(jnp.int32)
    (B,) = idx.shape
    V, D = embedding_weight.shape
    tbl_t = embedding_weight.T

    info = plsc.get_sparse_core_info()
    NC, NS = info.num_cores, info.num_subcores
    NW = NC * NS
    assert B % (8 * NW) == 0 and D == 32
    b_per_w = B // NW
    assert b_per_w % _NBUF == 0

    mesh = plsc.VectorSubcoreMesh(core_axis_name="c", subcore_axis_name="s")

    @functools.partial(
        pl.kernel,
        mesh=mesh,
        out_type=jax.ShapeDtypeStruct((D, B), jnp.float32),
        compiler_params=pltpu.CompilerParams(
            use_tc_tiling_on_sc=True, needs_layout_passes=False
        ),
        scratch_types=[
            pltpu.VMEM((b_per_w + 16,), jnp.int32),
            pltpu.VMEM((_NBUF, D, _LANE), jnp.float32),
            pltpu.VMEM((D, b_per_w), jnp.float32),
            pltpu.SemaphoreType.DMA,
        ]
        + [pltpu.SemaphoreType.DMA] * _NBUF,
    )
    def gather_kernel(idx_hbm, tbl_hbm, out_hbm, idx_v, ring_v, stage_v, sem_i, *sems):
        wid = lax.axis_index("s") * NC + lax.axis_index("c")
        base = wid * b_per_w
        pltpu.async_copy(
            idx_hbm.at[pl.ds(base, b_per_w)], idx_v.at[pl.ds(0, b_per_w)], sem_i
        ).wait()

        rows = lax.iota(jnp.int32, 16)

        def load_idx(j):
            return idx_v[pl.ds(j, 16)][0]

        def fetch(j, s):
            i = load_idx(j)
            col0 = pl.multiple_of((i // _LANE) * _LANE, _LANE)
            for g in range(D // 8):
                pltpu.async_copy(
                    tbl_hbm.at[pl.ds(8 * g, 8), pl.ds(col0, _LANE)],
                    ring_v.at[s, pl.ds(8 * g, 8), :],
                    sems[s],
                )

        def extract(j, s):
            pltpu.make_async_copy(
                tbl_hbm.at[:, pl.ds(0, _LANE)], ring_v.at[s], sems[s]
            ).wait()
            i = load_idx(j)
            slot = jnp.full((16,), s, jnp.int32)
            col = jnp.full((16,), i % _LANE, jnp.int32)
            jcol = jnp.full((16,), j, jnp.int32)
            for h in range(2):
                vals = plsc.load_gather(ring_v, [slot, rows + h * 16, col])
                plsc.store_scatter(stage_v, [rows + h * 16, jcol], vals)

        for s in range(_NBUF):
            fetch(s, s)

        def body(g, carry):
            j0 = g * _NBUF
            for s in range(_NBUF):
                extract(j0 + s, s)
                fetch(j0 + s + _NBUF, s)
            return carry

        lax.fori_loop(0, b_per_w // _NBUF - 1, body, 0)

        for s in range(_NBUF):
            extract(b_per_w - _NBUF + s, s)

        pltpu.sync_copy(stage_v, out_hbm.at[:, pl.ds(base, b_per_w)])

    return gather_kernel(idx, tbl_t).T

# --- scband reference (transcript-rebuilt; emitter-appended) ---
"""Pipeline reference for scband-versatile-embedding-670014899128 (READ-ONLY COPY).

The authoritative reference and input builder live on the scoring server;
editing this copy changes nothing except your own understanding.
"""

import jax, jax.numpy as jnp
import numpy as np

NUM_ENTITIES = 1000000
NUM_CHANNELS = 32
BATCH = 16384

def setup_inputs(seed: int = 0) -> dict:
    key = jax.random.key(seed)
    k_idx, k_tab = jax.random.split(key)
    indices_or_features = jax.random.randint(k_idx, (BATCH,), 0, NUM_ENTITIES, dtype=jnp.int64) if jax.config.jax_enable_x64 else jax.random.randint(k_idx, (BATCH,), 0, NUM_ENTITIES, dtype=jnp.int32)
    embedding_weight = jax.random.normal(k_tab, (NUM_ENTITIES, NUM_CHANNELS), dtype=jnp.float32)
    return {"indices_or_features": indices_or_features, "embedding_weight": embedding_weight}

def reference(indices_or_features, embedding_weight):
    # VersatileEmbedding with embedding_type='Embedding':
    # return self.embedding(indices_or_features.squeeze())
    idx = jnp.squeeze(indices_or_features)
    return jnp.take(embedding_weight, idx, axis=0)

if __name__ == "__main__":
    import jax
    _d = setup_inputs()
    print(jax.jit(kernel)(*tuple(_d.values())))

</pallas_src>

<mosaic_0001>
#map = affine_map<(d0, d1) -> (0)>
#map1 = affine_map<(d0, d1) -> (0, 0)>
module attributes {stable_mosaic.version = 14 : i64} {
  func.func @gather_kernel(%arg0: i32, %arg1: i32, %arg2: memref<16384xi32, #tpu.memory_space<hbm>>, %arg3: memref<32x1000000xf32, #tpu.memory_space<hbm>>, %arg4: memref<32x16384xf32, #tpu.memory_space<hbm>>, %arg5: memref<528xi32, #tpu.memory_space<vmem>>, %arg6: memref<8x32x128xf32, #tpu.memory_space<vmem>>, %arg7: memref<32x512xf32, #tpu.memory_space<vmem>>, %arg8: memref<!tpu.dma_semaphore, #tpu.memory_space<semaphore_mem>>, %arg9: memref<!tpu.dma_semaphore, #tpu.memory_space<semaphore_mem>>, %arg10: memref<!tpu.dma_semaphore, #tpu.memory_space<semaphore_mem>>, %arg11: memref<!tpu.dma_semaphore, #tpu.memory_space<semaphore_mem>>, %arg12: memref<!tpu.dma_semaphore, #tpu.memory_space<semaphore_mem>>, %arg13: memref<!tpu.dma_semaphore, #tpu.memory_space<semaphore_mem>>, %arg14: memref<!tpu.dma_semaphore, #tpu.memory_space<semaphore_mem>>, %arg15: memref<!tpu.dma_semaphore, #tpu.memory_space<semaphore_mem>>, %arg16: memref<!tpu.dma_semaphore, #tpu.memory_space<semaphore_mem>>) attributes {dimension_semantics = [#tpu.dimension_semantics<core_parallel>, #tpu.dimension_semantics<subcore_parallel>], iteration_bounds = array<i64: 2, 16>, scalar_prefetch = 0 : i64, scratch_operands = 12 : i64, tpu.core_type = #tpu.core_type<sc_vector_subcore>, window_params = [{transform_indices = #map}, {transform_indices = #map1}, {transform_indices = #map1}]} {
    %mul3A = arith.constant 2 : i32
    %mul3A_0 = arith.muli %arg1, %mul3A : i32
    %add3A = arith.addi %mul3A_0, %arg0 : i32
    %mul3A_1 = arith.constant 512 : i32
    %mul3A_2 = arith.muli %add3A, %mul3A_1 : i32
    %dma_start3A = arith.constant 0 : i32
    %dma_start3A_3 = tpu.memref_slice %arg5[%dma_start3A] : memref<528xi32, #tpu.memory_space<vmem>> -> memref<512xi32, #tpu.memory_space<vmem>>
    %dma_start3A_4 = tpu.memref_slice %arg2[%mul3A_2] : memref<16384xi32, #tpu.memory_space<hbm>> -> memref<512xi32, #tpu.memory_space<hbm>>
    %dma_start3A_5 = arith.constant 0 : i32
    %dma_start3A_6 = tpu.memref_slice %arg5[%dma_start3A_5] : memref<528xi32, #tpu.memory_space<vmem>> -> memref<512xi32, #tpu.memory_space<vmem>>
    %dma_start3A_7 = tpu.memref_slice %arg2[%mul3A_2] : memref<16384xi32, #tpu.memory_space<hbm>> -> memref<512xi32, #tpu.memory_space<hbm>>
    tpu.enqueue_dma source(%dma_start3A_7 : memref<512xi32, #tpu.memory_space<hbm>>) target(%dma_start3A_6 : memref<512xi32, #tpu.memory_space<vmem>>) target_semaphore(%arg8 : memref<!tpu.dma_semaphore, #tpu.memory_space<semaphore_mem>>)
    %dma_wait3A = arith.constant 0 : i32
    %dma_wait3A_8 = tpu.memref_slice %arg5[%dma_wait3A] : memref<528xi32, #tpu.memory_space<vmem>> -> memref<512xi32, #tpu.memory_space<vmem>>
    %dma_wait3A_9 = tpu.memref_slice %arg2[%mul3A_2] : memref<16384xi32, #tpu.memory_space<hbm>> -> memref<512xi32, #tpu.memory_space<hbm>>
    %dma_wait3A_10 = arith.constant 0 : i32
    %dma_wait3A_11 = tpu.memref_slice %arg5[%dma_wait3A_10] : memref<528xi32, #tpu.memory_space<vmem>> -> memref<512xi32, #tpu.memory_space<vmem>>
    %dma_wait3A_12 = tpu.memref_slice %arg2[%mul3A_2] : memref<16384xi32, #tpu.memory_space<hbm>> -> memref<512xi32, #tpu.memory_space<hbm>>
    tpu.wait_dma2 semaphore(%arg8 : memref<!tpu.dma_semaphore, #tpu.memory_space<semaphore_mem>>) src(%dma_wait3A_12 : memref<512xi32, #tpu.memory_space<hbm>>) dst(%dma_wait3A_11 : memref<512xi32, #tpu.memory_space<vmem>>)
    %iota3A = tpu.iota {dimensions = array<i32: 0>} : vector<16xi32>
    %get3A = arith.constant 0 : index
    %get3A_13 = tpu.vector_load %arg5[%get3A] {strides = array<i32>} : memref<528xi32, #tpu.memory_space<vmem>>, vector<16xi32>,
    %slice3A = vector.extract_strided_slice %get3A_13 {offsets = [0], sizes = [1], strides = [1]} : vector<16xi32> to vector<1xi32>
    %squeeze3A = vector.extract %slice3A[0] : i32 from vector<1xi32>
    %jit3A = arith.constant 128 : i32
    %div3A = arith.divsi %squeeze3A, %jit3A : i32
    %sign3A = arith.constant 0 : i32
    %sign3A_14 = arith.cmpi sgt, %squeeze3A, %sign3A : i32
    %sign3A_15 = arith.extui %sign3A_14 : i1 to i32
    %sign3A_16 = arith.constant 0 : i32
    %sign3A_17 = arith.cmpi slt, %squeeze3A, %sign3A_16 : i32
    %sign3A_18 = arith.extui %sign3A_17 : i1 to i32
    %sign3A_19 = arith.subi %sign3A_15, %sign3A_18 : i32
    %sign3A_20 = arith.constant 0 : i32
    %sign3A_21 = arith.cmpi sgt, %jit3A, %sign3A_20 : i32
    %sign3A_22 = arith.extui %sign3A_21 : i1 to i32
    %sign3A_23 = arith.constant 0 : i32
    %sign3A_24 = arith.cmpi slt, %jit3A, %sign3A_23 : i32
    %sign3A_25 = arith.extui %sign3A_24 : i1 to i32
    %sign3A_26 = arith.subi %sign3A_22, %sign3A_25 : i32
    %ne3A = arith.cmpi ne, %sign3A_19, %sign3A_26 : i32
    %rem3A = arith.remsi %squeeze3A, %jit3A : i32
    %ne3A_27 = arith.constant 0 : i32
    %ne3A_28 = arith.cmpi ne, %rem3A, %ne3A_27 : i32
    %and3A = arith.andi %ne3A, %ne3A_28 : i1
    %sub3A = arith.constant 1 : i32
    %sub3A_29 = arith.subi %div3A, %sub3A : i32
    %select_n3A = arith.select %and3A, %sub3A_29, %div3A : i32
    %mul3A_30 = arith.constant 128 : i32
    %mul3A_31 = arith.muli %select_n3A, %mul3A_30 : i32
    %multiple_of3A = tpu.assume_multiple %mul3A_31, 128 : i32
    %dma_start3A_32 = arith.constant 0 : i32
    %dma_start3A_33 = arith.constant 0 : i32
    %dma_start3A_34 = arith.constant 0 : i32
    %dma_start3A_35 = tpu.memref_slice %arg6[%dma_start3A_32, %dma_start3A_33, %dma_start3A_34] : memref<8x32x128xf32, #tpu.memory_space<vmem>> -> memref<1x8x128xf32, #tpu.memory_space<vmem>>
    %dma_start3A_36 = tpu.memref_squeeze %dma_start3A_35 : memref<1x8x128xf32, #tpu.memory_space<vmem>> -> memref<8x128xf32, #tpu.memory_space<vmem>>
    %dma_start3A_37 = arith.constant 0 : i32
    %dma_start3A_38 = tpu.memref_slice %arg3[%dma_start3A_37, %multiple_of3A] : memref<32x1000000xf32, #tpu.memory_space<hbm>> -> memref<8x128xf32, #tpu.memory_space<hbm>>
    %dma_start3A_39 = arith.constant 0 : i32
    %dma_start3A_40 = arith.constant 0 : i32
    %dma_start3A_41 = tpu.memref_slice %arg6[%dma_start3A_32, %dma_start3A_39, %dma_start3A_40] : memref<8x32x128xf32, #tpu.memory_space<vmem>> -> memref<1x8x128xf32, #tpu.memory_space<vmem>>
    %dma_start3A_42 = tpu.memref_squeeze %dma_start3A_41 : memref<1x8x128xf32, #tpu.memory_space<vmem>> -> memref<8x128xf32, #tpu.memory_space<vmem>>
    %dma_start3A_43 = arith.constant 0 : i32
    %dma_start3A_44 = tpu.memref_slice %arg3[%dma_start3A_43, %multiple_of3A] : memref<32x1000000xf32, #tpu.memory_space<hbm>> -> memref<8x128xf32, #tpu.memory_space<hbm>>
    tpu.enqueue_dma source(%dma_start3A_44 : memref<8x128xf32, #tpu.memory_space<hbm>>) target(%dma_start3A_42 : memref<8x128xf32, #tpu.memory_space<vmem>>) target_semaphore(%arg9 : memref<!tpu.dma_semaphore, #tpu.memory_space<semaphore_mem>>)
    %dma_start3A_45 = arith.constant 0 : i32
    %dma_start3A_46 = arith.constant 8 : i32
    %dma_start3A_47 = arith.constant 0 : i32
    %dma_start3A_48 = tpu.memref_slice %arg6[%dma_start3A_45, %dma_start3A_46, %dma_start3A_47] : memref<8x32x128xf32, #tpu.memory_space<vmem>> -> memref<1x8x128xf32, #tpu.memory_space<vmem>>
    %dma_start3A_49 = tpu.memref_squeeze %dma_start3A_48 : memref<1x8x128xf32, #tpu.memory_space<vmem>> -> memref<8x128xf32, #tpu.memory_space<vmem>>
    %dma_start3A_50 = arith.constant 8 : i32
    %dma_start3A_51 = tpu.memref_slice %arg3[%dma_start3A_50, %multiple_of3A] : memref<32x1000000xf32, #tpu.memory_space<hbm>> -> memref<8x128xf32, #tpu.memory_space<hbm>>
    %dma_start3A_52 = arith.constant 8 : i32
    %dma_start3A_53 = arith.constant 0 : i32
    %dma_start3A_54 = tpu.memref_slice %arg6[%dma_start3A_45, %dma_start3A_52, %dma_start3A_53] : memref<8x32x128xf32, #tpu.memory_space<vmem>> -> memref<1x8x128xf32, #tpu.memory_space<vmem>>
    %dma_start3A_55 = tpu.memref_squeeze %dma_start3A_54 : memref<1x8x128xf32, #tpu.memory_space<vmem>> -> memref<8x128xf32, #tpu.memory_space<vmem>>
    %dma_start3A_56 = arith.constant 8 : i32
    %dma_start3A_57 = tpu.memref_slice %arg3[%dma_start3A_56, %multiple_of3A] : memref<32x1000000xf32, #tpu.memory_space<hbm>> -> memref<8x128xf32, #tpu.memory_space<hbm>>
    tpu.enqueue_dma source(%dma_start3A_57 : memref<8x128xf32, #tpu.memory_space<hbm>>) target(%dma_start3A_55 : memref<8x128xf32, #tpu.memory_space<vmem>>) target_semaphore(%arg9 : memref<!tpu.dma_semaphore, #tpu.memory_space<semaphore_mem>>)
    %dma_start3A_58 = arith.constant 0 : i32
    %dma_start3A_59 = arith.constant 16 : i32
    %dma_start3A_60 = arith.constant 0 : i32
    %dma_start3A_61 = tpu.memref_slice %arg6[%dma_start3A_58, %dma_start3A_59, %dma_start3A_60] : memref<8x32x128xf32, #tpu.memory_space<vmem>> -> memref<1x8x128xf32, #tpu.memory_space<vmem>>
    %dma_start3A_62 = tpu.memref_squeeze %dma_start3A_61 : memref<1x8x128xf32, #tpu.memory_space<vmem>> -> memref<8x128xf32, #tpu.memory_space<vmem>>
    %dma_start3A_63 = arith.constant 16 : i32
    %dma_start3A_64 = tpu.memref_slice %arg3[%dma_start3A_63, %multiple_of3A] : memref<32x1000000xf32, #tpu.memory_space<hbm>> -> memref<8x128xf32, #tpu.memory_space<hbm>>
    %dma_start3A_65 = arith.constant 16 : i32
    %dma_start3A_66 = arith.constant 0 : i32
    %dma_start3A_67 = tpu.memref_slice %arg6[%dma_start3A_58, %dma_start3A_65, %dma_start3A_66] : memref<8x32x128xf32, #tpu.memory_space<vmem>> -> memref<1x8x128xf32, #tpu.memory_space<vmem>>
    %dma_start3A_68 = tpu.memref_squeeze %dma_start3A_67 : memref<1x8x128xf32, #tpu.memory_space<vmem>> -> memref<8x128xf32, #tpu.memory_space<vmem>>
    %dma_start3A_69 = arith.constant 16 : i32
    %dma_start3A_70 = tpu.memref_slice %arg3[%dma_start3A_69, %multiple_of3A] : memref<32x1000000xf32, #tpu.memory_space<hbm>> -> memref<8x128xf32, #tpu.memory_space<hbm>>
    tpu.enqueue_dma source(%dma_start3A_70 : memref<8x128xf32, #tpu.memory_space<hbm>>) target(%dma_start3A_68 : memref<8x128xf32, #tpu.memory_space<vmem>>) target_semaphore(%arg9 : memref<!tpu.dma_semaphore, #tpu.memory_space<semaphore_mem>>)
    %dma_start3A_71 = arith.constant 0 : i32
    %dma_start3A_72 = arith.constant 24 : i32
    %dma_start3A_73 = arith.constant 0 : i32
    %dma_start3A_74 = tpu.memref_slice %arg6[%dma_start3A_71, %dma_start3A_72, %dma_start3A_73] : memref<8x32x128xf32, #tpu.memory_space<vmem>> -> memref<1x8x128xf32, #tpu.memory_space<vmem>>
    %dma_start3A_75 = tpu.memref_squeeze %dma_start3A_74 : memref<1x8x128xf32, #tpu.memory_space<vmem>> -> memref<8x128xf32, #tpu.memory_space<vmem>>
    %dma_start3A_76 = arith.constant 24 : i32
    %dma_start3A_77 = tpu.memref_slice %arg3[%dma_start3A_76, %multiple_of3A] : memref<32x1000000xf32, #tpu.memory_space<hbm>> -> memref<8x128xf32, #tpu.memory_space<hbm>>
    %dma_start3A_78 = arith.constant 24 : i32
    %dma_start3A_79 = arith.constant 0 : i32
    %dma_start3A_80 = tpu.memref_slice %arg6[%dma_start3A_71, %dma_start3A_78, %dma_start3A_79] : memref<8x32x128xf32, #tpu.memory_space<vmem>> -> memref<1x8x128xf32, #tpu.memory_space<vmem>>
    %dma_start3A_81 = tpu.memref_squeeze %dma_start3A_80 : memref<1x8x128xf32, #tpu.memory_space<vmem>> -> memref<8x128xf32, #tpu.memory_space<vmem>>
    %dma_start3A_82 = arith.constant 24 : i32
    %dma_start3A_83 = tpu.memref_slice %arg3[%dma_start3A_82, %multiple_of3A] : memref<32x1000000xf32, #tpu.memory_space<hbm>> -> memref<8x128xf32, #tpu.memory_space<hbm>>
    tpu.enqueue_dma source(%dma_start3A_83 : memref<8x128xf32, #tpu.memory_space<hbm>>) target(%dma_start3A_81 : memref<8x128xf32, #tpu.memory_space<vmem>>) target_semaphore(%arg9 : memref<!tpu.dma_semaphore, #tpu.memory_space<semaphore_mem>>)
    %get3A_84 = arith.constant 1 : index
    %get3A_85 = tpu.vector_load %arg5[%get3A_84] {strides = array<i32>} : memref<528xi32, #tpu.memory_space<vmem>>, vector<16xi32>,
    %slice3A_86 = vector.extract_strided_slice %get3A_85 {offsets = [0], sizes = [1], strides = [1]} : vector<16xi32> to vector<1xi32>
    %squeeze3A_87 = vector.extract %slice3A_86[0] : i32 from vector<1xi32>
    %jit3A_88 = arith.constant 128 : i32
    %div3A_89 = arith.divsi %squeeze3A_87, %jit3A_88 : i32
    %sign3A_90 = arith.constant 0 : i32
    %sign3A_91 = arith.cmpi sgt, %squeeze3A_87, %sign3A_90 : i32
    %sign3A_92 = arith.extui %sign3A_91 : i1 to i32
    %sign3A_93 = arith.constant 0 : i32
    %sign3A_94 = arith.cmpi slt, %squeeze3A_87, %sign3A_93 : i32
    %sign3A_95 = arith.extui %sign3A_94 : i1 to i32
    %sign3A_96 = arith.subi %sign3A_92, %sign3A_95 : i32
    %sign3A_97 = arith.constant 0 : i32
    %sign3A_98 = arith.cmpi sgt, %jit3A_88, %sign3A_97 : i32
    %sign3A_99 = arith.extui %sign3A_98 : i1 to i32
    %sign3A_100 = arith.constant 0 : i32
    %sign3A_101 = arith.cmpi slt, %jit3A_88, %sign3A_100 : i32
    %sign3A_102 = arith.extui %sign3A_101 : i1 to i32
    %sign3A_103 = arith.subi %sign3A_99, %sign3A_102 : i32
    %ne3A_104 = arith.cmpi ne, %sign3A_96, %sign3A_103 : i32
    %rem3A_105 = arith.remsi %squeeze3A_87, %jit3A_88 : i32
    %ne3A_106 = arith.constant 0 : i32
    %ne3A_107 = arith.cmpi ne, %rem3A_105, %ne3A_106 : i32
    %and3A_108 = arith.andi %ne3A_104, %ne3A_107 : i1
    %sub3A_109 = arith.constant 1 : i32
    %sub3A_110 = arith.subi %div3A_89, %sub3A_109 : i32
    %select_n3A_111 = arith.select %and3A_108, %sub3A_110, %div3A_89 : i32
    %mul3A_112 = arith.constant 128 : i32
    %mul3A_113 = arith.muli %select_n3A_111, %mul3A_112 : i32
    %multiple_of3A_114 = tpu.assume_multiple %mul3A_113, 128 : i32
    %dma_start3A_115 = arith.constant 1 : i32
    %dma_start3A_116 = arith.constant 0 : i32
    %dma_start3A_117 = arith.constant 0 : i32
    %dma_start3A_118 = tpu.memref_slice %arg6[%dma_start3A_115, %dma_start3A_116, %dma_start3A_117] : memref<8x32x128xf32, #tpu.memory_space<vmem>> -> memref<1x8x128xf32, #tpu.memory_space<vmem>>
    %dma_start3A_119 = tpu.memref_squeeze %dma_start3A_118 : memref<1x8x128xf32, #tpu.memory_space<vmem>> -> memref<8x128xf32, #tpu.memory_space<vmem>>
    %dma_start3A_120 = arith.constant 0 : i32
    %dma_start3A_121 = tpu.memref_slice %arg3[%dma_start3A_120, %multiple_of3A_114] : memref<32x1000000xf32, #tpu.memory_space<hbm>> -> memref<8x128xf32, #tpu.memory_space<hbm>>
    %dma_start3A_122 = arith.constant 0 : i32
    %dma_start3A_123 = arith.constant 0 : i32
    %dma_start3A_124 = tpu.memref_slice %arg6[%dma_start3A_115, %dma_start3A_122, %dma_start3A_123] : memref<8x32x128xf32, #tpu.memory_space<vmem>> -> memref<1x8x128xf32, #tpu.memory_space<vmem>>
    %dma_start3A_125 = tpu.memref_squeeze %dma_start3A_124 : memref<1x8x128xf32, #tpu.memory_space<vmem>> -> memref<8x128xf32, #tpu.memory_space<vmem>>
    %dma_start3A_126 = arith.constant 0 : i32
    %dma_start3A_127 = tpu.memref_slice %arg3[%dma_start3A_126, %multiple_of3A_114] : memref<32x1000000xf32, #tpu.memory_space<hbm>> -> memref<8x128xf32, #tpu.memory_space<hbm>>
    tpu.enqueue_dma source(%dma_start3A_127 : memref<8x128xf32, #tpu.memory_space<hbm>>) target(%dma_start3A_125 : memref<8x128xf32, #tpu.memory_space<vmem>>) target_semaphore(%arg10 : memref<!tpu.dma_semaphore, #tpu.memory_space<semaphore_mem>>)
    %dma_start3A_128 = arith.constant 1 : i32
    %dma_start3A_129 = arith.constant 8 : i32
    %dma_start3A_130 = arith.constant 0 : i32
    %dma_start3A_131 = tpu.memref_slice %arg6[%dma_start3A_128, %dma_start3A_129, %dma_start3A_130] : memref<8x32x128xf32, #tpu.memory_space<vmem>> -> memref<1x8x128xf32, #tpu.memory_space<vmem>>
    %dma_start3A_132 = tpu.memref_squeeze %dma_start3A_131 : memref<1x8x128xf32, #tpu.memory_space<vmem>> -> memref<8x128xf32, #tpu.memory_space<vmem>>
    %dma_start3A_133 = arith.constant 8 : i32
    %dma_start3A_134 = tpu.memref_slice %arg3[%dma_start3A_133, %multiple_of3A_114] : memref<32x1000000xf32, #tpu.memory_space<hbm>> -> memref<8x128xf32, #tpu.memory_space<hbm>>
    %dma_start3A_135 = arith.constant 8 : i32
    %dma_start3A_136 = arith.constant 0 : i32
    %dma_start3A_137 = tpu.memref_slice %arg6[%dma_start3A_128, %dma_start3A_135, %dma_start3A_136] : memref<8x32x128xf32, #tpu.memory_space<vmem>> -> memref<1x8x128xf32, #tpu.memory_space<vmem>>
    %dma_start3A_138 = tpu.memref_squeeze %dma_start3A_137 : memref<1x8x128xf32, #tpu.memory_space<vmem>> -> memref<8x128xf32, #tpu.memory_space<vmem>>
    %dma_start3A_139 = arith.constant 8 : i32
    %dma_start3A_140 = tpu.memref_slice %arg3[%dma_start3A_139, %multiple_of3A_114] : memref<32x1000000xf32, #tpu.memory_space<hbm>> -> memref<8x128xf32, #tpu.memory_space<hbm>>
    tpu.enqueue_dma source(%dma_start3A_140 : memref<8x128xf32, #tpu.memory_space<hbm>>) target(%dma_start3A_138 : memref<8x128xf32, #tpu.memory_space<vmem>>) target_semaphore(%arg10 : memref<!tpu.dma_semaphore, #tpu.memory_space<semaphore_mem>>)
    %dma_start3A_141 = arith.constant 1 : i32
    %dma_start3A_142 = arith.constant 16 : i32
    %dma_start3A_143 = arith.constant 0 : i32
    %dma_start3A_144 = tpu.memref_slice %arg6[%dma_start3A_141, %dma_start3A_142, %dma_start3A_143] : memref<8x32x128xf32, #tpu.memory_space<vmem>> -> memref<1x8x128xf32, #tpu.memory_space<vmem>>
    %dma_start3A_145 = tpu.memref_squeeze %dma_start3A_144 : memref<1x8x128xf32, #tpu.memory_space<vmem>> -> memref<8x128xf32, #tpu.memory_space<vmem>>
    %dma_start3A_146 = arith.constant 16 : i32
    %dma_start3A_147 = tpu.memref_slice %arg3[%dma_start3A_146, %multiple_of3A_114] : memref<32x1000000xf32, #tpu.memory_space<hbm>> -> memref<8x128xf32, #tpu.memory_space<hbm>>
    %dma_start3A_148 = arith.constant 16 : i32
    %dma_start3A_149 = arith.constant 0 : i32
    %dma_start3A_150 = tpu.memref_slice %arg6[%dma_start3A_141, %dma_start3A_148, %dma_start3A_149] : memref<8x32x128xf32, #tpu.memory_space<vmem>> -> memref<1x8x128xf32, #tpu.memory_space<vmem>>
    %dma_start3A_151 = tpu.memref_squeeze %dma_start3A_150 : memref<1x8x128xf32, #tpu.memory_space<vmem>> -> memref<8x128xf32, #tpu.memory_space<vmem>>
    %dma_start3A_152 = arith.constant 16 : i32
    %dma_start3A_153 = tpu.memref_slice %arg3[%dma_start3A_152, %multiple_of3A_114] : memref<32x1000000xf32, #tpu.memory_space<hbm>> -> memref<8x128xf32, #tpu.memory_space<hbm>>
    tpu.enqueue_dma source(%dma_start3A_153 : memref<8x128xf32, #tpu.memory_space<hbm>>) target(%dma_start3A_151 : memref<8x128xf32, #tpu.memory_space<vmem>>) target_semaphore(%arg10 : memref<!tpu.dma_semaphore, #tpu.memory_space<semaphore_mem>>)
    %dma_start3A_154 = arith.constant 1 : i32
    %dma_start3A_155 = arith.constant 24 : i32
    %dma_start3A_156 = arith.constant 0 : i32
    %dma_start3A_157 = tpu.memref_slice %arg6[%dma_start3A_154, %dma_start3A_155, %dma_start3A_156] : memref<8x32x128xf32, #tpu.memory_space<vmem>> -> memref<1x8x128xf32, #tpu.memory_space<vmem>>
    %dma_start3A_158 = tpu.memref_squeeze %dma_start3A_157 : memref<1x8x128xf32, #tpu.memory_space<vmem>> -> memref<8x128xf32, #tpu.memory_space<vmem>>
    %dma_start3A_159 = arith.constant 24 : i32
    %dma_start3A_160 = tpu.memref_slice %arg3[%dma_start3A_159, %multiple_of3A_114] : memref<32x1000000xf32, #tpu.memory_space<hbm>> -> memref<8x128xf32, #tpu.memory_space<hbm>>
    %dma_start3A_161 = arith.constant 24 : i32
    %dma_start3A_162 = arith.constant 0 : i32
    %dma_start3A_163 = tpu.memref_slice %arg6[%dma_start3A_154, %dma_start3A_161, %dma_start3A_162] : memref<8x32x128xf32, #tpu.memory_space<vmem>> -> memref<1x8x128xf32, #tpu.memory_space<vmem>>
    %dma_start3A_164 = tpu.memref_squeeze %dma_start3A_163 : memref<1x8x128xf32, #tpu.memory_space<vmem>> -> memref<8x128xf32, #tpu.memory_space<vmem>>
    %dma_start3A_165 = arith.constant 24 : i32
    %dma_start3A_166 = tpu.memref_slice %arg3[%dma_start3A_165, %multiple_of3A_114] : memref<32x1000000xf32, #tpu.memory_space<hbm>> -> memref<8x128xf32, #tpu.memory_space<hbm>>
    tpu.enqueue_dma source(%dma_start3A_166 : memref<8x128xf32, #tpu.memory_space<hbm>>) target(%dma_start3A_164 : memref<8x128xf32, #tpu.memory_space<vmem>>) target_semaphore(%arg10 : memref<!tpu.dma_semaphore, #tpu.memory_space<semaphore_mem>>)
    %get3A_167 = arith.constant 2 : index
    %get3A_168 = tpu.vector_load %arg5[%get3A_167] {strides = array<i32>} : memref<528xi32, #tpu.memory_space<vmem>>, vector<16xi32>,
    %slice3A_169 = vector.extract_strided_slice %get3A_168 {offsets = [0], sizes = [1], strides = [1]} : vector<16xi32> to vector<1xi32>
    %squeeze3A_170 = vector.extract %slice3A_169[0] : i32 from vector<1xi32>
    %jit3A_171 = arith.constant 128 : i32
    %div3A_172 = arith.divsi %squeeze3A_170, %jit3A_171 : i32
    %sign3A_173 = arith.constant 0 : i32
    %sign3A_174 = arith.cmpi sgt, %squeeze3A_170, %sign3A_173 : i32
    %sign3A_175 = arith.extui %sign3A_174 : i1 to i32
    %sign3A_176 = arith.constant 0 : i32
    %sign3A_177 = arith.cmpi slt, %squeeze3A_170, %sign3A_176 : i32
    %sign3A_178 = arith.extui %sign3A_177 : i1 to i32
    %sign3A_179 = arith.subi %sign3A_175, %sign3A_178 : i32
    %sign3A_180 = arith.constant 0 : i32
    %sign3A_181 = arith.cmpi sgt, %jit3A_171, %sign3A_180 : i32
    %sign3A_182 = arith.extui %sign3A_181 : i1 to i32
    %sign3A_183 = arith.constant 0 : i32
    %sign3A_184 = arith.cmpi slt, %jit3A_171, %sign3A_183 : i32
    %sign3A_185 = arith.extui %sign3A_184 : i1 to i32
    %sign3A_186 = arith.subi %sign3A_182, %sign3A_185 : i32
    %ne3A_187 = arith.cmpi ne, %sign3A_179, %sign3A_186 : i32
    %rem3A_188 = arith.remsi %squeeze3A_170, %jit3A_171 : i32
    %ne3A_189 = arith.constant 0 : i32
    %ne3A_190 = arith.cmpi ne, %rem3A_188, %ne3A_189 : i32
    %and3A_191 = arith.andi %ne3A_187, %ne3A_190 : i1
    %sub3A_192 = arith.constant 1 : i32
    %sub3A_193 = arith.subi %div3A_172, %sub3A_192 : i32
    %select_n3A_194 = arith.select %and3A_191, %sub3A_193, %div3A_172 : i32
    %mul3A_195 = arith.constant 128 : i32
    %mul3A_196 = arith.muli %select_n3A_194, %mul3A_195 : i32
    %multiple_of3A_197 = tpu.assume_multiple %mul3A_196, 128 : i32
    %dma_start3A_198 = arith.constant 2 : i32
    %dma_start3A_199 = arith.constant 0 : i32
    %dma_start3A_200 = arith.constant 0 : i32
    %dma_start3A_201 = tpu.memref_slice %arg6[%dma_start3A_198, %dma_start3A_199, %dma_start3A_200] : memref<8x32x128xf32, #tpu.memory_space<vmem>> -> memref<1x8x128xf32, #tpu.memory_space<vmem>>
    %dma_start3A_202 = tpu.memref_squeeze %dma_start3A_201 : memref<1x8x128xf32, #tpu.memory_space<vmem>> -> memref<8x128xf32, #tpu.memory_space<vmem>>
    %dma_start3A_203 = arith.constant 0 : i32
    %dma_start3A_204 = tpu.memref_slice %arg3[%dma_start3A_203, %multiple_of3A_197] : memref<32x1000000xf32, #tpu.memory_space<hbm>> -> memref<8x128xf32, #tpu.memory_space<hbm>>
    %dma_start3A_205 = arith.constant 0 : i32
    %dma_start3A_206 = arith.constant 0 : i32
    %dma_start3A_207 = tpu.memref_slice %arg6[%dma_start3A_198, %dma_start3A_205, %dma_start3A_206] : memref<8x32x128xf32, #tpu.memory_space<vmem>> -> memref<1x8x128xf32, #tpu.memory_space<vmem>>
    %dma_start3A_208 = tpu.memref_squeeze %dma_start3A_207 : memref<1x8x128xf32, #tpu.memory_space<vmem>> -> memref<8x128xf32, #tpu.memory_space<vmem>>
    %dma_start3A_209 = arith.constant 0 : i32
    %dma_start3A_210 = tpu.memref_slice %arg3[%dma_start3A_209, %multiple_of3A_197] : memref<32x1000000xf32, #tpu.memory_space<hbm>> -> memref<8x128xf32, #tpu.memory_space<hbm>>
    tpu.enqueue_dma source(%dma_start3A_210 : memref<8x128xf32, #tpu.memory_space<hbm>>) target(%dma_start3A_208 : memref<8x128xf32, #tpu.memory_space<vmem>>) target_semaphore(%arg11 : memref<!tpu.dma_semaphore, #tpu.memory_space<semaphore_mem>>)
    %dma_start3A_211 = arith.constant 2 : i32
    %dma_start3A_212 = arith.constant 8 : i32
    %dma_start3A_213 = arith.constant 0 : i32
    %dma_start3A_214 = tpu.memref_slice %arg6[%dma_start3A_211, %dma_start3A_212, %dma_start3A_213] : memref<8x32x128xf32, #tpu.memory_space<vmem>> -> memref<1x8x128xf32, #tpu.memory_space<vmem>>
    %dma_start3A_215 = tpu.memref_squeeze %dma_start3A_214 : memref<1x8x128xf32, #tpu.memory_space<vmem>> -> memref<8x128xf32, #tpu.memory_space<vmem>>
    %dma_start3A_216 = arith.constant 8 : i32
    %dma_start3A_217 = tpu.memref_slice %arg3[%dma_start3A_216, %multiple_of3A_197] : memref<32x1000000xf32, #tpu.memory_space<hbm>> -> memref<8x128xf32, #tpu.memory_space<hbm>>
    %dma_start3A_218 = arith.constant 8 : i32
    %dma_start3A_219 = arith.constant 0 : i32
    %dma_start3A_220 = tpu.memref_slice %arg6[%dma_start3A_211, %dma_start3A_218, %dma_start3A_219] : memref<8x32x128xf32, #tpu.memory_space<vmem>> -> memref<1x8x128xf32, #tpu.memory_space<vmem>>
    %dma_start3A_221 = tpu.memref_squeeze %dma_start3A_220 : memref<1x8x128xf32, #tpu.memory_space<vmem>> -> memref<8x128xf32, #tpu.memory_space<vmem>>
    %dma_start3A_222 = arith.constant 8 : i32
    %dma_start3A_223 = tpu.memref_slice %arg3[%dma_start3A_222, %multiple_of3A_197] : memref<32x1000000xf32, #tpu.memory_space<hbm>> -> memref<8x128xf32, #tpu.memory_space<hbm>>
    tpu.enqueue_dma source(%dma_start3A_223 : memref<8x128xf32, #tpu.memory_space<hbm>>) target(%dma_start3A_221 : memref<8x128xf32, #tpu.memory_space<vmem>>) target_semaphore(%arg11 : memref<!tpu.dma_semaphore, #tpu.memory_space<semaphore_mem>>)
    %dma_start3A_224 = arith.constant 2 : i32
    %dma_start3A_225 = arith.constant 16 : i32
    %dma_start3A_226 = arith.constant 0 : i32
    %dma_start3A_227 = tpu.memref_slice %arg6[%dma_start3A_224, %dma_start3A_225, %dma_start3A_226] : memref<8x32x128xf32, #tpu.memory_space<vmem>> -> memref<1x8x128xf32, #tpu.memory_space<vmem>>
    %dma_start3A_228 = tpu.memref_squeeze %dma_start3A_227 : memref<1x8x128xf32, #tpu.memory_space<vmem>> -> memref<8x128xf32, #tpu.memory_space<vmem>>
    %dma_start3A_229 = arith.constant 16 : i32
    %dma_start3A_230 = tpu.memref_slice %arg3[%dma_start3A_229, %multiple_of3A_197] : memref<32x1000000xf32, #tpu.memory_space<hbm>> -> memref<8x128xf32, #tpu.memory_space<hbm>>
    %dma_start3A_231 = arith.constant 16 : i32
    %dma_start3A_232 = arith.constant 0 : i32
    %dma_start3A_233 = tpu.memref_slice %arg6[%dma_start3A_224, %dma_start3A_231, %dma_start3A_232] : memref<8x32x128xf32, #tpu.memory_space<vmem>> -> memref<1x8x128xf32, #tpu.memory_space<vmem>>
    %dma_start3A_234 = tpu.memref_squeeze %dma_start3A_233 : memref<1x8x128xf32, #tpu.memory_space<vmem>> -> memref<8x128xf32, #tpu.memory_space<vmem>>
    %dma_start3A_235 = arith.constant 16 : i32
    %dma_start3A_236 = tpu.memref_slice %arg3[%dma_start3A_235, %multiple_of3A_197] : memref<32x1000000xf32, #tpu.memory_space<hbm>> -> memref<8x128xf32, #tpu.memory_space<hbm>>
    tpu.enqueue_dma source(%dma_start3A_236 : memref<8x128xf32, #tpu.memory_space<hbm>>) target(%dma_start3A_234 : memref<8x128xf32, #tpu.memory_space<vmem>>) target_semaphore(%arg11 : memref<!tpu.dma_semaphore, #tpu.memory_space<semaphore_mem>>)
    %dma_start3A_237 = arith.constant 2 : i32
    %dma_start3A_238 = arith.constant 24 : i32
    %dma_start3A_239 = arith.constant 0 : i32
    %dma_start3A_240 = tpu.memref_slice %arg6[%dma_start3A_237, %dma_start3A_238, %dma_start3A_239] : memref<8x32x128xf32, #tpu.memory_space<vmem>> -> memref<1x8x128xf32, #tpu.memory_space<vmem>>
    %dma_start3A_241 = tpu.memref_squeeze %dma_start3A_240 : memref<1x8x128xf32, #tpu.memory_space<vmem>> -> memref<8x128xf32, #tpu.memory_space<vmem>>
    %dma_start3A_242 = arith.constant 24 : i32
    %dma_start3A_243 = tpu.memref_slice %arg3[%dma_start3A_242, %multiple_of3A_197] : memref<32x1000000xf32, #tpu.memory_space<hbm>> -> memref<8x128xf32, #tpu.memory_space<hbm>>
    %dma_start3A_244 = arith.constant 24 : i32
    %dma_start3A_245 = arith.constant 0 : i32
    %dma_start3A_246 = tpu.memref_slice %arg6[%dma_start3A_237, %dma_start3A_244, %dma_start3A_245] : memref<8x32x128xf32, #tpu.memory_space<vmem>> -> memref<1x8x128xf32, #tpu.memory_space<vmem>>
    %dma_start3A_247 = tpu.memref_squeeze %dma_start3A_246 : memref<1x8x128xf32, #tpu.memory_space<vmem>> -> memref<8x128xf32, #tpu.memory_space<vmem>>
    %dma_start3A_248 = arith.constant 24 : i32
    %dma_start3A_249 = tpu.memref_slice %arg3[%dma_start3A_248, %multiple_of3A_197] : memref<32x1000000xf32, #tpu.memory_space<hbm>> -> memref<8x128xf32, #tpu.memory_space<hbm>>
    tpu.enqueue_dma source(%dma_start3A_249 : memref<8x128xf32, #tpu.memory_space<hbm>>) target(%dma_start3A_247 : memref<8x128xf32, #tpu.memory_space<vmem>>) target_semaphore(%arg11 : memref<!tpu.dma_semaphore, #tpu.memory_space<semaphore_mem>>)
    %get3A_250 = arith.constant 3 : index
    %get3A_251 = tpu.vector_load %arg5[%get3A_250] {strides = array<i32>} : memref<528xi32, #tpu.memory_space<vmem>>, vector<16xi32>,
    %slice3A_252 = vector.extract_strided_slice %get3A_251 {offsets = [0], sizes = [1], strides = [1]} : vector<16xi32> to vector<1xi32>
    %squeeze3A_253 = vector.extract %slice3A_252[0] : i32 from vector<1xi32>
    %jit3A_254 = arith.constant 128 : i32
    %div3A_255 = arith.divsi %squeeze3A_253, %jit3A_254 : i32
    %sign3A_256 = arith.constant 0 : i32
    %sign3A_257 = arith.cmpi sgt, %squeeze3A_253, %sign3A_256 : i32
    %sign3A_258 = arith.extui %sign3A_257 : i1 to i32
    %sign3A_259 = arith.constant 0 : i32
    %sign3A_260 = arith.cmpi slt, %squeeze3A_253, %sign3A_259 : i32
    %sign3A_261 = arith.extui %sign3A_260 : i1 to i32
    %sign3A_262 = arith.subi %sign3A_258, %sign3A_261 : i32
    %sign3A_263 = arith.constant 0 : i32
    %sign3A_264 = arith.cmpi sgt, %jit3A_254, %sign3A_263 : i32
    %sign3A_265 = arith.extui %sign3A_264 : i1 to i32
    %sign3A_266 = arith.constant 0 : i32
    %sign3A_267 = arith.cmpi slt, %jit3A_254, %sign3A_266 : i32
    %sign3A_268 = arith.extui %sign3A_267 : i1 to i32
    %sign3A_269 = arith.subi %sign3A_265, %sign3A_268 : i32
    %ne3A_270 = arith.cmpi ne, %sign3A_262, %sign3A_269 : i32
    %rem3A_271 = arith.remsi %squeeze3A_253, %jit3A_254 : i32
    %ne3A_272 = arith.constant 0 : i32
    %ne3A_273 = arith.cmpi ne, %rem3A_271, %ne3A_272 : i32
    %and3A_274 = arith.andi %ne3A_270, %ne3A_273 : i1
    %sub3A_275 = arith.constant 1 : i32
    %sub3A_276 = arith.subi %div3A_255, %sub3A_275 : i32
    %select_n3A_277 = arith.select %and3A_274, %sub3A_276, %div3A_255 : i32
    %mul3A_278 = arith.constant 128 : i32
    %mul3A_279 = arith.muli %select_n3A_277, %mul3A_278 : i32
    %multiple_of3A_280 = tpu.assume_multiple %mul3A_279, 128 : i32
    %dma_start3A_281 = arith.constant 3 : i32
    %dma_start3A_282 = arith.constant 0 : i32
    %dma_start3A_283 = arith.constant 0 : i32
    %dma_start3A_284 = tpu.memref_slice %arg6[%dma_start3A_281, %dma_start3A_282, %dma_start3A_283] : memref<8x32x128xf32, #tpu.memory_space<vmem>> -> memref<1x8x128xf32, #tpu.memory_space<vmem>>
    %dma_start3A_285 = tpu.memref_squeeze %dma_start3A_284 : memref<1x8x128xf32, #tpu.memory_space<vmem>> -> memref<8x128xf32, #tpu.memory_space<vmem>>
    %dma_start3A_286 = arith.constant 0 : i32
    %dma_start3A_287 = tpu.memref_slice %arg3[%dma_start3A_286, %multiple_of3A_280] : memref<32x1000000xf32, #tpu.memory_space<hbm>> -> memref<8x128xf32, #tpu.memory_space<hbm>>
    %dma_start3A_288 = arith.constant 0 : i32
    %dma_start3A_289 = arith.constant 0 : i32
    %dma_start3A_290 = tpu.memref_slice %arg6[%dma_start3A_281, %dma_start3A_288, %dma_start3A_289] : memref<8x32x128xf32, #tpu.memory_space<vmem>> -> memref<1x8x128xf32, #tpu.memory_space<vmem>>
    %dma_start3A_291 = tpu.memref_squeeze %dma_start3A_290 : memref<1x8x128xf32, #tpu.memory_space<vmem>> -> memref<8x128xf32, #tpu.memory_space<vmem>>
    %dma_start3A_292 = arith.constant 0 : i32
    %dma_start3A_293 = tpu.memref_slice %arg3[%dma_start3A_292, %multiple_of3A_280] : memref<32x1000000xf32, #tpu.memory_space<hbm>> -> memref<8x128xf32, #tpu.memory_space<hbm>>
    tpu.enqueue_dma source(%dma_start3A_293 : memref<8x128xf32, #tpu.memory_space<hbm>>) target(%dma_start3A_291 : memref<8x128xf32, #tpu.memory_space<vmem>>) target_semaphore(%arg12 : memref<!tpu.dma_semaphore, #tpu.memory_space<semaphore_mem>>)
    %dma_start3A_294 = arith.constant 3 : i32
    %dma_start3A_295 = arith.constant 8 : i32
    %dma_start3A_296 = arith.constant 0 : i32
    %dma_start3A_297 = tpu.memref_slice %arg6[%dma_start3A_294, %dma_start3A_295, %dma_start3A_296] : memref<8x32x128xf32, #tpu.memory_space<vmem>> -> memref<1x8x128xf32, #tpu.memory_space<vmem>>
    %dma_start3A_298 = tpu.memref_squeeze %dma_start3A_297 : memref<1x8x128xf32, #tpu.memory_space<vmem>> -> memref<8x128xf32, #tpu.memory_space<vmem>>
    %dma_start3A_299 = arith.constant 8 : i32
    %dma_start3A_300 = tpu.memref_slice %arg3[%dma_start3A_299, %multiple_of3A_280] : memref<32x1000000xf32, #tpu.memory_space<hbm>> -> memref<8x128xf32, #tpu.memory_space<hbm>>
    %dma_start3A_301 = arith.constant 8 : i32
    %dma_start3A_302 = arith.constant 0 : i32
    %dma_start3A_303 = tpu.memref_slice %arg6[%dma_start3A_294, %dma_start3A_301, %dma_start3A_302] : memref<8x32x128xf32, #tpu.memory_space<vmem>> -> memref<1x8x128xf32, #tpu.memory_space<vmem>>
    %dma_start3A_304 = tpu.memref_squeeze %dma_start3A_303 : memref<1x8x128xf32, #tpu.memory_space<vmem>> -> memref<8x128xf32, #tpu.memory_space<vmem>>
    %dma_start3A_305 = arith.constant 8 : i32
    %dma_start3A_306 = tpu.memref_slice %arg3[%dma_start3A_305, %multiple_of3A_280] : memref<32x1000000xf32, #tpu.memory_space<hbm>> -> memref<8x128xf32, #tpu.memory_space<hbm>>
    tpu.enqueue_dma source(%dma_start3A_306 : memref<8x128xf32, #tpu.memory_space<hbm>>) target(%dma_start3A_304 : memref<8x128xf32, #tpu.memory_space<vmem>>) target_semaphore(%arg12 : memref<!tpu.dma_semaphore, #tpu.memory_space<semaphore_mem>>)
    %dma_start3A_307 = arith.constant 3 : i32
    %dma_start3A_308 = arith.constant 16 : i32
    %dma_start3A_309 = arith.constant 0 : i32
    %dma_start3A_310 = tpu.memref_slice %arg6[%dma_start3A_307, %dma_start3A_308, %dma_start3A_309] : memref<8x32x128xf32, #tpu.memory_space<vmem>> -> memref<1x8x128xf32, #tpu.memory_space<vmem>>
    %dma_start3A_311 = tpu.memref_squeeze %dma_start3A_310 : memref<1x8x128xf32, #tpu.memory_space<vmem>> -> memref<8x128xf32, #tpu.memory_space<vmem>>
    %dma_start3A_312 = arith.constant 16 : i32
    %dma_start3A_313 = tpu.memref_slice %arg3[%dma_start3A_312, %multiple_of3A_280] : memref<32x1000000xf32, #tpu.memory_space<hbm>> -> memref<8x128xf32, #tpu.memory_space<hbm>>
    %dma_start3A_314 = arith.constant 16 : i32
    %dma_start3A_315 = arith.constant 0 : i32
    %dma_start3A_316 = tpu.memref_slice %arg6[%dma_start3A_307, %dma_start3A_314, %dma_start3A_315] : memref<8x32x128xf32, #tpu.memory_space<vmem>> -> memref<1x8x128xf32, #tpu.memory_space<vmem>>
    %dma_start3A_317 = tpu.memref_squeeze %dma_start3A_316 : memref<1x8x128xf32, #tpu.memory_space<vmem>> -> memref<8x128xf32, #tpu.memory_space<vmem>>
    %dma_start3A_318 = arith.constant 16 : i32
    %dma_start3A_319 = tpu.memref_slice %arg3[%dma_start3A_318, %multiple_of3A_280] : memref<32x1000000xf32, #tpu.memory_space<hbm>> -> memref<8x128xf32, #tpu.memory_space<hbm>>
    tpu.enqueue_dma source(%dma_start3A_319 : memref<8x128xf32, #tpu.memory_space<hbm>>) target(%dma_start3A_317 : memref<8x128xf32, #tpu.memory_space<vmem>>) target_semaphore(%arg12 : memref<!tpu.dma_semaphore, #tpu.memory_space<semaphore_mem>>)
    %dma_start3A_320 = arith.constant 3 : i32
    %dma_start3A_321 = arith.constant 24 : i32
    %dma_start3A_322 = arith.constant 0 : i32
    %dma_start3A_323 = tpu.memref_slice %arg6[%dma_start3A_320, %dma_start3A_321, %dma_start3A_322] : memref<8x32x128xf32, #tpu.memory_space<vmem>> -> memref<1x8x128xf32, #tpu.memory_space<vmem>>
    %dma_start3A_324 = tpu.memref_squeeze %dma_start3A_323 : memref<1x8x128xf32, #tpu.memory_space<vmem>> -> memref<8x128xf32, #tpu.memory_space<vmem>>
    %dma_start3A_325 = arith.constant 24 : i32
    %dma_start3A_326 = tpu.memref_slice %arg3[%dma_start3A_325, %multiple_of3A_280] : memref<32x1000000xf32, #tpu.memory_space<hbm>> -> memref<8x128xf32, #tpu.memory_space<hbm>>
    %dma_start3A_327 = arith.constant 24 : i32
    %dma_start3A_328 = arith.constant 0 : i32
    %dma_start3A_329 = tpu.memref_slice %arg6[%dma_start3A_320, %dma_start3A_327, %dma_start3A_328] : memref<8x32x128xf32, #tpu.memory_space<vmem>> -> memref<1x8x128xf32, #tpu.memory_space<vmem>>
    %dma_start3A_330 = tpu.memref_squeeze %dma_start3A_329 : memref<1x8x128xf32, #tpu.memory_space<vmem>> -> memref<8x128xf32, #tpu.memory_space<vmem>>
    %dma_start3A_331 = arith.constant 24 : i32
    %dma_start3A_332 = tpu.memref_slice %arg3[%dma_start3A_331, %multiple_of3A_280] : memref<32x1000000xf32, #tpu.memory_space<hbm>> -> memref<8x128xf32, #tpu.memory_space<hbm>>
    tpu.enqueue_dma source(%dma_start3A_332 : memref<8x128xf32, #tpu.memory_space<hbm>>) target(%dma_start3A_330 : memref<8x128xf32, #tpu.memory_space<vmem>>) target_semaphore(%arg12 : memref<!tpu.dma_semaphore, #tpu.memory_space<semaphore_mem>>)
    %get3A_333 = arith.constant 4 : index
    %get3A_334 = tpu.vector_load %arg5[%get3A_333] {strides = array<i32>} : memref<528xi32, #tpu.memory_space<vmem>>, vector<16xi32>,
    %slice3A_335 = vector.extract_strided_slice %get3A_334 {offsets = [0], sizes = [1], strides = [1]} : vector<16xi32> to vector<1xi32>
    %squeeze3A_336 = vector.extract %slice3A_335[0] : i32 from vector<1xi32>
    %jit3A_337 = arith.constant 128 : i32
    %div3A_338 = arith.divsi %squeeze3A_336, %jit3A_337 : i32
    %sign3A_339 = arith.constant 0 : i32
    %sign3A_340 = arith.cmpi sgt, %squeeze3A_336, %sign3A_339 : i32
    %sign3A_341 = arith.extui %sign3A_340 : i1 to i32
    %sign3A_342 = arith.constant 0 : i32
    %sign3A_343 = arith.cmpi slt, %squeeze3A_336, %sign3A_342 : i32
    %sign3A_344 = arith.extui %sign3A_343 : i1 to i32
    %sign3A_345 = arith.subi %sign3A_341, %sign3A_344 : i32
    %sign3A_346 = arith.constant 0 : i32
    %sign3A_347 = arith.cmpi sgt, %jit3A_337, %sign3A_346 : i32
    %sign3A_348 = arith.extui %sign3A_347 : i1 to i32
    %sign3A_349 = arith.constant 0 : i32
    %sign3A_350 = arith.cmpi slt, %jit3A_337, %sign3A_349 : i32
    %sign3A_351 = arith.extui %sign3A_350 : i1 to i32
    %sign3A_352 = arith.subi %sign3A_348, %sign3A_351 : i32
    %ne3A_353 = arith.cmpi ne, %sign3A_345, %sign3A_352 : i32
    %rem3A_354 = arith.remsi %squeeze3A_336, %jit3A_337 : i32
    %ne3A_355 = arith.constant 0 : i32
    %ne3A_356 = arith.cmpi ne, %rem3A_354, %ne3A_355 : i32
    %and3A_357 = arith.andi %ne3A_353, %ne3A_356 : i1
    %sub3A_358 = arith.constant 1 : i32
    %sub3A_359 = arith.subi %div3A_338, %sub3A_358 : i32
    %select_n3A_360 = arith.select %and3A_357, %sub3A_359, %div3A_338 : i32
    %mul3A_361 = arith.constant 128 : i32
    %mul3A_362 = arith.muli %select_n3A_360, %mul3A_361 : i32
    %multiple_of3A_363 = tpu.assume_multiple %mul3A_362, 128 : i32
    %dma_start3A_364 = arith.constant 4 : i32
    %dma_start3A_365 = arith.constant 0 : i32
    %dma_start3A_366 = arith.constant 0 : i32
    %dma_start3A_367 = tpu.memref_slice %arg6[%dma_start3A_364, %dma_start3A_365, %dma_start3A_366] : memref<8x32x128xf32, #tpu.memory_space<vmem>> -> memref<1x8x128xf32, #tpu.memory_space<vmem>>
    %dma_start3A_368 = tpu.memref_squeeze %dma_start3A_367 : memref<1x8x128xf32, #tpu.memory_space<vmem>> -> memref<8x128xf32, #tpu.memory_space<vmem>>
    %dma_start3A_369 = arith.constant 0 : i32
    %dma_start3A_370 = tpu.memref_slice %arg3[%dma_start3A_369, %multiple_of3A_363] : memref<32x1000000xf32, #tpu.memory_space<hbm>> -> memref<8x128xf32, #tpu.memory_space<hbm>>
    %dma_start3A_371 = arith.constant 0 : i32
    %dma_start3A_372 = arith.constant 0 : i32
    %dma_start3A_373 = tpu.memref_slice %arg6[%dma_start3A_364, %dma_start3A_371, %dma_start3A_372] : memref<8x32x128xf32, #tpu.memory_space<vmem>> -> memref<1x8x128xf32, #tpu.memory_space<vmem>>
    %dma_start3A_374 = tpu.memref_squeeze %dma_start3A_373 : memref<1x8x128xf32, #tpu.memory_space<vmem>> -> memref<8x128xf32, #tpu.memory_space<vmem>>
    %dma_start3A_375 = arith.constant 0 : i32
    %dma_start3A_376 = tpu.memref_slice %arg3[%dma_start3A_375, %multiple_of3A_363] : memref<32x1000000xf32, #tpu.memory_space<hbm>> -> memref<8x128xf32, #tpu.memory_space<hbm>>
    tpu.enqueue_dma source(%dma_start3A_376 : memref<8x128xf32, #tpu.memory_space<hbm>>) target(%dma_start3A_374 : memref<8x128xf32, #tpu.memory_space<vmem>>) target_semaphore(%arg13 : memref<!tpu.dma_semaphore, #tpu.memory_space<semaphore_mem>>)
    %dma_start3A_377 = arith.constant 4 : i32
    %dma_start3A_378 = arith.constant 8 : i32
    %dma_start3A_379 = arith.constant 0 : i32
    %dma_start3A_380 = tpu.memref_slice %arg6[%dma_start3A_377, %dma_start3A_378, %dma_start3A_379] : memref<8x32x128xf32, #tpu.memory_space<vmem>> -> memref<1x8x128xf32, #tpu.memory_space<vmem>>
    %dma_start3A_381 = tpu.memref_squeeze %dma_start3A_380 : memref<1x8x128xf32, #tpu.memory_space<vmem>> -> memref<8x128xf32, #tpu.memory_space<vmem>>
    %dma_start3A_382 = arith.constant 8 : i32
    %dma_start3A_383 = tpu.memref_slice %arg3[%dma_start3A_382, %multiple_of3A_363] : memref<32x1000000xf32, #tpu.memory_space<hbm>> -> memref<8x128xf32, #tpu.memory_space<hbm>>
    %dma_start3A_384 = arith.constant 8 : i32
    %dma_start3A_385 = arith.constant 0 : i32
    %dma_start3A_386 = tpu.memref_slice %arg6[%dma_start3A_377, %dma_start3A_384, %dma_start3A_385] : memref<8x32x128xf32, #tpu.memory_space<vmem>> -> memref<1x8x128xf32, #tpu.memory_space<vmem>>
    %dma_start3A_387 = tpu.memref_squeeze %dma_start3A_386 : memref<1x8x128xf32, #tpu.memory_space<vmem>> -> memref<8x128xf32, #tpu.memory_space<vmem>>
    %dma_start3A_388 = arith.constant 8 : i32
    %dma_start3A_389 = tpu.memref_slice %arg3[%dma_start3A_388, %multiple_of3A_363] : memref<32x1000000xf32, #tpu.memory_space<hbm>> -> memref<8x128xf32, #tpu.memory_space<hbm>>
    tpu.enqueue_dma source(%dma_start3A_389 : memref<8x128xf32, #tpu.memory_space<hbm>>) target(%dma_start3A_387 : memref<8x128xf32, #tpu.memory_space<vmem>>) target_semaphore(%arg13 : memref<!tpu.dma_semaphore, #tpu.memory_space<semaphore_mem>>)
    %dma_start3A_390 = arith.constant 4 : i32
    %dma_start3A_391 = arith.constant 16 : i32
    %dma_start3A_392 = arith.constant 0 : i32
    %dma_start3A_393 = tpu.memref_slice %arg6[%dma_start3A_390, %dma_start3A_391, %dma_start3A_392] : memref<8x32x128xf32, #tpu.memory_space<vmem>> -> memref<1x8x128xf32, #tpu.memory_space<vmem>>
    %dma_start3A_394 = tpu.memref_squeeze %dma_start3A_393 : memref<1x8x128xf32, #tpu.memory_space<vmem>> -> memref<8x128xf32, #tpu.memory_space<vmem>>
    %dma_start3A_395 = arith.constant 16 : i32
    %dma_start3A_396 = tpu.memref_slice %arg3[%dma_start3A_395, %multiple_of3A_363] : memref<32x1000000xf32, #tpu.memory_space<hbm>> -> memref<8x128xf32, #tpu.memory_space<hbm>>
    %dma_start3A_397 = arith.constant 16 : i32
    %dma_start3A_398 = arith.constant 0 : i32
    %dma_start3A_399 = tpu.memref_slice %arg6[%dma_start3A_390, %dma_start3A_397, %dma_start3A_398] : memref<8x32x128xf32, #tpu.memory_space<vmem>> -> memref<1x8x128xf32, #tpu.memory_space<vmem>>
    %dma_start3A_400 = tpu.memref_squeeze %dma_start3A_399 : memref<1x8x128xf32, #tpu.memory_space<vmem>> -> memref<8x128xf32, #tpu.memory_space<vmem>>
    %dma_start3A_401 = arith.constant 16 : i32
    %dma_start3A_402 = tpu.memref_slice %arg3[%dma_start3A_401, %multiple_of3A_363] : memref<32x1000000xf32, #tpu.memory_space<hbm>> -> memref<8x128xf32, #tpu.memory_space<hbm>>
    tpu.enqueue_dma source(%dma_start3A_402 : memref<8x128xf32, #tpu.memory_space<hbm>>) target(%dma_start3A_400 : memref<8x128xf32, #tpu.memory_space<vmem>>) target_semaphore(%arg13 : memref<!tpu.dma_semaphore, #tpu.memory_space<semaphore_mem>>)
    %dma_start3A_403 = arith.constant 4 : i32
    %dma_start3A_404 = arith.constant 24 : i32
    %dma_start3A_405 = arith.constant 0 : i32
    %dma_start3A_406 = tpu.memref_slice %arg6[%dma_start3A_403, %dma_start3A_404, %dma_start3A_405] : memref<8x32x128xf32, #tpu.memory_space<vmem>> -> memref<1x8x128xf32, #tpu.memory_space<vmem>>
    %dma_start3A_407 = tpu.memref_squeeze %dma_start3A_406 : memref<1x8x128xf32, #tpu.memory_space<vmem>> -> memref<8x128xf32, #tpu.memory_space<vmem>>
    %dma_start3A_408 = arith.constant 24 : i32
    %dma_start3A_409 = tpu.memref_slice %arg3[%dma_start3A_408, %multiple_of3A_363] : memref<32x1000000xf32, #tpu.memory_space<hbm>> -> memref<8x128xf32, #tpu.memory_space<hbm>>
    %dma_start3A_410 = arith.constant 24 : i32
    %dma_start3A_411 = arith.constant 0 : i32
    %dma_start3A_412 = tpu.memref_slice %arg6[%dma_start3A_403, %dma_start3A_410, %dma_start3A_411] : memref<8x32x128xf32, #tpu.memory_space<vmem>> -> memref<1x8x128xf32, #tpu.memory_space<vmem>>
    %dma_start3A_413 = tpu.memref_squeeze %dma_start3A_412 : memref<1x8x128xf32, #tpu.memory_space<vmem>> -> memref<8x128xf32, #tpu.memory_space<vmem>>
    %dma_start3A_414 = arith.constant 24 : i32
    %dma_start3A_415 = tpu.memref_slice %arg3[%dma_start3A_414, %multiple_of3A_363] : memref<32x1000000xf32, #tpu.memory_space<hbm>> -> memref<8x128xf32, #tpu.memory_space<hbm>>
    tpu.enqueue_dma source(%dma_start3A_415 : memref<8x128xf32, #tpu.memory_space<hbm>>) target(%dma_start3A_413 : memref<8x128xf32, #tpu.memory_space<vmem>>) target_semaphore(%arg13 : memref<!tpu.dma_semaphore, #tpu.memory_space<semaphore_mem>>)
    %get3A_416 = arith.constant 5 : index
    %get3A_417 = tpu.vector_load %arg5[%get3A_416] {strides = array<i32>} : memref<528xi32, #tpu.memory_space<vmem>>, vector<16xi32>,
    %slice3A_418 = vector.extract_strided_slice %get3A_417 {offsets = [0], sizes = [1], strides = [1]} : vector<16xi32> to vector<1xi32>
    %squeeze3A_419 = vector.extract %slice3A_418[0] : i32 from vector<1xi32>
    %jit3A_420 = arith.constant 128 : i32
    %div3A_421 = arith.divsi %squeeze3A_419, %jit3A_420 : i32
    %sign3A_422 = arith.constant 0 : i32
    %sign3A_423 = arith.cmpi sgt, %squeeze3A_419, %sign3A_422 : i32
    %sign3A_424 = arith.extui %sign3A_423 : i1 to i32
    %sign3A_425 = arith.constant 0 : i32
    %sign3A_426 = arith.cmpi slt, %squeeze3A_419, %sign3A_425 : i32
    %sign3A_427 = arith.extui %sign3A_426 : i1 to i32
    %sign3A_428 = arith.subi %sign3A_424, %sign3A_427 : i32
    %sign3A_429 = arith.constant 0 : i32
    %sign3A_430 = arith.cmpi sgt, %jit3A_420, %sign3A_429 : i32
    %sign3A_431 = arith.extui %sign3A_430 : i1 to i32
    %sign3A_432 = arith.constant 0 : i32
    %sign3A_433 = arith.cmpi slt, %jit3A_420, %sign3A_432 : i32
    %sign3A_434 = arith.extui %sign3A_433 : i1 to i32
    %sign3A_435 = arith.subi %sign3A_431, %sign3A_434 : i32
    %ne3A_436 = arith.cmpi ne, %sign3A_428, %sign3A_435 : i32
    %rem3A_437 = arith.remsi %squeeze3A_419, %jit3A_420 : i32
    %ne3A_438 = arith.constant 0 : i32
    %ne3A_439 = arith.cmpi ne, %rem3A_437, %ne3A_438 : i32
    %and3A_440 = arith.andi %ne3A_436, %ne3A_439 : i1
    %sub3A_441 = arith.constant 1 : i32
    %sub3A_442 = arith.subi %div3A_421, %sub3A_441 : i32
    %select_n3A_443 = arith.select %and3A_440, %sub3A_442, %div3A_421 : i32
    %mul3A_444 = arith.constant 128 : i32
    %mul3A_445 = arith.muli %select_n3A_443, %mul3A_444 : i32
    %multiple_of3A_446 = tpu.assume_multiple %mul3A_445, 128 : i32
    %dma_start3A_447 = arith.constant 5 : i32
    %dma_start3A_448 = arith.constant 0 : i32
    %dma_start3A_449 = arith.constant 0 : i32
    %dma_start3A_450 = tpu.memref_slice %arg6[%dma_start3A_447, %dma_start3A_448, %dma_start3A_449] : memref<8x32x128xf32, #tpu.memory_space<vmem>> -> memref<1x8x128xf32, #tpu.memory_space<vmem>>
    %dma_start3A_451 = tpu.memref_squeeze %dma_start3A_450 : memref<1x8x128xf32, #tpu.memory_space<vmem>> -> memref<8x128xf32, #tpu.memory_space<vmem>>
    %dma_start3A_452 = arith.constant 0 : i32
    %dma_start3A_453 = tpu.memref_slice %arg3[%dma_start3A_452, %multiple_of3A_446] : memref<32x1000000xf32, #tpu.memory_space<hbm>> -> memref<8x128xf32, #tpu.memory_space<hbm>>
    %dma_start3A_454 = arith.constant 0 : i32
    %dma_start3A_455 = arith.constant 0 : i32
    %dma_start3A_456 = tpu.memref_slice %arg6[%dma_start3A_447, %dma_start3A_454, %dma_start3A_455] : memref<8x32x128xf32, #tpu.memory_space<vmem>> -> memref<1x8x128xf32, #tpu.memory_space<vmem>>
    %dma_start3A_457 = tpu.memref_squeeze %dma_start3A_456 : memref<1x8x128xf32, #tpu.memory_space<vmem>> -> memref<8x128xf32, #tpu.memory_space<vmem>>
    %dma_start3A_458 = arith.constant 0 : i32
    %dma_start3A_459 = tpu.memref_slice %arg3[%dma_start3A_458, %multiple_of3A_446] : memref<32x1000000xf32, #tpu.memory_space<hbm>> -> memref<8x128xf32, #tpu.memory_space<hbm>>
    tpu.enqueue_dma source(%dma_start3A_459 : memref<8x128xf32, #tpu.memory_space<hbm>>) target(%dma_start3A_457 : memref<8x128xf32, #tpu.memory_space<vmem>>) target_semaphore(%arg14 : memref<!tpu.dma_semaphore, #tpu.memory_space<semaphore_mem>>)
    %dma_start3A_460 = arith.constant 5 : i32
    %dma_start3A_461 = arith.constant 8 : i32
    %dma_start3A_462 = arith.constant 0 : i32
    %dma_start3A_463 = tpu.memref_slice %arg6[%dma_start3A_460, %dma_start3A_461, %dma_start3A_462] : memref<8x32x128xf32, #tpu.memory_space<vmem>> -> memref<1x8x128xf32, #tpu.memory_space<vmem>>
    %dma_start3A_464 = tpu.memref_squeeze %dma_start3A_463 : memref<1x8x128xf32, #tpu.memory_space<vmem>> -> memref<8x128xf32, #tpu.memory_space<vmem>>
    %dma_start3A_465 = arith.constant 8 : i32
    %dma_start3A_466 = tpu.memref_slice %arg3[%dma_start3A_465, %multiple_of3A_446] : memref<32x1000000xf32, #tpu.memory_space<hbm>> -> memref<8x128xf32, #tpu.memory_space<hbm>>
    %dma_start3A_467 = arith.constant 8 : i32
    %dma_start3A_468 = arith.constant 0 : i32
    %dma_start3A_469 = tpu.memref_slice %arg6[%dma_start3A_460, %dma_start3A_467, %dma_start3A_468] : memref<8x32x128xf32, #tpu.memory_space<vmem>> -> memref<1x8x128xf32, #tpu.memory_space<vmem>>
    %dma_start3A_470 = tpu.memref_squeeze %dma_start3A_469 : memref<1x8x128xf32, #tpu.memory_space<vmem>> -> memref<8x128xf32, #tpu.memory_space<vmem>>
    %dma_start3A_471 = arith.constant 8 : i32
    %dma_start3A_472 = tpu.memref_slice %arg3[%dma_start3A_471, %multiple_of3A_446] : memref<32x1000000xf32, #tpu.memory_space<hbm>> -> memref<8x128xf32, #tpu.memory_space<hbm>>
    tpu.enqueue_dma source(%dma_start3A_472 : memref<8x128xf32, #tpu.memory_space<hbm>>) target(%dma_start3A_470 : memref<8x128xf32, #tpu.memory_space<vmem>>) target_semaphore(%arg14 : memref<!tpu.dma_semaphore, #tpu.memory_space<semaphore_mem>>)
    %dma_start3A_473 = arith.constant 5 : i32
    %dma_start3A_474 = arith.constant 16 : i32
    %dma_start3A_475 = arith.constant 0 : i32
    %dma_start3A_476 = tpu.memref_slice %arg6[%dma_start3A_473, %dma_start3A_474, %dma_start3A_475] : memref<8x32x128xf32, #tpu.memory_space<vmem>> -> memref<1x8x128xf32, #tpu.memory_space<vmem>>
    %dma_start3A_477 = tpu.memref_squeeze %dma_start3A_476 : memref<1x8x128xf32, #tpu.memory_space<vmem>> -> memref<8x128xf32, #tpu.memory_space<vmem>>
    %dma_start3A_478 = arith.constant 16 : i32
    %dma_start3A_479 = tpu.memref_slice %arg3[%dma_start3A_478, %multiple_of3A_446] : memref<32x1000000xf32, #tpu.memory_space<hbm>> -> memref<8x128xf32, #tpu.memory_space<hbm>>
    %dma_start3A_480 = arith.constant 16 : i32
    %dma_start3A_481 = arith.constant 0 : i32
    %dma_start3A_482 = tpu.memref_slice %arg6[%dma_start3A_473, %dma_start3A_480, %dma_start3A_481] : memref<8x32x128xf32, #tpu.memory_space<vmem>> -> memref<1x8x128xf32, #tpu.memory_space<vmem>>
    %dma_start3A_483 = tpu.memref_squeeze %dma_start3A_482 : memref<1x8x128xf32, #tpu.memory_space<vmem>> -> memref<8x128xf32, #tpu.memory_space<vmem>>
    %dma_start3A_484 = arith.constant 16 : i32
    %dma_start3A_485 = tpu.memref_slice %arg3[%dma_start3A_484, %multiple_of3A_446] : memref<32x1000000xf32, #tpu.memory_space<hbm>> -> memref<8x128xf32, #tpu.memory_space<hbm>>
    tpu.enqueue_dma source(%dma_start3A_485 : memref<8x128xf32, #tpu.memory_space<hbm>>) target(%dma_start3A_483 : memref<8x128xf32, #tpu.memory_space<vmem>>) target_semaphore(%arg14 : memref<!tpu.dma_semaphore, #tpu.memory_space<semaphore_mem>>)
    %dma_start3A_486 = arith.constant 5 : i32
    %dma_start3A_487 = arith.constant 24 : i32
    %dma_start3A_488 = arith.constant 0 : i32
    %dma_start3A_489 = tpu.memref_slice %arg6[%dma_start3A_486, %dma_start3A_487, %dma_start3A_488] : memref<8x32x128xf32, #tpu.memory_space<vmem>> -> memref<1x8x128xf32, #tpu.memory_space<vmem>>
    %dma_start3A_490 = tpu.memref_squeeze %dma_start3A_489 : memref<1x8x128xf32, #tpu.memory_space<vmem>> -> memref<8x128xf32, #tpu.memory_space<vmem>>
    %dma_start3A_491 = arith.constant 24 : i32
    %dma_start3A_492 = tpu.memref_slice %arg3[%dma_start3A_491, %multiple_of3A_446] : memref<32x1000000xf32, #tpu.memory_space<hbm>> -> memref<8x128xf32, #tpu.memory_space<hbm>>
    %dma_start3A_493 = arith.constant 24 : i32
    %dma_start3A_494 = arith.constant 0 : i32
    %dma_start3A_495 = tpu.memref_slice %arg6[%dma_start3A_486, %dma_start3A_493, %dma_start3A_494] : memref<8x32x128xf32, #tpu.memory_space<vmem>> -> memref<1x8x128xf32, #tpu.memory_space<vmem>>
    %dma_start3A_496 = tpu.memref_squeeze %dma_start3A_495 : memref<1x8x128xf32, #tpu.memory_space<vmem>> -> memref<8x128xf32, #tpu.memory_space<vmem>>
    %dma_start3A_497 = arith.constant 24 : i32
    %dma_start3A_498 = tpu.memref_slice %arg3[%dma_start3A_497, %multiple_of3A_446] : memref<32x1000000xf32, #tpu.memory_space<hbm>> -> memref<8x128xf32, #tpu.memory_space<hbm>>
    tpu.enqueue_dma source(%dma_start3A_498 : memref<8x128xf32, #tpu.memory_space<hbm>>) target(%dma_start3A_496 : memref<8x128xf32, #tpu.memory_space<vmem>>) target_semaphore(%arg14 : memref<!tpu.dma_semaphore, #tpu.memory_space<semaphore_mem>>)
    %get3A_499 = arith.constant 6 : index
    %get3A_500 = tpu.vector_load %arg5[%get3A_499] {strides = array<i32>} : memref<528xi32, #tpu.memory_space<vmem>>, vector<16xi32>,
    %slice3A_501 = vector.extract_strided_slice %get3A_500 {offsets = [0], sizes = [1], strides = [1]} : vector<16xi32> to vector<1xi32>
    %squeeze3A_502 = vector.extract %slice3A_501[0] : i32 from vector<1xi32>
    %jit3A_503 = arith.constant 128 : i32
    %div3A_504 = arith.divsi %squeeze3A_502, %jit3A_503 : i32
    %sign3A_505 = arith.constant 0 : i32
    %sign3A_506 = arith.cmpi sgt, %squeeze3A_502, %sign3A_505 : i32
    %sign3A_507 = arith.extui %sign3A_506 : i1 to i32
    %sign3A_508 = arith.constant 0 : i32
    %sign3A_509 = arith.cmpi slt, %squeeze3A_502, %sign3A_508 : i32
    %sign3A_510 = arith.extui %sign3A_509 : i1 to i32
    %sign3A_511 = arith.subi %sign3A_507, %sign3A_510 : i32
    %sign3A_512 = arith.constant 0 : i32
    %sign3A_513 = arith.cmpi sgt, %jit3A_503, %sign3A_512 : i32
    %sign3A_514 = arith.extui %sign3A_513 : i1 to i32
    %sign3A_515 = arith.constant 0 : i32
    %sign3A_516 = arith.cmpi slt, %jit3A_503, %sign3A_515 : i32
    %sign3A_517 = arith.extui %sign3A_516 : i1 to i32
    %sign3A_518 = arith.subi %sign3A_514, %sign3A_517 : i32
    %ne3A_519 = arith.cmpi ne, %sign3A_511, %sign3A_518 : i32
    %rem3A_520 = arith.remsi %squeeze3A_502, %jit3A_503 : i32
    %ne3A_521 = arith.constant 0 : i32
    %ne3A_522 = arith.cmpi ne, %rem3A_520, %ne3A_521 : i32
    %and3A_523 = arith.andi %ne3A_519, %ne3A_522 : i1
    %sub3A_524 = arith.constant 1 : i32
    %sub3A_525 = arith.subi %div3A_504, %sub3A_524 : i32
    %select_n3A_526 = arith.select %and3A_523, %sub3A_525, %div3A_504 : i32
    %mul3A_527 = arith.constant 128 : i32
    %mul3A_528 = arith.muli %select_n3A_526, %mul3A_527 : i32
    %multiple_of3A_529 = tpu.assume_multiple %mul3A_528, 128 : i32
    %dma_start3A_530 = arith.constant 6 : i32
    %dma_start3A_531 = arith.constant 0 : i32
    %dma_start3A_532 = arith.constant 0 : i32
    %dma_start3A_533 = tpu.memref_slice %arg6[%dma_start3A_530, %dma_start3A_531, %dma_start3A_532] : memref<8x32x128xf32, #tpu.memory_space<vmem>> -> memref<1x8x128xf32, #tpu.memory_space<vmem>>
    %dma_start3A_534 = tpu.memref_squeeze %dma_start3A_533 : memref<1x8x128xf32, #tpu.memory_space<vmem>> -> memref<8x128xf32, #tpu.memory_space<vmem>>
    %dma_start3A_535 = arith.constant 0 : i32
    %dma_start3A_536 = tpu.memref_slice %arg3[%dma_start3A_535, %multiple_of3A_529] : memref<32x1000000xf32, #tpu.memory_space<hbm>> -> memref<8x128xf32, #tpu.memory_space<hbm>>
    %dma_start3A_537 = arith.constant 0 : i32
    %dma_start3A_538 = arith.constant 0 : i32
    %dma_start3A_539 = tpu.memref_slice %arg6[%dma_start3A_530, %dma_start3A_537, %dma_start3A_538] : memref<8x32x128xf32, #tpu.memory_space<vmem>> -> memref<1x8x128xf32, #tpu.memory_space<vmem>>
    %dma_start3A_540 = tpu.memref_squeeze %dma_start3A_539 : memref<1x8x128xf32, #tpu.memory_space<vmem>> -> memref<8x128xf32, #tpu.memory_space<vmem>>
    %dma_start3A_541 = arith.constant 0 : i32
    %dma_start3A_542 = tpu.memref_slice %arg3[%dma_start3A_541, %multiple_of3A_529] : memref<32x1000000xf32, #tpu.memory_space<hbm>> -> memref<8x128xf32, #tpu.memory_space<hbm>>
    tpu.enqueue_dma source(%dma_start3A_542 : memref<8x128xf32, #tpu.memory_space<hbm>>) target(%dma_start3A_540 : memref<8x128xf32, #tpu.memory_space<vmem>>) target_semaphore(%arg15 : memref<!tpu.dma_semaphore, #tpu.memory_space<semaphore_mem>>)
    %dma_start3A_543 = arith.constant 6 : i32
    %dma_start3A_544 = arith.constant 8 : i32
    %dma_start3A_545 = arith.constant 0 : i32
    %dma_start3A_546 = tpu.memref_slice %arg6[%dma_start3A_543, %dma_start3A_544, %dma_start3A_545] : memref<8x32x128xf32, #tpu.memory_space<vmem>> -> memref<1x8x128xf32, #tpu.memory_space<vmem>>
    %dma_start3A_547 = tpu.memref_squeeze %dma_start3A_546 : memref<1x8x128xf32, #tpu.memory_space<vmem>> -> memref<8x128xf32, #tpu.memory_space<vmem>>
    %dma_start3A_548 = arith.constant 8 : i32
    %dma_start3A_549 = tpu.memref_slice %arg3[%dma_start3A_548, %multiple_of3A_529] : memref<32x1000000xf32, #tpu.memory_space<hbm>> -> memref<8x128xf32, #tpu.memory_space<hbm>>
    %dma_start3A_550 = arith.constant 8 : i32
    %dma_start3A_551 = arith.constant 0 : i32
    %dma_start3A_552 = tpu.memref_slice %arg6[%dma_start3A_543, %dma_start3A_550, %dma_start3A_551] : memref<8x32x128xf32, #tpu.memory_space<vmem>> -> memref<1x8x128xf32, #tpu.memory_space<vmem>>
    %dma_start3A_553 = tpu.memref_squeeze %dma_start3A_552 : memref<1x8x128xf32, #tpu.memory_space<vmem>> -> memref<8x128xf32, #tpu.memory_space<vmem>>
    %dma_start3A_554 = arith.constant 8 : i32
    %dma_start3A_555 = tpu.memref_slice %arg3[%dma_start3A_554, %multiple_of3A_529] : memref<32x1000000xf32, #tpu.memory_space<hbm>> -> memref<8x128xf32, #tpu.memory_space<hbm>>
    tpu.enqueue_dma source(%dma_start3A_555 : memref<8x128xf32, #tpu.memory_space<hbm>>) target(%dma_start3A_553 : memref<8x128xf32, #tpu.memory_space<vmem>>) target_semaphore(%arg15 : memref<!tpu.dma_semaphore, #tpu.memory_space<semaphore_mem>>)
    %dma_start3A_556 = arith.constant 6 : i32
    %dma_start3A_557 = arith.constant 16 : i32
    %dma_start3A_558 = arith.constant 0 : i32
    %dma_start3A_559 = tpu.memref_slice %arg6[%dma_start3A_556, %dma_start3A_557, %dma_start3A_558] : memref<8x32x128xf32, #tpu.memory_space<vmem>> -> memref<1x8x128xf32, #tpu.memory_space<vmem>>
    %dma_start3A_560 = tpu.memref_squeeze %dma_start3A_559 : memref<1x8x128xf32, #tpu.memory_space<vmem>> -> memref<8x128xf32, #tpu.memory_space<vmem>>
    %dma_start3A_561 = arith.constant 16 : i32
    %dma_start3A_562 = tpu.memref_slice %arg3[%dma_start3A_561, %multiple_of3A_529] : memref<32x1000000xf32, #tpu.memory_space<hbm>> -> memref<8x128xf32, #tpu.memory_space<hbm>>
    %dma_start3A_563 = arith.constant 16 : i32
    %dma_start3A_564 = arith.constant 0 : i32
    %dma_start3A_565 = tpu.memref_slice %arg6[%dma_start3A_556, %dma_start3A_563, %dma_start3A_564] : memref<8x32x128xf32, #tpu.memory_space<vmem>> -> memref<1x8x128xf32, #tpu.memory_space<vmem>>
    %dma_start3A_566 = tpu.memref_squeeze %dma_start3A_565 : memref<1x8x128xf32, #tpu.memory_space<vmem>> -> memref<8x128xf32, #tpu.memory_space<vmem>>
    %dma_start3A_567 = arith.constant 16 : i32
    %dma_start3A_568 = tpu.memref_slice %arg3[%dma_start3A_567, %multiple_of3A_529] : memref<32x1000000xf32, #tpu.memory_space<hbm>> -> memref<8x128xf32, #tpu.memory_space<hbm>>
    tpu.enqueue_dma source(%dma_start3A_568 : memref<8x128xf32, #tpu.memory_space<hbm>>) target(%dma_start3A_566 : memref<8x128xf32, #tpu.memory_space<vmem>>) target_semaphore(%arg15 : memref<!tpu.dma_semaphore, #tpu.memory_space<semaphore_mem>>)
    %dma_start3A_569 = arith.constant 6 : i32
    %dma_start3A_570 = arith.constant 24 : i32
    %dma_start3A_571 = arith.constant 0 : i32
    %dma_start3A_572 = tpu.memref_slice %arg6[%dma_start3A_569, %dma_start3A_570, %dma_start3A_571] : memref<8x32x128xf32, #tpu.memory_space<vmem>> -> memref<1x8x128xf32, #tpu.memory_space<vmem>>
    %dma_start3A_573 = tpu.memref_squeeze %dma_start3A_572 : memref<1x8x128xf32, #tpu.memory_space<vmem>> -> memref<8x128xf32, #tpu.memory_space<vmem>>
    %dma_start3A_574 = arith.constant 24 : i32
    %dma_start3A_575 = tpu.memref_slice %arg3[%dma_start3A_574, %multiple_of3A_529] : memref<32x1000000xf32, #tpu.memory_space<hbm>> -> memref<8x128xf32, #tpu.memory_space<hbm>>
    %dma_start3A_576 = arith.constant 24 : i32
    %dma_start3A_577 = arith.constant 0 : i32
    %dma_start3A_578 = tpu.memref_slice %arg6[%dma_start3A_569, %dma_start3A_576, %dma_start3A_577] : memref<8x32x128xf32, #tpu.memory_space<vmem>> -> memref<1x8x128xf32, #tpu.memory_space<vmem>>
    %dma_start3A_579 = tpu.memref_squeeze %dma_start3A_578 : memref<1x8x128xf32, #tpu.memory_space<vmem>> -> memref<8x128xf32, #tpu.memory_space<vmem>>
    %dma_start3A_580 = arith.constant 24 : i32
    %dma_start3A_581 = tpu.memref_slice %arg3[%dma_start3A_580, %multiple_of3A_529] : memref<32x1000000xf32, #tpu.memory_space<hbm>> -> memref<8x128xf32, #tpu.memory_space<hbm>>
    tpu.enqueue_dma source(%dma_start3A_581 : memref<8x128xf32, #tpu.memory_space<hbm>>) target(%dma_start3A_579 : memref<8x128xf32, #tpu.memory_space<vmem>>) target_semaphore(%arg15 : memref<!tpu.dma_semaphore, #tpu.memory_space<semaphore_mem>>)
    %get3A_582 = arith.constant 7 : index
    %get3A_583 = tpu.vector_load %arg5[%get3A_582] {strides = array<i32>} : memref<528xi32, #tpu.memory_space<vmem>>, vector<16xi32>,
    %slice3A_584 = vector.extract_strided_slice %get3A_583 {offsets = [0], sizes = [1], strides = [1]} : vector<16xi32> to vector<1xi32>
    %squeeze3A_585 = vector.extract %slice3A_584[0] : i32 from vector<1xi32>
    %jit3A_586 = arith.constant 128 : i32
    %div3A_587 = arith.divsi %squeeze3A_585, %jit3A_586 : i32
    %sign3A_588 = arith.constant 0 : i32
    %sign3A_589 = arith.cmpi sgt, %squeeze3A_585, %sign3A_588 : i32
    %sign3A_590 = arith.extui %sign3A_589 : i1 to i32
    %sign3A_591 = arith.constant 0 : i32
    %sign3A_592 = arith.cmpi slt, %squeeze3A_585, %sign3A_591 : i32
    %sign3A_593 = arith.extui %sign3A_592 : i1 to i32
    %sign3A_594 = arith.subi %sign3A_590, %sign3A_593 : i32
    %sign3A_595 = arith.constant 0 : i32
    %sign3A_596 = arith.cmpi sgt, %jit3A_586, %sign3A_595 : i32
    %sign3A_597 = arith.extui %sign3A_596 : i1 to i32
    %sign3A_598 = arith.constant 0 : i32
    %sign3A_599 = arith.cmpi slt, %jit3A_586, %sign3A_598 : i32
    %sign3A_600 = arith.extui %sign3A_599 : i1 to i32
    %sign3A_601 = arith.subi %sign3A_597, %sign3A_600 : i32
    %ne3A_602 = arith.cmpi ne, %sign3A_594, %sign3A_601 : i32
    %rem3A_603 = arith.remsi %squeeze3A_585, %jit3A_586 : i32
    %ne3A_604 = arith.constant 0 : i32
    %ne3A_605 = arith.cmpi ne, %rem3A_603, %ne3A_604 : i32
    %and3A_606 = arith.andi %ne3A_602, %ne3A_605 : i1
    %sub3A_607 = arith.constant 1 : i32
    %sub3A_608 = arith.subi %div3A_587, %sub3A_607 : i32
    %select_n3A_609 = arith.select %and3A_606, %sub3A_608, %div3A_587 : i32
    %mul3A_610 = arith.constant 128 : i32
    %mul3A_611 = arith.muli %select_n3A_609, %mul3A_610 : i32
    %multiple_of3A_612 = tpu.assume_multiple %mul3A_611, 128 : i32
    %dma_start3A_613 = arith.constant 7 : i32
    %dma_start3A_614 = arith.constant 0 : i32
    %dma_start3A_615 = arith.constant 0 : i32
    %dma_start3A_616 = tpu.memref_slice %arg6[%dma_start3A_613, %dma_start3A_614, %dma_start3A_615] : memref<8x32x128xf32, #tpu.memory_space<vmem>> -> memref<1x8x128xf32, #tpu.memory_space<vmem>>
    %dma_start3A_617 = tpu.memref_squeeze %dma_start3A_616 : memref<1x8x128xf32, #tpu.memory_space<vmem>> -> memref<8x128xf32, #tpu.memory_space<vmem>>
    %dma_start3A_618 = arith.constant 0 : i32
    %dma_start3A_619 = tpu.memref_slice %arg3[%dma_start3A_618, %multiple_of3A_612] : memref<32x1000000xf32, #tpu.memory_space<hbm>> -> memref<8x128xf32, #tpu.memory_space<hbm>>
    %dma_start3A_620 = arith.constant 0 : i32
    %dma_start3A_621 = arith.constant 0 : i32
    %dma_start3A_622 = tpu.memref_slice %arg6[%dma_start3A_613, %dma_start3A_620, %dma_start3A_621] : memref<8x32x128xf32, #tpu.memory_space<vmem>> -> memref<1x8x128xf32, #tpu.memory_space<vmem>>
    %dma_start3A_623 = tpu.memref_squeeze %dma_start3A_622 : memref<1x8x128xf32, #tpu.memory_space<vmem>> -> memref<8x128xf32, #tpu.memory_space<vmem>>
    %dma_start3A_624 = arith.constant 0 : i32
    %dma_start3A_625 = tpu.memref_slice %arg3[%dma_start3A_624, %multiple_of3A_612] : memref<32x1000000xf32, #tpu.memory_space<hbm>> -> memref<8x128xf32, #tpu.memory_space<hbm>>
    tpu.enqueue_dma source(%dma_start3A_625 : memref<8x128xf32, #tpu.memory_space<hbm>>) target(%dma_start3A_623 : memref<8x128xf32, #tpu.memory_space<vmem>>) target_semaphore(%arg16 : memref<!tpu.dma_semaphore, #tpu.memory_space<semaphore_mem>>)
    %dma_start3A_626 = arith.constant 7 : i32
    %dma_start3A_627 = arith.constant 8 : i32
    %dma_start3A_628 = arith.constant 0 : i32
    %dma_start3A_629 = tpu.memref_slice %arg6[%dma_start3A_626, %dma_start3A_627, %dma_start3A_628] : memref<8x32x128xf32, #tpu.memory_space<vmem>> -> memref<1x8x128xf32, #tpu.memory_space<vmem>>
    %dma_start3A_630 = tpu.memref_squeeze %dma_start3A_629 : memref<1x8x128xf32, #tpu.memory_space<vmem>> -> memref<8x128xf32, #tpu.memory_space<vmem>>
    %dma_start3A_631 = arith.constant 8 : i32
    %dma_start3A_632 = tpu.memref_slice %arg3[%dma_start3A_631, %multiple_of3A_612] : memref<32x1000000xf32, #tpu.memory_space<hbm>> -> memref<8x128xf32, #tpu.memory_space<hbm>>
    %dma_start3A_633 = arith.constant 8 : i32
    %dma_start3A_634 = arith.constant 0 : i32
    %dma_start3A_635 = tpu.memref_slice %arg6[%dma_start3A_626, %dma_start3A_633, %dma_start3A_634] : memref<8x32x128xf32, #tpu.memory_space<vmem>> -> memref<1x8x128xf32, #tpu.memory_space<vmem>>
    %dma_start3A_636 = tpu.memref_squeeze %dma_start3A_635 : memref<1x8x128xf32, #tpu.memory_space<vmem>> -> memref<8x128xf32, #tpu.memory_space<vmem>>
    %dma_start3A_637 = arith.constant 8 : i32
    %dma_start3A_638 = tpu.memref_slice %arg3[%dma_start3A_637, %multiple_of3A_612] : memref<32x1000000xf32, #tpu.memory_space<hbm>> -> memref<8x128xf32, #tpu.memory_space<hbm>>
    tpu.enqueue_dma source(%dma_start3A_638 : memref<8x128xf32, #tpu.memory_space<hbm>>) target(%dma_start3A_636 : memref<8x128xf32, #tpu.memory_space<vmem>>) target_semaphore(%arg16 : memref<!tpu.dma_semaphore, #tpu.memory_space<semaphore_mem>>)
    %dma_start3A_639 = arith.constant 7 : i32
    %dma_start3A_640 = arith.constant 16 : i32
    %dma_start3A_641 = arith.constant 0 : i32
    %dma_start3A_642 = tpu.memref_slice %arg6[%dma_start3A_639, %dma_start3A_640, %dma_start3A_641] : memref<8x32x128xf32, #tpu.memory_space<vmem>> -> memref<1x8x128xf32, #tpu.memory_space<vmem>>
    %dma_start3A_643 = tpu.memref_squeeze %dma_start3A_642 : memref<1x8x128xf32, #tpu.memory_space<vmem>> -> memref<8x128xf32, #tpu.memory_space<vmem>>
    %dma_start3A_644 = arith.constant 16 : i32
    %dma_start3A_645 = tpu.memref_slice %arg3[%dma_start3A_644, %multiple_of3A_612] : memref<32x1000000xf32, #tpu.memory_space<hbm>> -> memref<8x128xf32, #tpu.memory_space<hbm>>
    %dma_start3A_646 = arith.constant 16 : i32
    %dma_start3A_647 = arith.constant 0 : i32
    %dma_start3A_648 = tpu.memref_slice %arg6[%dma_start3A_639, %dma_start3A_646, %dma_start3A_647] : memref<8x32x128xf32, #tpu.memory_space<vmem>> -> memref<1x8x128xf32, #tpu.memory_space<vmem>>
    %dma_start3A_649 = tpu.memref_squeeze %dma_start3A_648 : memref<1x8x128xf32, #tpu.memory_space<vmem>> -> memref<8x128xf32, #tpu.memory_space<vmem>>
    %dma_start3A_650 = arith.constant 16 : i32
    %dma_start3A_651 = tpu.memref_slice %arg3[%dma_start3A_650, %multiple_of3A_612] : memref<32x1000000xf32, #tpu.memory_space<hbm>> -> memref<8x128xf32, #tpu.memory_space<hbm>>
    tpu.enqueue_dma source(%dma_start3A_651 : memref<8x128xf32, #tpu.memory_space<hbm>>) target(%dma_start3A_649 : memref<8x128xf32, #tpu.memory_space<vmem>>) target_semaphore(%arg16 : memref<!tpu.dma_semaphore, #tpu.memory_space<semaphore_mem>>)
    %dma_start3A_652 = arith.constant 7 : i32
    %dma_start3A_653 = arith.constant 24 : i32
    %dma_start3A_654 = arith.constant 0 : i32
    %dma_start3A_655 = tpu.memref_slice %arg6[%dma_start3A_652, %dma_start3A_653, %dma_start3A_654] : memref<8x32x128xf32, #tpu.memory_space<vmem>> -> memref<1x8x128xf32, #tpu.memory_space<vmem>>
    %dma_start3A_656 = tpu.memref_squeeze %dma_start3A_655 : memref<1x8x128xf32, #tpu.memory_space<vmem>> -> memref<8x128xf32, #tpu.memory_space<vmem>>
    %dma_start3A_657 = arith.constant 24 : i32
    %dma_start3A_658 = tpu.memref_slice %arg3[%dma_start3A_657, %multiple_of3A_612] : memref<32x1000000xf32, #tpu.memory_space<hbm>> -> memref<8x128xf32, #tpu.memory_space<hbm>>
    %dma_start3A_659 = arith.constant 24 : i32
    %dma_start3A_660 = arith.constant 0 : i32
    %dma_start3A_661 = tpu.memref_slice %arg6[%dma_start3A_652, %dma_start3A_659, %dma_start3A_660] : memref<8x32x128xf32, #tpu.memory_space<vmem>> -> memref<1x8x128xf32, #tpu.memory_space<vmem>>
    %dma_start3A_662 = tpu.memref_squeeze %dma_start3A_661 : memref<1x8x128xf32, #tpu.memory_space<vmem>> -> memref<8x128xf32, #tpu.memory_space<vmem>>
    %dma_start3A_663 = arith.constant 24 : i32
    %dma_start3A_664 = tpu.memref_slice %arg3[%dma_start3A_663, %multiple_of3A_612] : memref<32x1000000xf32, #tpu.memory_space<hbm>> -> memref<8x128xf32, #tpu.memory_space<hbm>>
    tpu.enqueue_dma source(%dma_start3A_664 : memref<8x128xf32, #tpu.memory_space<hbm>>) target(%dma_start3A_662 : memref<8x128xf32, #tpu.memory_space<vmem>>) target_semaphore(%arg16 : memref<!tpu.dma_semaphore, #tpu.memory_space<semaphore_mem>>)
    %scan3A = arith.constant 0 : i32
    %scan3A_665 = arith.constant 0 : i32
    %scan3A_666 = arith.constant 63 : i32
    %scan3A_667 = arith.addi %scan3A_665, %scan3A_666 : i32
    %scan3A_668 = arith.constant 1 : i32
    scf.for %scan3A_1098 = %scan3A_665 to %scan3A_667 step %scan3A_668  : i32 {
      %mul3A_1099 = arith.constant 8 : i32
      %mul3A_1100 = arith.muli %scan3A_1098, %mul3A_1099 : i32
      %add3A_1101 = arith.constant 0 : i32
      %add3A_1102 = arith.addi %mul3A_1100, %add3A_1101 : i32
      %dma_wait3A_1103 = arith.constant 0 : i32
      %dma_wait3A_1104 = arith.constant 0 : i32
      %dma_wait3A_1105 = arith.constant 0 : i32
      %dma_wait3A_1106 = tpu.memref_slice %arg6[%dma_wait3A_1103, %dma_wait3A_1104, %dma_wait3A_1105] : memref<8x32x128xf32, #tpu.memory_space<vmem>> -> memref<1x32x128xf32, #tpu.memory_space<vmem>>
      %dma_wait3A_1107 = tpu.memref_squeeze %dma_wait3A_1106 : memref<1x32x128xf32, #tpu.memory_space<vmem>> -> memref<32x128xf32, #tpu.memory_space<vmem>>
      %dma_wait3A_1108 = arith.constant 0 : i32
      %dma_wait3A_1109 = arith.constant 0 : i32
      %dma_wait3A_1110 = tpu.memref_slice %arg3[%dma_wait3A_1108, %dma_wait3A_1109] : memref<32x1000000xf32, #tpu.memory_space<hbm>> -> memref<32x128xf32, #tpu.memory_space<hbm>>
      %dma_wait3A_1111 = arith.constant 0 : i32
      %dma_wait3A_1112 = arith.constant 0 : i32
      %dma_wait3A_1113 = tpu.memref_slice %arg6[%dma_wait3A_1103, %dma_wait3A_1111, %dma_wait3A_1112] : memref<8x32x128xf32, #tpu.memory_space<vmem>> -> memref<1x32x128xf32, #tpu.memory_space<vmem>>
      %dma_wait3A_1114 = tpu.memref_squeeze %dma_wait3A_1113 : memref<1x32x128xf32, #tpu.memory_space<vmem>> -> memref<32x128xf32, #tpu.memory_space<vmem>>
      %dma_wait3A_1115 = arith.constant 0 : i32
      %dma_wait3A_1116 = arith.constant 0 : i32
      %dma_wait3A_1117 = tpu.memref_slice %arg3[%dma_wait3A_1115, %dma_wait3A_1116] : memref<32x1000000xf32, #tpu.memory_space<hbm>> -> memref<32x128xf32, #tpu.memory_space<hbm>>
      tpu.wait_dma2 semaphore(%arg9 : memref<!tpu.dma_semaphore, #tpu.memory_space<semaphore_mem>>) src(%dma_wait3A_1117 : memref<32x128xf32, #tpu.memory_space<hbm>>) dst(%dma_wait3A_1114 : memref<32x128xf32, #tpu.memory_space<vmem>>)
      %get3A_1118 = arith.index_cast %add3A_1102 : i32 to index
      %get3A_1119 = tpu.vector_load %arg5[%get3A_1118] {strides = array<i32>} : memref<528xi32, #tpu.memory_space<vmem>>, vector<16xi32>,
      %slice3A_1120 = vector.extract_strided_slice %get3A_1119 {offsets = [0], sizes = [1], strides = [1]} : vector<16xi32> to vector<1xi32>
      %squeeze3A_1121 = vector.extract %slice3A_1120[0] : i32 from vector<1xi32>
      %broadcast_in_dim3A_1122 = arith.constant 0 : i32
      %broadcast_in_dim3A_1123 = vector.broadcast %broadcast_in_dim3A_1122 : i32 to vector<16xi32>
      %jit3A_1124 = arith.constant 128 : i32
      %eq3A_1125 = arith.constant 0 : i32
      %eq3A_1126 = arith.cmpi eq, %jit3A_1124, %eq3A_1125 : i32
      %jit3A_1127 = arith.constant 1 : i32
      %select_n3A_1128 = arith.select %eq3A_1126, %jit3A_1127, %jit3A_1124 : i32
      %rem3A_1129 = arith.remsi %squeeze3A_1121, %select_n3A_1128 : i32
      %ne3A_1130 = arith.constant 0 : i32
      %ne3A_1131 = arith.cmpi ne, %rem3A_1129, %ne3A_1130 : i32
      %lt3A_1132 = arith.constant 0 : i32
      %lt3A_1133 = arith.cmpi slt, %rem3A_1129, %lt3A_1132 : i32
      %lt3A_1134 = arith.constant 0 : i32
      %lt3A_1135 = arith.cmpi slt, %select_n3A_1128, %lt3A_1134 : i32
      %ne3A_1136 = arith.xori %lt3A_1133, %lt3A_1135 : i1
      %and3A_1137 = arith.andi %ne3A_1136, %ne3A_1131 : i1
      %add3A_1138 = arith.addi %rem3A_1129, %select_n3A_1128 : i32
      %select_n3A_1139 = arith.select %and3A_1137, %add3A_1138, %rem3A_1129 : i32
      %broadcast_in_dim3A_1140 = vector.broadcast %select_n3A_1139 : i32 to vector<16xi32>
      %broadcast_in_dim3A_1141 = vector.broadcast %add3A_1102 : i32 to vector<16xi32>
      %add3A_1142 = arith.constant 0 : i32
      %add3A_1143 = vector.broadcast %add3A_1142 : i32 to vector<16xi32>
      %add3A_1144 = arith.addi %iota3A, %add3A_1143 : vector<16xi32>
      %gather3A_1145 = tpu.vector_load_idx %arg6[%broadcast_in_dim3A_1123, %add3A_1144, %broadcast_in_dim3A_1140] : memref<8x32x128xf32, #tpu.memory_space<vmem>>[vector<16xi32>, vector<16xi32>, vector<16xi32>], vector<16xf32>,
      %add3A_1146 = arith.constant 0 : i32
      %add3A_1147 = vector.broadcast %add3A_1146 : i32 to vector<16xi32>
      %add3A_1148 = arith.addi %iota3A, %add3A_1147 : vector<16xi32>
      tpu.vector_store_idx %arg7[%add3A_1148, %broadcast_in_dim3A_1141], %gather3A_1145 : memref<32x512xf32, #tpu.memory_space<vmem>>[vector<16xi32>, vector<16xi32>], vector<16xf32>,
      %add3A_1149 = arith.constant 16 : i32
      %add3A_1150 = vector.broadcast %add3A_1149 : i32 to vector<16xi32>
      %add3A_1151 = arith.addi %iota3A, %add3A_1150 : vector<16xi32>
      %gather3A_1152 = tpu.vector_load_idx %arg6[%broadcast_in_dim3A_1123, %add3A_1151, %broadcast_in_dim3A_1140] : memref<8x32x128xf32, #tpu.memory_space<vmem>>[vector<16xi32>, vector<16xi32>, vector<16xi32>], vector<16xf32>,
      %add3A_1153 = arith.constant 16 : i32
      %add3A_1154 = vector.broadcast %add3A_1153 : i32 to vector<16xi32>
      %add3A_1155 = arith.addi %iota3A, %add3A_1154 : vector<16xi32>
      tpu.vector_store_idx %arg7[%add3A_1155, %broadcast_in_dim3A_1141], %gather3A_1152 : memref<32x512xf32, #tpu.memory_space<vmem>>[vector<16xi32>, vector<16xi32>], vector<16xf32>,
      %add3A_1156 = arith.constant 0 : i32
      %add3A_1157 = arith.addi %mul3A_1100, %add3A_1156 : i32
      %add3A_1158 = arith.constant 8 : i32
      %add3A_1159 = arith.addi %add3A_1157, %add3A_1158 : i32
      %get3A_1160 = arith.index_cast %add3A_1159 : i32 to index
      %get3A_1161 = tpu.vector_load %arg5[%get3A_1160] {strides = array<i32>} : memref<528xi32, #tpu.memory_space<vmem>>, vector<16xi32>,
      %slice3A_1162 = vector.extract_strided_slice %get3A_1161 {offsets = [0], sizes = [1], strides = [1]} : vector<16xi32> to vector<1xi32>
      %squeeze3A_1163 = vector.extract %slice3A_1162[0] : i32 from vector<1xi32>
      %jit3A_1164 = arith.constant 128 : i32
      %div3A_1165 = arith.divsi %squeeze3A_1163, %jit3A_1164 : i32
      %sign3A_1166 = arith.constant 0 : i32
      %sign3A_1167 = arith.cmpi sgt, %squeeze3A_1163, %sign3A_1166 : i32
      %sign3A_1168 = arith.extui %sign3A_1167 : i1 to i32
      %sign3A_1169 = arith.constant 0 : i32
      %sign3A_1170 = arith.cmpi slt, %squeeze3A_1163, %sign3A_1169 : i32
      %sign3A_1171 = arith.extui %sign3A_1170 : i1 to i32
      %sign3A_1172 = arith.subi %sign3A_1168, %sign3A_1171 : i32
      %sign3A_1173 = arith.constant 0 : i32
      %sign3A_1174 = arith.cmpi sgt, %jit3A_1164, %sign3A_1173 : i32
      %sign3A_1175 = arith.extui %sign3A_1174 : i1 to i32
      %sign3A_1176 = arith.constant 0 : i32
      %sign3A_1177 = arith.cmpi slt, %jit3A_1164, %sign3A_1176 : i32
      %sign3A_1178 = arith.extui %sign3A_1177 : i1 to i32
      %sign3A_1179 = arith.subi %sign3A_1175, %sign3A_1178 : i32
      %ne3A_1180 = arith.cmpi ne, %sign3A_1172, %sign3A_1179 : i32
      %rem3A_1181 = arith.remsi %squeeze3A_1163, %jit3A_1164 : i32
      %ne3A_1182 = arith.constant 0 : i32
      %ne3A_1183 = arith.cmpi ne, %rem3A_1181, %ne3A_1182 : i32
      %and3A_1184 = arith.andi %ne3A_1180, %ne3A_1183 : i1
      %sub3A_1185 = arith.constant 1 : i32
      %sub3A_1186 = arith.subi %div3A_1165, %sub3A_1185 : i32
      %select_n3A_1187 = arith.select %and3A_1184, %sub3A_1186, %div3A_1165 : i32
      %mul3A_1188 = arith.constant 128 : i32
      %mul3A_1189 = arith.muli %select_n3A_1187, %mul3A_1188 : i32
      %multiple_of3A_1190 = tpu.assume_multiple %mul3A_1189, 128 : i32
      %dma_start3A_1191 = arith.constant 0 : i32
      %dma_start3A_1192 = arith.constant 0 : i32
      %dma_start3A_1193 = arith.constant 0 : i32
      %dma_start3A_1194 = tpu.memref_slice %arg6[%dma_start3A_1191, %dma_start3A_1192, %dma_start3A_1193] : memref<8x32x128xf32, #tpu.memory_space<vmem>> -> memref<1x8x128xf32, #tpu.memory_space<vmem>>
      %dma_start3A_1195 = tpu.memref_squeeze %dma_start3A_1194 : memref<1x8x128xf32, #tpu.memory_space<vmem>> -> memref<8x128xf32, #tpu.memory_space<vmem>>
      %dma_start3A_1196 = arith.constant 0 : i32
      %dma_start3A_1197 = tpu.memref_slice %arg3[%dma_start3A_1196, %multiple_of3A_1190] : memref<32x1000000xf32, #tpu.memory_space<hbm>> -> memref<8x128xf32, #tpu.memory_space<hbm>>
      %dma_start3A_1198 = arith.constant 0 : i32
      %dma_start3A_1199 = arith.constant 0 : i32
      %dma_start3A_1200 = tpu.memref_slice %arg6[%dma_start3A_1191, %dma_start3A_1198, %dma_start3A_1199] : memref<8x32x128xf32, #tpu.memory_space<vmem>> -> memref<1x8x128xf32, #tpu.memory_space<vmem>>
      %dma_start3A_1201 = tpu.memref_squeeze %dma_start3A_1200 : memref<1x8x128xf32, #tpu.memory_space<vmem>> -> memref<8x128xf32, #tpu.memory_space<vmem>>
      %dma_start3A_1202 = arith.constant 0 : i32
      %dma_start3A_1203 = tpu.memref_slice %arg3[%dma_start3A_1202, %multiple_of3A_1190] : memref<32x1000000xf32, #tpu.memory_space<hbm>> -> memref<8x128xf32, #tpu.memory_space<hbm>>
      tpu.enqueue_dma source(%dma_start3A_1203 : memref<8x128xf32, #tpu.memory_space<hbm>>) target(%dma_start3A_1201 : memref<8x128xf32, #tpu.memory_space<vmem>>) target_semaphore(%arg9 : memref<!tpu.dma_semaphore, #tpu.memory_space<semaphore_mem>>)
      %dma_start3A_1204 = arith.constant 0 : i32
      %dma_start3A_1205 = arith.constant 8 : i32
      %dma_start3A_1206 = arith.constant 0 : i32
      %dma_start3A_1207 = tpu.memref_slice %arg6[%dma_start3A_1204, %dma_start3A_1205, %dma_start3A_1206] : memref<8x32x128xf32, #tpu.memory_space<vmem>> -> memref<1x8x128xf32, #tpu.memory_space<vmem>>
      %dma_start3A_1208 = tpu.memref_squeeze %dma_start3A_1207 : memref<1x8x128xf32, #tpu.memory_space<vmem>> -> memref<8x128xf32, #tpu.memory_space<vmem>>
      %dma_start3A_1209 = arith.constant 8 : i32
      %dma_start3A_1210 = tpu.memref_slice %arg3[%dma_start3A_1209, %multiple_of3A_1190] : memref<32x1000000xf32, #tpu.memory_space<hbm>> -> memref<8x128xf32, #tpu.memory_space<hbm>>
      %dma_start3A_1211 = arith.constant 8 : i32
      %dma_start3A_1212 = arith.constant 0 : i32
      %dma_start3A_1213 = tpu.memref_slice %arg6[%dma_start3A_1204, %dma_start3A_1211, %dma_start3A_1212] : memref<8x32x128xf32, #tpu.memory_space<vmem>> -> memref<1x8x128xf32, #tpu.memory_space<vmem>>
      %dma_start3A_1214 = tpu.memref_squeeze %dma_start3A_1213 : memref<1x8x128xf32, #tpu.memory_space<vmem>> -> memref<8x128xf32, #tpu.memory_space<vmem>>
      %dma_start3A_1215 = arith.constant 8 : i32
      %dma_start3A_1216 = tpu.memref_slice %arg3[%dma_start3A_1215, %multiple_of3A_1190] : memref<32x1000000xf32, #tpu.memory_space<hbm>> -> memref<8x128xf32, #tpu.memory_space<hbm>>
      tpu.enqueue_dma source(%dma_start3A_1216 : memref<8x128xf32, #tpu.memory_space<hbm>>) target(%dma_start3A_1214 : memref<8x128xf32, #tpu.memory_space<vmem>>) target_semaphore(%arg9 : memref<!tpu.dma_semaphore, #tpu.memory_space<semaphore_mem>>)
      %dma_start3A_1217 = arith.constant 0 : i32
      %dma_start3A_1218 = arith.constant 16 : i32
      %dma_start3A_1219 = arith.constant 0 : i32
      %dma_start3A_1220 = tpu.memref_slice %arg6[%dma_start3A_1217, %dma_start3A_1218, %dma_start3A_1219] : memref<8x32x128xf32, #tpu.memory_space<vmem>> -> memref<1x8x128xf32, #tpu.memory_space<vmem>>
      %dma_start3A_1221 = tpu.memref_squeeze %dma_start3A_1220 : memref<1x8x128xf32, #tpu.memory_space<vmem>> -> memref<8x128xf32, #tpu.memory_space<vmem>>
      %dma_start3A_1222 = arith.constant 16 : i32
      %dma_start3A_1223 = tpu.memref_slice %arg3[%dma_start3A_1222, %multiple_of3A_1190] : memref<32x1000000xf32, #tpu.memory_space<hbm>> -> memref<8x128xf32, #tpu.memory_space<hbm>>
      %dma_start3A_1224 = arith.constant 16 : i32
      %dma_start3A_1225 = arith.constant 0 : i32
      %dma_start3A_1226 = tpu.memref_slice %arg6[%dma_start3A_1217, %dma_start3A_1224, %dma_start3A_1225] : memref<8x32x128xf32, #tpu.memory_space<vmem>> -> memref<1x8x128xf32, #tpu.memory_space<vmem>>
      %dma_start3A_1227 = tpu.memref_squeeze %dma_start3A_1226 : memref<1x8x128xf32, #tpu.memory_space<vmem>> -> memref<8x128xf32, #tpu.memory_space<vmem>>
      %dma_start3A_1228 = arith.constant 16 : i32
      %dma_start3A_1229 = tpu.memref_slice %arg3[%dma_start3A_1228, %multiple_of3A_1190] : memref<32x1000000xf32, #tpu.memory_space<hbm>> -> memref<8x128xf32, #tpu.memory_space<hbm>>
      tpu.enqueue_dma source(%dma_start3A_1229 : memref<8x128xf32, #tpu.memory_space<hbm>>) target(%dma_start3A_1227 : memref<8x128xf32, #tpu.memory_space<vmem>>) target_semaphore(%arg9 : memref<!tpu.dma_semaphore, #tpu.memory_space<semaphore_mem>>)
      %dma_start3A_1230 = arith.constant 0 : i32
      %dma_start3A_1231 = arith.constant 24 : i32
      %dma_start3A_1232 = arith.constant 0 : i32
      %dma_start3A_1233 = tpu.memref_slice %arg6[%dma_start3A_1230, %dma_start3A_1231, %dma_start3A_1232] : memref<8x32x128xf32, #tpu.memory_space<vmem>> -> memref<1x8x128xf32, #tpu.memory_space<vmem>>
      %dma_start3A_1234 = tpu.memref_squeeze %dma_start3A_1233 : memref<1x8x128xf32, #tpu.memory_space<vmem>> -> memref<8x128xf32, #tpu.memory_space<vmem>>
      %dma_start3A_1235 = arith.constant 24 : i32
      %dma_start3A_1236 = tpu.memref_slice %arg3[%dma_start3A_1235, %multiple_of3A_1190] : memref<32x1000000xf32, #tpu.memory_space<hbm>> -> memref<8x128xf32, #tpu.memory_space<hbm>>
      %dma_start3A_1237 = arith.constant 24 : i32
      %dma_start3A_1238 = arith.constant 0 : i32
      %dma_start3A_1239 = tpu.memref_slice %arg6[%dma_start3A_1230, %dma_start3A_1237, %dma_start3A_1238] : memref<8x32x128xf32, #tpu.memory_space<vmem>> -> memref<1x8x128xf32, #tpu.memory_space<vmem>>
      %dma_start3A_1240 = tpu.memref_squeeze %dma_start3A_1239 : memref<1x8x128xf32, #tpu.memory_space<vmem>> -> memref<8x128xf32, #tpu.memory_space<vmem>>
      %dma_start3A_1241 = arith.constant 24 : i32
      %dma_start3A_1242 = tpu.memref_slice %arg3[%dma_start3A_1241, %multiple_of3A_1190] : memref<32x1000000xf32, #tpu.memory_space<hbm>> -> memref<8x128xf32, #tpu.memory_space<hbm>>
      tpu.enqueue_dma source(%dma_start3A_1242 : memref<8x128xf32, #tpu.memory_space<hbm>>) target(%dma_start3A_1240 : memref<8x128xf32, #tpu.memory_space<vmem>>) target_semaphore(%arg9 : memref<!tpu.dma_semaphore, #tpu.memory_space<semaphore_mem>>)
      %add3A_1243 = arith.constant 1 : i32
      %add3A_1244 = arith.addi %mul3A_1100, %add3A_1243 : i32
      %dma_wait3A_1245 = arith.constant 1 : i32
      %dma_wait3A_1246 = arith.constant 0 : i32
      %dma_wait3A_1247 = arith.constant 0 : i32
      %dma_wait3A_1248 = tpu.memref_slice %arg6[%dma_wait3A_1245, %dma_wait3A_1246, %dma_wait3A_1247] : memref<8x32x128xf32, #tpu.memory_space<vmem>> -> memref<1x32x128xf32, #tpu.memory_space<vmem>>
      %dma_wait3A_1249 = tpu.memref_squeeze %dma_wait3A_1248 : memref<1x32x128xf32, #tpu.memory_space<vmem>> -> memref<32x128xf32, #tpu.memory_space<vmem>>
      %dma_wait3A_1250 = arith.constant 0 : i32
      %dma_wait3A_1251 = arith.constant 0 : i32
      %dma_wait3A_1252 = tpu.memref_slice %arg3[%dma_wait3A_1250, %dma_wait3A_1251] : memref<32x1000000xf32, #tpu.memory_space<hbm>> -> memref<32x128xf32, #tpu.memory_space<hbm>>
      %dma_wait3A_1253 = arith.constant 0 : i32
      %dma_wait3A_1254 = arith.constant 0 : i32
      %dma_wait3A_1255 = tpu.memref_slice %arg6[%dma_wait3A_1245, %dma_wait3A_1253, %dma_wait3A_1254] : memref<8x32x128xf32, #tpu.memory_space<vmem>> -> memref<1x32x128xf32, #tpu.memory_space<vmem>>
      %dma_wait3A_1256 = tpu.memref_squeeze %dma_wait3A_1255 : memref<1x32x128xf32, #tpu.memory_space<vmem>> -> memref<32x128xf32, #tpu.memory_space<vmem>>
      %dma_wait3A_1257 = arith.constant 0 : i32
      %dma_wait3A_1258 = arith.constant 0 : i32
      %dma_wait3A_1259 = tpu.memref_slice %arg3[%dma_wait3A_1257, %dma_wait3A_1258] : memref<32x1000000xf32, #tpu.memory_space<hbm>> -> memref<32x128xf32, #tpu.memory_space<hbm>>
      tpu.wait_dma2 semaphore(%arg10 : memref<!tpu.dma_semaphore, #tpu.memory_space<semaphore_mem>>) src(%dma_wait3A_1259 : memref<32x128xf32, #tpu.memory_space<hbm>>) dst(%dma_wait3A_1256 : memref<32x128xf32, #tpu.memory_space<vmem>>)
      %get3A_1260 = arith.index_cast %add3A_1244 : i32 to index
      %get3A_1261 = tpu.vector_load %arg5[%get3A_1260] {strides = array<i32>} : memref<528xi32, #tpu.memory_space<vmem>>, vector<16xi32>,
      %slice3A_1262 = vector.extract_strided_slice %get3A_1261 {offsets = [0], sizes = [1], strides = [1]} : vector<16xi32> to vector<1xi32>
      %squeeze3A_1263 = vector.extract %slice3A_1262[0] : i32 from vector<1xi32>
      %broadcast_in_dim3A_1264 = arith.constant 1 : i32
      %broadcast_in_dim3A_1265 = vector.broadcast %broadcast_in_dim3A_1264 : i32 to vector<16xi32>
      %jit3A_1266 = arith.constant 128 : i32
      %eq3A_1267 = arith.constant 0 : i32
      %eq3A_1268 = arith.cmpi eq, %jit3A_1266, %eq3A_1267 : i32
      %jit3A_1269 = arith.constant 1 : i32
      %select_n3A_1270 = arith.select %eq3A_1268, %jit3A_1269, %jit3A_1266 : i32
      %rem3A_1271 = arith.remsi %squeeze3A_1263, %select_n3A_1270 : i32
      %ne3A_1272 = arith.constant 0 : i32
      %ne3A_1273 = arith.cmpi ne, %rem3A_1271, %ne3A_1272 : i32
      %lt3A_1274 = arith.constant 0 : i32
      %lt3A_1275 = arith.cmpi slt, %rem3A_1271, %lt3A_1274 : i32
      %lt3A_1276 = arith.constant 0 : i32
      %lt3A_1277 = arith.cmpi slt, %select_n3A_1270, %lt3A_1276 : i32
      %ne3A_1278 = arith.xori %lt3A_1275, %lt3A_1277 : i1
      %and3A_1279 = arith.andi %ne3A_1278, %ne3A_1273 : i1
      %add3A_1280 = arith.addi %rem3A_1271, %select_n3A_1270 : i32
      %select_n3A_1281 = arith.select %and3A_1279, %add3A_1280, %rem3A_1271 : i32
      %broadcast_in_dim3A_1282 = vector.broadcast %select_n3A_1281 : i32 to vector<16xi32>
      %broadcast_in_dim3A_1283 = vector.broadcast %add3A_1244 : i32 to vector<16xi32>
      %add3A_1284 = arith.constant 0 : i32
      %add3A_1285 = vector.broadcast %add3A_1284 : i32 to vector<16xi32>
      %add3A_1286 = arith.addi %iota3A, %add3A_1285 : vector<16xi32>
      %gather3A_1287 = tpu.vector_load_idx %arg6[%broadcast_in_dim3A_1265, %add3A_1286, %broadcast_in_dim3A_1282] : memref<8x32x128xf32, #tpu.memory_space<vmem>>[vector<16xi32>, vector<16xi32>, vector<16xi32>], vector<16xf32>,
      %add3A_1288 = arith.constant 0 : i32
      %add3A_1289 = vector.broadcast %add3A_1288 : i32 to vector<16xi32>
      %add3A_1290 = arith.addi %iota3A, %add3A_1289 : vector<16xi32>
      tpu.vector_store_idx %arg7[%add3A_1290, %broadcast_in_dim3A_1283], %gather3A_1287 : memref<32x512xf32, #tpu.memory_space<vmem>>[vector<16xi32>, vector<16xi32>], vector<16xf32>,
      %add3A_1291 = arith.constant 16 : i32
      %add3A_1292 = vector.broadcast %add3A_1291 : i32 to vector<16xi32>
      %add3A_1293 = arith.addi %iota3A, %add3A_1292 : vector<16xi32>
      %gather3A_1294 = tpu.vector_load_idx %arg6[%broadcast_in_dim3A_1265, %add3A_1293, %broadcast_in_dim3A_1282] : memref<8x32x128xf32, #tpu.memory_space<vmem>>[vector<16xi32>, vector<16xi32>, vector<16xi32>], vector<16xf32>,
      %add3A_1295 = arith.constant 16 : i32
      %add3A_1296 = vector.broadcast %add3A_1295 : i32 to vector<16xi32>
      %add3A_1297 = arith.addi %iota3A, %add3A_1296 : vector<16xi32>
      tpu.vector_store_idx %arg7[%add3A_1297, %broadcast_in_dim3A_1283], %gather3A_1294 : memref<32x512xf32, #tpu.memory_space<vmem>>[vector<16xi32>, vector<16xi32>], vector<16xf32>,
      %add3A_1298 = arith.constant 1 : i32
      %add3A_1299 = arith.addi %mul3A_1100, %add3A_1298 : i32
      %add3A_1300 = arith.constant 8 : i32
      %add3A_1301 = arith.addi %add3A_1299, %add3A_1300 : i32
      %get3A_1302 = arith.index_cast %add3A_1301 : i32 to index
      %get3A_1303 = tpu.vector_load %arg5[%get3A_1302] {strides = array<i32>} : memref<528xi32, #tpu.memory_space<vmem>>, vector<16xi32>,
      %slice3A_1304 = vector.extract_strided_slice %get3A_1303 {offsets = [0], sizes = [1], strides = [1]} : vector<16xi32> to vector<1xi32>
      %squeeze3A_1305 = vector.extract %slice3A_1304[0] : i32 from vector<1xi32>
      %jit3A_1306 = arith.constant 128 : i32
      %div3A_1307 = arith.divsi %squeeze3A_1305, %jit3A_1306 : i32
      %sign3A_1308 = arith.constant 0 : i32
      %sign3A_1309 = arith.cmpi sgt, %squeeze3A_1305, %sign3A_1308 : i32
      %sign3A_1310 = arith.extui %sign3A_1309 : i1 to i32
      %sign3A_1311 = arith.constant 0 : i32
      %sign3A_1312 = arith.cmpi slt, %squeeze3A_1305, %sign3A_1311 : i32
      %sign3A_1313 = arith.extui %sign3A_1312 : i1 to i32
      %sign3A_1314 = arith.subi %sign3A_1310, %sign3A_1313 : i32
      %sign3A_1315 = arith.constant 0 : i32
      %sign3A_1316 = arith.cmpi sgt, %jit3A_1306, %sign3A_1315 : i32
      %sign3A_1317 = arith.extui %sign3A_1316 : i1 to i32
      %sign3A_1318 = arith.constant 0 : i32
      %sign3A_1319 = arith.cmpi slt, %jit3A_1306, %sign3A_1318 : i32
      %sign3A_1320 = arith.extui %sign3A_1319 : i1 to i32
      %sign3A_1321 = arith.subi %sign3A_1317, %sign3A_1320 : i32
      %ne3A_1322 = arith.cmpi ne, %sign3A_1314, %sign3A_1321 : i32
      %rem3A_1323 = arith.remsi %squeeze3A_1305, %jit3A_1306 : i32
      %ne3A_1324 = arith.constant 0 : i32
      %ne3A_1325 = arith.cmpi ne, %rem3A_1323, %ne3A_1324 : i32
      %and3A_1326 = arith.andi %ne3A_1322, %ne3A_1325 : i1
      %sub3A_1327 = arith.constant 1 : i32
      %sub3A_1328 = arith.subi %div3A_1307, %sub3A_1327 : i32
      %select_n3A_1329 = arith.select %and3A_1326, %sub3A_1328, %div3A_1307 : i32
      %mul3A_1330 = arith.constant 128 : i32
      %mul3A_1331 = arith.muli %select_n3A_1329, %mul3A_1330 : i32
      %multiple_of3A_1332 = tpu.assume_multiple %mul3A_1331, 128 : i32
      %dma_start3A_1333 = arith.constant 1 : i32
      %dma_start3A_1334 = arith.constant 0 : i32
      %dma_start3A_1335 = arith.constant 0 : i32
      %dma_start3A_1336 = tpu.memref_slice %arg6[%dma_start3A_1333, %dma_start3A_1334, %dma_start3A_1335] : memref<8x32x128xf32, #tpu.memory_space<vmem>> -> memref<1x8x128xf32, #tpu.memory_space<vmem>>
      %dma_start3A_1337 = tpu.memref_squeeze %dma_start3A_1336 : memref<1x8x128xf32, #tpu.memory_space<vmem>> -> memref<8x128xf32, #tpu.memory_space<vmem>>
      %dma_start3A_1338 = arith.constant 0 : i32
      %dma_start3A_1339 = tpu.memref_slice %arg3[%dma_start3A_1338, %multiple_of3A_1332] : memref<32x1000000xf32, #tpu.memory_space<hbm>> -> memref<8x128xf32, #tpu.memory_space<hbm>>
      %dma_start3A_1340 = arith.constant 0 : i32
      %dma_start3A_1341 = arith.constant 0 : i32
      %dma_start3A_1342 = tpu.memref_slice %arg6[%dma_start3A_1333, %dma_start3A_1340, %dma_start3A_1341] : memref<8x32x128xf32, #tpu.memory_space<vmem>> -> memref<1x8x128xf32, #tpu.memory_space<vmem>>
      %dma_start3A_1343 = tpu.memref_squeeze %dma_start3A_1342 : memref<1x8x128xf32, #tpu.memory_space<vmem>> -> memref<8x128xf32, #tpu.memory_space<vmem>>
      %dma_start3A_1344 = arith.constant 0 : i32
      %dma_start3A_1345 = tpu.memref_slice %arg3[%dma_start3A_1344, %multiple_of3A_1332] : memref<32x1000000xf32, #tpu.memory_space<hbm>> -> memref<8x128xf32, #tpu.memory_space<hbm>>
      tpu.enqueue_dma source(%dma_start3A_1345 : memref<8x128xf32, #tpu.memory_space<hbm>>) target(%dma_start3A_1343 : memref<8x128xf32, #tpu.memory_space<vmem>>) target_semaphore(%arg10 : memref<!tpu.dma_semaphore, #tpu.memory_space<semaphore_mem>>)
      %dma_start3A_1346 = arith.constant 1 : i32
      %dma_start3A_1347 = arith.constant 8 : i32
      %dma_start3A_1348 = arith.constant 0 : i32
      %dma_start3A_1349 = tpu.memref_slice %arg6[%dma_start3A_1346, %dma_start3A_1347, %dma_start3A_1348] : memref<8x32x128xf32, #tpu.memory_space<vmem>> -> memref<1x8x128xf32, #tpu.memory_space<vmem>>
      %dma_start3A_1350 = tpu.memref_squeeze %dma_start3A_1349 : memref<1x8x128xf32, #tpu.memory_space<vmem>> -> memref<8x128xf32, #tpu.memory_space<vmem>>
      %dma_start3A_1351 = arith.constant 8 : i32
      %dma_start3A_1352 = tpu.memref_slice %arg3[%dma_start3A_1351, %multiple_of3A_1332] : memref<32x1000000xf32, #tpu.memory_space<hbm>> -> memref<8x128xf32, #tpu.memory_space<hbm>>
      %dma_start3A_1353 = arith.constant 8 : i32
      %dma_start3A_1354 = arith.constant 0 : i32
      %dma_start3A_1355 = tpu.memref_slice %arg6[%dma_start3A_1346, %dma_start3A_1353, %dma_start3A_1354] : memref<8x32x128xf32, #tpu.memory_space<vmem>> -> memref<1x8x128xf32, #tpu.memory_space<vmem>>
      %dma_start3A_1356 = tpu.memref_squeeze %dma_start3A_1355 : memref<1x8x128xf32, #tpu.memory_space<vmem>> -> memref<8x128xf32, #tpu.memory_space<vmem>>
      %dma_start3A_1357 = arith.constant 8 : i32
      %dma_start3A_1358 = tpu.memref_slice %arg3[%dma_start3A_1357, %multiple_of3A_1332] : memref<32x1000000xf32, #tpu.memory_space<hbm>> -> memref<8x128xf32, #tpu.memory_space<hbm>>
      tpu.enqueue_dma source(%dma_start3A_1358 : memref<8x128xf32, #tpu.memory_space<hbm>>) target(%dma_start3A_1356 : memref<8x128xf32, #tpu.memory_space<vmem>>) target_semaphore(%arg10 : memref<!tpu.dma_semaphore, #tpu.memory_space<semaphore_mem>>)
      %dma_start3A_1359 = arith.constant 1 : i32
      %dma_start3A_1360 = arith.constant 16 : i32
      %dma_start3A_1361 = arith.constant 0 : i32
      %dma_start3A_1362 = tpu.memref_slice %arg6[%dma_start3A_1359, %dma_start3A_1360, %dma_start3A_1361] : memref<8x32x128xf32, #tpu.memory_space<vmem>> -> memref<1x8x128xf32, #tpu.memory_space<vmem>>
      %dma_start3A_1363 = tpu.memref_squeeze %dma_start3A_1362 : memref<1x8x128xf32, #tpu.memory_space<vmem>> -> memref<8x128xf32, #tpu.memory_space<vmem>>
      %dma_start3A_1364 = arith.constant 16 : i32
      %dma_start3A_1365 = tpu.memref_slice %arg3[%dma_start3A_1364, %multiple_of3A_1332] : memref<32x1000000xf32, #tpu.memory_space<hbm>> -> memref<8x128xf32, #tpu.memory_space<hbm>>
      %dma_start3A_1366 = arith.constant 16 : i32
      %dma_start3A_1367 = arith.constant 0 : i32
      %dma_start3A_1368 = tpu.memref_slice %arg6[%dma_start3A_1359, %dma_start3A_1366, %dma_start3A_1367] : memref<8x32x128xf32, #tpu.memory_space<vmem>> -> memref<1x8x128xf32, #tpu.memory_space<vmem>>
      %dma_start3A_1369 = tpu.memref_squeeze %dma_start3A_1368 : memref<1x8x128xf32, #tpu.memory_space<vmem>> -> memref<8x128xf32, #tpu.memory_space<vmem>>
      %dma_start3A_1370 = arith.constant 16 : i32
      %dma_start3A_1371 = tpu.memref_slice %arg3[%dma_start3A_1370, %multiple_of3A_1332] : memref<32x1000000xf32, #tpu.memory_space<hbm>> -> memref<8x128xf32, #tpu.memory_space<hbm>>
      tpu.enqueue_dma source(%dma_start3A_1371 : memref<8x128xf32, #tpu.memory_space<hbm>>) target(%dma_start3A_1369 : memref<8x128xf32, #tpu.memory_space<vmem>>) target_semaphore(%arg10 : memref<!tpu.dma_semaphore, #tpu.memory_space<semaphore_mem>>)
      %dma_start3A_1372 = arith.constant 1 : i32
      %dma_start3A_1373 = arith.constant 24 : i32
      %dma_start3A_1374 = arith.constant 0 : i32
      %dma_start3A_1375 = tpu.memref_slice %arg6[%dma_start3A_1372, %dma_start3A_1373, %dma_start3A_1374] : memref<8x32x128xf32, #tpu.memory_space<vmem>> -> memref<1x8x128xf32, #tpu.memory_space<vmem>>
      %dma_start3A_1376 = tpu.memref_squeeze %dma_start3A_1375 : memref<1x8x128xf32, #tpu.memory_space<vmem>> -> memref<8x128xf32, #tpu.memory_space<vmem>>
      %dma_start3A_1377 = arith.constant 24 : i32
      %dma_start3A_1378 = tpu.memref_slice %arg3[%dma_start3A_1377, %multiple_of3A_1332] : memref<32x1000000xf32, #tpu.memory_space<hbm>> -> memref<8x128xf32, #tpu.memory_space<hbm>>
      %dma_start3A_1379 = arith.constant 24 : i32
      %dma_start3A_1380 = arith.constant 0 : i32
      %dma_start3A_1381 = tpu.memref_slice %arg6[%dma_start3A_1372, %dma_start3A_1379, %dma_start3A_1380] : memref<8x32x128xf32, #tpu.memory_space<vmem>> -> memref<1x8x128xf32, #tpu.memory_space<vmem>>
      %dma_start3A_1382 = tpu.memref_squeeze %dma_start3A_1381 : memref<1x8x128xf32, #tpu.memory_space<vmem>> -> memref<8x128xf32, #tpu.memory_space<vmem>>
      %dma_start3A_1383 = arith.constant 24 : i32
      %dma_start3A_1384 = tpu.memref_slice %arg3[%dma_start3A_1383, %multiple_of3A_1332] : memref<32x1000000xf32, #tpu.memory_space<hbm>> -> memref<8x128xf32, #tpu.memory_space<hbm>>
      tpu.enqueue_dma source(%dma_start3A_1384 : memref<8x128xf32, #tpu.memory_space<hbm>>) target(%dma_start3A_1382 : memref<8x128xf32, #tpu.memory_space<vmem>>) target_semaphore(%arg10 : memref<!tpu.dma_semaphore, #tpu.memory_space<semaphore_mem>>)
      %add3A_1385 = arith.constant 2 : i32
      %add3A_1386 = arith.addi %mul3A_1100, %add3A_1385 : i32
      %dma_wait3A_1387 = arith.constant 2 : i32
      %dma_wait3A_1388 = arith.constant 0 : i32
      %dma_wait3A_1389 = arith.constant 0 : i32
      %dma_wait3A_1390 = tpu.memref_slice %arg6[%dma_wait3A_1387, %dma_wait3A_1388, %dma_wait3A_1389] : memref<8x32x128xf32, #tpu.memory_space<vmem>> -> memref<1x32x128xf32, #tpu.memory_space<vmem>>
      %dma_wait3A_1391 = tpu.memref_squeeze %dma_wait3A_1390 : memref<1x32x128xf32, #tpu.memory_space<vmem>> -> memref<32x128xf32, #tpu.memory_space<vmem>>
      %dma_wait3A_1392 = arith.constant 0 : i32
      %dma_wait3A_1393 = arith.constant 0 : i32
      %dma_wait3A_1394 = tpu.memref_slice %arg3[%dma_wait3A_1392, %dma_wait3A_1393] : memref<32x1000000xf32, #tpu.memory_space<hbm>> -> memref<32x128xf32, #tpu.memory_space<hbm>>
      %dma_wait3A_1395 = arith.constant 0 : i32
      %dma_wait3A_1396 = arith.constant 0 : i32
      %dma_wait3A_1397 = tpu.memref_slice %arg6[%dma_wait3A_1387, %dma_wait3A_1395, %dma_wait3A_1396] : memref<8x32x128xf32, #tpu.memory_space<vmem>> -> memref<1x32x128xf32, #tpu.memory_space<vmem>>
      %dma_wait3A_1398 = tpu.memref_squeeze %dma_wait3A_1397 : memref<1x32x128xf32, #tpu.memory_space<vmem>> -> memref<32x128xf32, #tpu.memory_space<vmem>>
      %dma_wait3A_1399 = arith.constant 0 : i32
      %dma_wait3A_1400 = arith.constant 0 : i32
      %dma_wait3A_1401 = tpu.memref_slice %arg3[%dma_wait3A_1399, %dma_wait3A_1400] : memref<32x1000000xf32, #tpu.memory_space<hbm>> -> memref<32x128xf32, #tpu.memory_space<hbm>>
      tpu.wait_dma2 semaphore(%arg11 : memref<!tpu.dma_semaphore, #tpu.memory_space<semaphore_mem>>) src(%dma_wait3A_1401 : memref<32x128xf32, #tpu.memory_space<hbm>>) dst(%dma_wait3A_1398 : memref<32x128xf32, #tpu.memory_space<vmem>>)
      %get3A_1402 = arith.index_cast %add3A_1386 : i32 to index
      %get3A_1403 = tpu.vector_load %arg5[%get3A_1402] {strides = array<i32>} : memref<528xi32, #tpu.memory_space<vmem>>, vector<16xi32>,
      %slice3A_1404 = vector.extract_strided_slice %get3A_1403 {offsets = [0], sizes = [1], strides = [1]} : vector<16xi32> to vector<1xi32>
      %squeeze3A_1405 = vector.extract %slice3A_1404[0] : i32 from vector<1xi32>
      %broadcast_in_dim3A_1406 = arith.constant 2 : i32
      %broadcast_in_dim3A_1407 = vector.broadcast %broadcast_in_dim3A_1406 : i32 to vector<16xi32>
      %jit3A_1408 = arith.constant 128 : i32
      %eq3A_1409 = arith.constant 0 : i32
      %eq3A_1410 = arith.cmpi eq, %jit3A_1408, %eq3A_1409 : i32
      %jit3A_1411 = arith.constant 1 : i32
      %select_n3A_1412 = arith.select %eq3A_1410, %jit3A_1411, %jit3A_1408 : i32
      %rem3A_1413 = arith.remsi %squeeze3A_1405, %select_n3A_1412 : i32
      %ne3A_1414 = arith.constant 0 : i32
      %ne3A_1415 = arith.cmpi ne, %rem3A_1413, %ne3A_1414 : i32
      %lt3A_1416 = arith.constant 0 : i32
      %lt3A_1417 = arith.cmpi slt, %rem3A_1413, %lt3A_1416 : i32
      %lt3A_1418 = arith.constant 0 : i32
      %lt3A_1419 = arith.cmpi slt, %select_n3A_1412, %lt3A_1418 : i32
      %ne3A_1420 = arith.xori %lt3A_1417, %lt3A_1419 : i1
      %and3A_1421 = arith.andi %ne3A_1420, %ne3A_1415 : i1
      %add3A_1422 = arith.addi %rem3A_1413, %select_n3A_1412 : i32
      %select_n3A_1423 = arith.select %and3A_1421, %add3A_1422, %rem3A_1413 : i32
      %broadcast_in_dim3A_1424 = vector.broadcast %select_n3A_1423 : i32 to vector<16xi32>
      %broadcast_in_dim3A_1425 = vector.broadcast %add3A_1386 : i32 to vector<16xi32>
      %add3A_1426 = arith.constant 0 : i32
      %add3A_1427 = vector.broadcast %add3A_1426 : i32 to vector<16xi32>
      %add3A_1428 = arith.addi %iota3A, %add3A_1427 : vector<16xi32>
      %gather3A_1429 = tpu.vector_load_idx %arg6[%broadcast_in_dim3A_1407, %add3A_1428, %broadcast_in_dim3A_1424] : memref<8x32x128xf32, #tpu.memory_space<vmem>>[vector<16xi32>, vector<16xi32>, vector<16xi32>], vector<16xf32>,
      %add3A_1430 = arith.constant 0 : i32
      %add3A_1431 = vector.broadcast %add3A_1430 : i32 to vector<16xi32>
      %add3A_1432 = arith.addi %iota3A, %add3A_1431 : vector<16xi32>
      tpu.vector_store_idx %arg7[%add3A_1432, %broadcast_in_dim3A_1425], %gather3A_1429 : memref<32x512xf32, #tpu.memory_space<vmem>>[vector<16xi32>, vector<16xi32>], vector<16xf32>,
      %add3A_1433 = arith.constant 16 : i32
      %add3A_1434 = vector.broadcast %add3A_1433 : i32 to vector<16xi32>
      %add3A_1435 = arith.addi %iota3A, %add3A_1434 : vector<16xi32>
      %gather3A_1436 = tpu.vector_load_idx %arg6[%broadcast_in_dim3A_1407, %add3A_1435, %broadcast_in_dim3A_1424] : memref<8x32x128xf32, #tpu.memory_space<vmem>>[vector<16xi32>, vector<16xi32>, vector<16xi32>], vector<16xf32>,
      %add3A_1437 = arith.constant 16 : i32
      %add3A_1438 = vector.broadcast %add3A_1437 : i32 to vector<16xi32>
      %add3A_1439 = arith.addi %iota3A, %add3A_1438 : vector<16xi32>
      tpu.vector_store_idx %arg7[%add3A_1439, %broadcast_in_dim3A_1425], %gather3A_1436 : memref<32x512xf32, #tpu.memory_space<vmem>>[vector<16xi32>, vector<16xi32>], vector<16xf32>,
      %add3A_1440 = arith.constant 2 : i32
      %add3A_1441 = arith.addi %mul3A_1100, %add3A_1440 : i32
      %add3A_1442 = arith.constant 8 : i32
      %add3A_1443 = arith.addi %add3A_1441, %add3A_1442 : i32
      %get3A_1444 = arith.index_cast %add3A_1443 : i32 to index
      %get3A_1445 = tpu.vector_load %arg5[%get3A_1444] {strides = array<i32>} : memref<528xi32, #tpu.memory_space<vmem>>, vector<16xi32>,
      %slice3A_1446 = vector.extract_strided_slice %get3A_1445 {offsets = [0], sizes = [1], strides = [1]} : vector<16xi32> to vector<1xi32>
      %squeeze3A_1447 = vector.extract %slice3A_1446[0] : i32 from vector<1xi32>
      %jit3A_1448 = arith.constant 128 : i32
      %div3A_1449 = arith.divsi %squeeze3A_1447, %jit3A_1448 : i32
      %sign3A_1450 = arith.constant 0 : i32
      %sign3A_1451 = arith.cmpi sgt, %squeeze3A_1447, %sign3A_1450 : i32
      %sign3A_1452 = arith.extui %sign3A_1451 : i1 to i32
      %sign3A_1453 = arith.constant 0 : i32
      %sign3A_1454 = arith.cmpi slt, %squeeze3A_1447, %sign3A_1453 : i32
      %sign3A_1455 = arith.extui %sign3A_1454 : i1 to i32
      %sign3A_1456 = arith.subi %sign3A_1452, %sign3A_1455 : i32
      %sign3A_1457 = arith.constant 0 : i32
      %sign3A_1458 = arith.cmpi sgt, %jit3A_1448, %sign3A_1457 : i32
      %sign3A_1459 = arith.extui %sign3A_1458 : i1 to i32
      %sign3A_1460 = arith.constant 0 : i32
      %sign3A_1461 = arith.cmpi slt, %jit3A_1448, %sign3A_1460 : i32
      %sign3A_1462 = arith.extui %sign3A_1461 : i1 to i32
      %sign3A_1463 = arith.subi %sign3A_1459, %sign3A_1462 : i32
      %ne3A_1464 = arith.cmpi ne, %sign3A_1456, %sign3A_1463 : i32
      %rem3A_1465 = arith.remsi %squeeze3A_1447, %jit3A_1448 : i32
      %ne3A_1466 = arith.constant 0 : i32
      %ne3A_1467 = arith.cmpi ne, %rem3A_1465, %ne3A_1466 : i32
      %and3A_1468 = arith.andi %ne3A_1464, %ne3A_1467 : i1
      %sub3A_1469 = arith.constant 1 : i32
      %sub3A_1470 = arith.subi %div3A_1449, %sub3A_1469 : i32
      %select_n3A_1471 = arith.select %and3A_1468, %sub3A_1470, %div3A_1449 : i32
      %mul3A_1472 = arith.constant 128 : i32
      %mul3A_1473 = arith.muli %select_n3A_1471, %mul3A_1472 : i32
      %multiple_of3A_1474 = tpu.assume_multiple %mul3A_1473, 128 : i32
      %dma_start3A_1475 = arith.constant 2 : i32
      %dma_start3A_1476 = arith.constant 0 : i32
      %dma_start3A_1477 = arith.constant 0 : i32
      %dma_start3A_1478 = tpu.memref_slice %arg6[%dma_start3A_1475, %dma_start3A_1476, %dma_start3A_1477] : memref<8x32x128xf32, #tpu.memory_space<vmem>> -> memref<1x8x128xf32, #tpu.memory_space<vmem>>
      %dma_start3A_1479 = tpu.memref_squeeze %dma_start3A_1478 : memref<1x8x128xf32, #tpu.memory_space<vmem>> -> memref<8x128xf32, #tpu.memory_space<vmem>>
      %dma_start3A_1480 = arith.constant 0 : i32
      %dma_start3A_1481 = tpu.memref_slice %arg3[%dma_start3A_1480, %multiple_of3A_1474] : memref<32x1000000xf32, #tpu.memory_space<hbm>> -> memref<8x128xf32, #tpu.memory_space<hbm>>
      %dma_start3A_1482 = arith.constant 0 : i32
      %dma_start3A_1483 = arith.constant 0 : i32
      %dma_start3A_1484 = tpu.memref_slice %arg6[%dma_start3A_1475, %dma_start3A_1482, %dma_start3A_1483] : memref<8x32x128xf32, #tpu.memory_space<vmem>> -> memref<1x8x128xf32, #tpu.memory_space<vmem>>
      %dma_start3A_1485 = tpu.memref_squeeze %dma_start3A_1484 : memref<1x8x128xf32, #tpu.memory_space<vmem>> -> memref<8x128xf32, #tpu.memory_space<vmem>>
      %dma_start3A_1486 = arith.constant 0 : i32
      %dma_start3A_1487 = tpu.memref_slice %arg3[%dma_start3A_1486, %multiple_of3A_1474] : memref<32x1000000xf32, #tpu.memory_space<hbm>> -> memref<8x128xf32, #tpu.memory_space<hbm>>
      tpu.enqueue_dma source(%dma_start3A_1487 : memref<8x128xf32, #tpu.memory_space<hbm>>) target(%dma_start3A_1485 : memref<8x128xf32, #tpu.memory_space<vmem>>) target_semaphore(%arg11 : memref<!tpu.dma_semaphore, #tpu.memory_space<semaphore_mem>>)
      %dma_start3A_1488 = arith.constant 2 : i32
      %dma_start3A_1489 = arith.constant 8 : i32
      %dma_start3A_1490 = arith.constant 0 : i32
      %dma_start3A_1491 = tpu.memref_slice %arg6[%dma_start3A_1488, %dma_start3A_1489, %dma_start3A_1490] : memref<8x32x128xf32, #tpu.memory_space<vmem>> -> memref<1x8x128xf32, #tpu.memory_space<vmem>>
      %dma_start3A_1492 = tpu.memref_squeeze %dma_start3A_1491 : memref<1x8x128xf32, #tpu.memory_space<vmem>> -> memref<8x128xf32, #tpu.memory_space<vmem>>
      %dma_start3A_1493 = arith.constant 8 : i32
      %dma_start3A_1494 = tpu.memref_slice %arg3[%dma_start3A_1493, %multiple_of3A_1474] : memref<32x1000000xf32, #tpu.memory_space<hbm>> -> memref<8x128xf32, #tpu.memory_space<hbm>>
      %dma_start3A_1495 = arith.constant 8 : i32
      %dma_start3A_1496 = arith.constant 0 : i32
      %dma_start3A_1497 = tpu.memref_slice %arg6[%dma_start3A_1488, %dma_start3A_1495, %dma_start3A_1496] : memref<8x32x128xf32, #tpu.memory_space<vmem>> -> memref<1x8x128xf32, #tpu.memory_space<vmem>>
      %dma_start3A_1498 = tpu.memref_squeeze %dma_start3A_1497 : memref<1x8x128xf32, #tpu.memory_space<vmem>> -> memref<8x128xf32, #tpu.memory_space<vmem>>
      %dma_start3A_1499 = arith.constant 8 : i32
      %dma_start3A_1500 = tpu.memref_slice %arg3[%dma_start3A_1499, %multiple_of3A_1474] : memref<32x1000000xf32, #tpu.memory_space<hbm>> -> memref<8x128xf32, #tpu.memory_space<hbm>>
      tpu.enqueue_dma source(%dma_start3A_1500 : memref<8x128xf32, #tpu.memory_space<hbm>>) target(%dma_start3A_1498 : memref<8x128xf32, #tpu.memory_space<vmem>>) target_semaphore(%arg11 : memref<!tpu.dma_semaphore, #tpu.memory_space<semaphore_mem>>)
      %dma_start3A_1501 = arith.constant 2 : i32
      %dma_start3A_1502 = arith.constant 16 : i32
      %dma_start3A_1503 = arith.constant 0 : i32
      %dma_start3A_1504 = tpu.memref_slice %arg6[%dma_start3A_1501, %dma_start3A_1502, %dma_start3A_1503] : memref<8x32x128xf32, #tpu.memory_space<vmem>> -> memref<1x8x128xf32, #tpu.memory_space<vmem>>
      %dma_start3A_1505 = tpu.memref_squeeze %dma_start3A_1504 : memref<1x8x128xf32, #tpu.memory_space<vmem>> -> memref<8x128xf32, #tpu.memory_space<vmem>>
      %dma_start3A_1506 = arith.constant 16 : i32
      %dma_start3A_1507 = tpu.memref_slice %arg3[%dma_start3A_1506, %multiple_of3A_1474] : memref<32x1000000xf32, #tpu.memory_space<hbm>> -> memref<8x128xf32, #tpu.memory_space<hbm>>
      %dma_start3A_1508 = arith.constant 16 : i32
      %dma_start3A_1509 = arith.constant 0 : i32
      %dma_start3A_1510 = tpu.memref_slice %arg6[%dma_start3A_1501, %dma_start3A_1508, %dma_start3A_1509] : memref<8x32x128xf32, #tpu.memory_space<vmem>> -> memref<1x8x128xf32, #tpu.memory_space<vmem>>
      %dma_start3A_1511 = tpu.memref_squeeze %dma_start3A_1510 : memref<1x8x128xf32, #tpu.memory_space<vmem>> -> memref<8x128xf32, #tpu.memory_space<vmem>>
      %dma_start3A_1512 = arith.constant 16 : i32
      %dma_start3A_1513 = tpu.memref_slice %arg3[%dma_start3A_1512, %multiple_of3A_1474] : memref<32x1000000xf32, #tpu.memory_space<hbm>> -> memref<8x128xf32, #tpu.memory_space<hbm>>
      tpu.enqueue_dma source(%dma_start3A_1513 : memref<8x128xf32, #tpu.memory_space<hbm>>) target(%dma_start3A_1511 : memref<8x128xf32, #tpu.memory_space<vmem>>) target_semaphore(%arg11 : memref<!tpu.dma_semaphore, #tpu.memory_space<semaphore_mem>>)
      %dma_start3A_1514 = arith.constant 2 : i32
      %dma_start3A_1515 = arith.constant 24 : i32
      %dma_start3A_1516 = arith.constant 0 : i32
      %dma_start3A_1517 = tpu.memref_slice %arg6[%dma_start3A_1514, %dma_start3A_1515, %dma_start3A_1516] : memref<8x32x128xf32, #tpu.memory_space<vmem>> -> memref<1x8x128xf32, #tpu.memory_space<vmem>>
      %dma_start3A_1518 = tpu.memref_squeeze %dma_start3A_1517 : memref<1x8x128xf32, #tpu.memory_space<vmem>> -> memref<8x128xf32, #tpu.memory_space<vmem>>
      %dma_start3A_1519 = arith.constant 24 : i32
      %dma_start3A_1520 = tpu.memref_slice %arg3[%dma_start3A_1519, %multiple_of3A_1474] : memref<32x1000000xf32, #tpu.memory_space<hbm>> -> memref<8x128xf32, #tpu.memory_space<hbm>>
      %dma_start3A_1521 = arith.constant 24 : i32
      %dma_start3A_1522 = arith.constant 0 : i32
      %dma_start3A_1523 = tpu.memref_slice %arg6[%dma_start3A_1514, %dma_start3A_1521, %dma_start3A_1522] : memref<8x32x128xf32, #tpu.memory_space<vmem>> -> memref<1x8x128xf32, #tpu.memory_space<vmem>>
      %dma_start3A_1524 = tpu.memref_squeeze %dma_start3A_1523 : memref<1x8x128xf32, #tpu.memory_space<vmem>> -> memref<8x128xf32, #tpu.memory_space<vmem>>
      %dma_start3A_1525 = arith.constant 24 : i32
      %dma_start3A_1526 = tpu.memref_slice %arg3[%dma_start3A_1525, %multiple_of3A_1474] : memref<32x1000000xf32, #tpu.memory_space<hbm>> -> memref<8x128xf32, #tpu.memory_space<hbm>>
      tpu.enqueue_dma source(%dma_start3A_1526 : memref<8x128xf32, #tpu.memory_space<hbm>>) target(%dma_start3A_1524 : memref<8x128xf32, #tpu.memory_space<vmem>>) target_semaphore(%arg11 : memref<!tpu.dma_semaphore, #tpu.memory_space<semaphore_mem>>)
      %add3A_1527 = arith.constant 3 : i32
      %add3A_1528 = arith.addi %mul3A_1100, %add3A_1527 : i32
      %dma_wait3A_1529 = arith.constant 3 : i32
      %dma_wait3A_1530 = arith.constant 0 : i32
      %dma_wait3A_1531 = arith.constant 0 : i32
      %dma_wait3A_1532 = tpu.memref_slice %arg6[%dma_wait3A_1529, %dma_wait3A_1530, %dma_wait3A_1531] : memref<8x32x128xf32, #tpu.memory_space<vmem>> -> memref<1x32x128xf32, #tpu.memory_space<vmem>>
      %dma_wait3A_1533 = tpu.memref_squeeze %dma_wait3A_1532 : memref<1x32x128xf32, #tpu.memory_space<vmem>> -> memref<32x128xf32, #tpu.memory_space<vmem>>
      %dma_wait3A_1534 = arith.constant 0 : i32
      %dma_wait3A_1535 = arith.constant 0 : i32
      %dma_wait3A_1536 = tpu.memref_slice %arg3[%dma_wait3A_1534, %dma_wait3A_1535] : memref<32x1000000xf32, #tpu.memory_space<hbm>> -> memref<32x128xf32, #tpu.memory_space<hbm>>
      %dma_wait3A_1537 = arith.constant 0 : i32
      %dma_wait3A_1538 = arith.constant 0 : i32
      %dma_wait3A_1539 = tpu.memref_slice %arg6[%dma_wait3A_1529, %dma_wait3A_1537, %dma_wait3A_1538] : memref<8x32x128xf32, #tpu.memory_space<vmem>> -> memref<1x32x128xf32, #tpu.memory_space<vmem>>
      %dma_wait3A_1540 = tpu.memref_squeeze %dma_wait3A_1539 : memref<1x32x128xf32, #tpu.memory_space<vmem>> -> memref<32x128xf32, #tpu.memory_space<vmem>>
      %dma_wait3A_1541 = arith.constant 0 : i32
      %dma_wait3A_1542 = arith.constant 0 : i32
      %dma_wait3A_1543 = tpu.memref_slice %arg3[%dma_wait3A_1541, %dma_wait3A_1542] : memref<32x1000000xf32, #tpu.memory_space<hbm>> -> memref<32x128xf32, #tpu.memory_space<hbm>>
      tpu.wait_dma2 semaphore(%arg12 : memref<!tpu.dma_semaphore, #tpu.memory_space<semaphore_mem>>) src(%dma_wait3A_1543 : memref<32x128xf32, #tpu.memory_space<hbm>>) dst(%dma_wait3A_1540 : memref<32x128xf32, #tpu.memory_space<vmem>>)
      %get3A_1544 = arith.index_cast %add3A_1528 : i32 to index
      %get3A_1545 = tpu.vector_load %arg5[%get3A_1544] {strides = array<i32>} : memref<528xi32, #tpu.memory_space<vmem>>, vector<16xi32>,
      %slice3A_1546 = vector.extract_strided_slice %get3A_1545 {offsets = [0], sizes = [1], strides = [1]} : vector<16xi32> to vector<1xi32>
      %squeeze3A_1547 = vector.extract %slice3A_1546[0] : i32 from vector<1xi32>
      %broadcast_in_dim3A_1548 = arith.constant 3 : i32
      %broadcast_in_dim3A_1549 = vector.broadcast %broadcast_in_dim3A_1548 : i32 to vector<16xi32>
      %jit3A_1550 = arith.constant 128 : i32
      %eq3A_1551 = arith.constant 0 : i32
      %eq3A_1552 = arith.cmpi eq, %jit3A_1550, %eq3A_1551 : i32
      %jit3A_1553 = arith.constant 1 : i32
      %select_n3A_1554 = arith.select %eq3A_1552, %jit3A_1553, %jit3A_1550 : i32
      %rem3A_1555 = arith.remsi %squeeze3A_1547, %select_n3A_1554 : i32
      %ne3A_1556 = arith.constant 0 : i32
      %ne3A_1557 = arith.cmpi ne, %rem3A_1555, %ne3A_1556 : i32
      %lt3A_1558 = arith.constant 0 : i32
      %lt3A_1559 = arith.cmpi slt, %rem3A_1555, %lt3A_1558 : i32
      %lt3A_1560 = arith.constant 0 : i32
      %lt3A_1561 = arith.cmpi slt, %select_n3A_1554, %lt3A_1560 : i32
      %ne3A_1562 = arith.xori %lt3A_1559, %lt3A_1561 : i1
      %and3A_1563 = arith.andi %ne3A_1562, %ne3A_1557 : i1
      %add3A_1564 = arith.addi %rem3A_1555, %select_n3A_1554 : i32
      %select_n3A_1565 = arith.select %and3A_1563, %add3A_1564, %rem3A_1555 : i32
      %broadcast_in_dim3A_1566 = vector.broadcast %select_n3A_1565 : i32 to vector<16xi32>
      %broadcast_in_dim3A_1567 = vector.broadcast %add3A_1528 : i32 to vector<16xi32>
      %add3A_1568 = arith.constant 0 : i32
      %add3A_1569 = vector.broadcast %add3A_1568 : i32 to vector<16xi32>
      %add3A_1570 = arith.addi %iota3A, %add3A_1569 : vector<16xi32>
      %gather3A_1571 = tpu.vector_load_idx %arg6[%broadcast_in_dim3A_1549, %add3A_1570, %broadcast_in_dim3A_1566] : memref<8x32x128xf32, #tpu.memory_space<vmem>>[vector<16xi32>, vector<16xi32>, vector<16xi32>], vector<16xf32>,
      %add3A_1572 = arith.constant 0 : i32
      %add3A_1573 = vector.broadcast %add3A_1572 : i32 to vector<16xi32>
      %add3A_1574 = arith.addi %iota3A, %add3A_1573 : vector<16xi32>
      tpu.vector_store_idx %arg7[%add3A_1574, %broadcast_in_dim3A_1567], %gather3A_1571 : memref<32x512xf32, #tpu.memory_space<vmem>>[vector<16xi32>, vector<16xi32>], vector<16xf32>,
      %add3A_1575 = arith.constant 16 : i32
      %add3A_1576 = vector.broadcast %add3A_1575 : i32 to vector<16xi32>
      %add3A_1577 = arith.addi %iota3A, %add3A_1576 : vector<16xi32>
      %gather3A_1578 = tpu.vector_load_idx %arg6[%broadcast_in_dim3A_1549, %add3A_1577, %broadcast_in_dim3A_1566] : memref<8x32x128xf32, #tpu.memory_space<vmem>>[vector<16xi32>, vector<16xi32>, vector<16xi32>], vector<16xf32>,
      %add3A_1579 = arith.constant 16 : i32
      %add3A_1580 = vector.broadcast %add3A_1579 : i32 to vector<16xi32>
      %add3A_1581 = arith.addi %iota3A, %add3A_1580 : vector<16xi32>
      tpu.vector_store_idx %arg7[%add3A_1581, %broadcast_in_dim3A_1567], %gather3A_1578 : memref<32x512xf32, #tpu.memory_space<vmem>>[vector<16xi32>, vector<16xi32>], vector<16xf32>,
      %add3A_1582 = arith.constant 3 : i32
      %add3A_1583 = arith.addi %mul3A_1100, %add3A_1582 : i32
      %add3A_1584 = arith.constant 8 : i32
      %add3A_1585 = arith.addi %add3A_1583, %add3A_1584 : i32
      %get3A_1586 = arith.index_cast %add3A_1585 : i32 to index
      %get3A_1587 = tpu.vector_load %arg5[%get3A_1586] {strides = array<i32>} : memref<528xi32, #tpu.memory_space<vmem>>, vector<16xi32>,
      %slice3A_1588 = vector.extract_strided_slice %get3A_1587 {offsets = [0], sizes = [1], strides = [1]} : vector<16xi32> to vector<1xi32>
      %squeeze3A_1589 = vector.extract %slice3A_1588[0] : i32 from vector<1xi32>
      %jit3A_1590 = arith.constant 128 : i32
      %div3A_1591 = arith.divsi %squeeze3A_1589, %jit3A_1590 : i32
      %sign3A_1592 = arith.constant 0 : i32
      %sign3A_1593 = arith.cmpi sgt, %squeeze3A_1589, %sign3A_1592 : i32
      %sign3A_1594 = arith.extui %sign3A_1593 : i1 to i32
      %sign3A_1595 = arith.constant 0 : i32
      %sign3A_1596 = arith.cmpi slt, %squeeze3A_1589, %sign3A_1595 : i32
      %sign3A_1597 = arith.extui %sign3A_1596 : i1 to i32
      %sign3A_1598 = arith.subi %sign3A_1594, %sign3A_1597 : i32
      %sign3A_1599 = arith.constant 0 : i32
      %sign3A_1600 = arith.cmpi sgt, %jit3A_1590, %sign3A_1599 : i32
      %sign3A_1601 = arith.extui %sign3A_1600 : i1 to i32
      %sign3A_1602 = arith.constant 0 : i32
      %sign3A_1603 = arith.cmpi slt, %jit3A_1590, %sign3A_1602 : i32
      %sign3A_1604 = arith.extui %sign3A_1603 : i1 to i32
      %sign3A_1605 = arith.subi %sign3A_1601, %sign3A_1604 : i32
      %ne3A_1606 = arith.cmpi ne, %sign3A_1598, %sign3A_1605 : i32
      %rem3A_1607 = arith.remsi %squeeze3A_1589, %jit3A_1590 : i32
      %ne3A_1608 = arith.constant 0 : i32
      %ne3A_1609 = arith.cmpi ne, %rem3A_1607, %ne3A_1608 : i32
      %and3A_1610 = arith.andi %ne3A_1606, %ne3A_1609 : i1
      %sub3A_1611 = arith.constant 1 : i32
      %sub3A_1612 = arith.subi %div3A_1591, %sub3A_1611 : i32
      %select_n3A_1613 = arith.select %and3A_1610, %sub3A_1612, %div3A_1591 : i32
      %mul3A_1614 = arith.constant 128 : i32
      %mul3A_1615 = arith.muli %select_n3A_1613, %mul3A_1614 : i32
      %multiple_of3A_1616 = tpu.assume_multiple %mul3A_1615, 128 : i32
      %dma_start3A_1617 = arith.constant 3 : i32
      %dma_start3A_1618 = arith.constant 0 : i32
      %dma_start3A_1619 = arith.constant 0 : i32
      %dma_start3A_1620 = tpu.memref_slice %arg6[%dma_start3A_1617, %dma_start3A_1618, %dma_start3A_1619] : memref<8x32x128xf32, #tpu.memory_space<vmem>> -> memref<1x8x128xf32, #tpu.memory_space<vmem>>
      %dma_start3A_1621 = tpu.memref_squeeze %dma_start3A_1620 : memref<1x8x128xf32, #tpu.memory_space<vmem>> -> memref<8x128xf32, #tpu.memory_space<vmem>>
      %dma_start3A_1622 = arith.constant 0 : i32
      %dma_start3A_1623 = tpu.memref_slice %arg3[%dma_start3A_1622, %multiple_of3A_1616] : memref<32x1000000xf32, #tpu.memory_space<hbm>> -> memref<8x128xf32, #tpu.memory_space<hbm>>
      %dma_start3A_1624 = arith.constant 0 : i32
      %dma_start3A_1625 = arith.constant 0 : i32
      %dma_start3A_1626 = tpu.memref_slice %arg6[%dma_start3A_1617, %dma_start3A_1624, %dma_start3A_1625] : memref<8x32x128xf32, #tpu.memory_space<vmem>> -> memref<1x8x128xf32, #tpu.memory_space<vmem>>
      %dma_start3A_1627 = tpu.memref_squeeze %dma_start3A_1626 : memref<1x8x128xf32, #tpu.memory_space<vmem>> -> memref<8x128xf32, #tpu.memory_space<vmem>>
      %dma_start3A_1628 = arith.constant 0 : i32
      %dma_start3A_1629 = tpu.memref_slice %arg3[%dma_start3A_1628, %multiple_of3A_1616] : memref<32x1000000xf32, #tpu.memory_space<hbm>> -> memref<8x128xf32, #tpu.memory_space<hbm>>
      tpu.enqueue_dma source(%dma_start3A_1629 : memref<8x128xf32, #tpu.memory_space<hbm>>) target(%dma_start3A_1627 : memref<8x128xf32, #tpu.memory_space<vmem>>) target_semaphore(%arg12 : memref<!tpu.dma_semaphore, #tpu.memory_space<semaphore_mem>>)
      %dma_start3A_1630 = arith.constant 3 : i32
      %dma_start3A_1631 = arith.constant 8 : i32
      %dma_start3A_1632 = arith.constant 0 : i32
      %dma_start3A_1633 = tpu.memref_slice %arg6[%dma_start3A_1630, %dma_start3A_1631, %dma_start3A_1632] : memref<8x32x128xf32, #tpu.memory_space<vmem>> -> memref<1x8x128xf32, #tpu.memory_space<vmem>>
      %dma_start3A_1634 = tpu.memref_squeeze %dma_start3A_1633 : memref<1x8x128xf32, #tpu.memory_space<vmem>> -> memref<8x128xf32, #tpu.memory_space<vmem>>
      %dma_start3A_1635 = arith.constant 8 : i32
      %dma_start3A_1636 = tpu.memref_slice %arg3[%dma_start3A_1635, %multiple_of3A_1616] : memref<32x1000000xf32, #tpu.memory_space<hbm>> -> memref<8x128xf32, #tpu.memory_space<hbm>>
      %dma_start3A_1637 = arith.constant 8 : i32
      %dma_start3A_1638 = arith.constant 0 : i32
      %dma_start3A_1639 = tpu.memref_slice %arg6[%dma_start3A_1630, %dma_start3A_1637, %dma_start3A_1638] : memref<8x32x128xf32, #tpu.memory_space<vmem>> -> memref<1x8x128xf32, #tpu.memory_space<vmem>>
      %dma_start3A_1640 = tpu.memref_squeeze %dma_start3A_1639 : memref<1x8x128xf32, #tpu.memory_space<vmem>> -> memref<8x128xf32, #tpu.memory_space<vmem>>
      %dma_start3A_1641 = arith.constant 8 : i32
      %dma_start3A_1642 = tpu.memref_slice %arg3[%dma_start3A_1641, %multiple_of3A_1616] : memref<32x1000000xf32, #tpu.memory_space<hbm>> -> memref<8x128xf32, #tpu.memory_space<hbm>>
      tpu.enqueue_dma source(%dma_start3A_1642 : memref<8x128xf32, #tpu.memory_space<hbm>>) target(%dma_start3A_1640 : memref<8x128xf32, #tpu.memory_space<vmem>>) target_semaphore(%arg12 : memref<!tpu.dma_semaphore, #tpu.memory_space<semaphore_mem>>)
      %dma_start3A_1643 = arith.constant 3 : i32
      %dma_start3A_1644 = arith.constant 16 : i32
      %dma_start3A_1645 = arith.constant 0 : i32
      %dma_start3A_1646 = tpu.memref_slice %arg6[%dma_start3A_1643, %dma_start3A_1644, %dma_start3A_1645] : memref<8x32x128xf32, #tpu.memory_space<vmem>> -> memref<1x8x128xf32, #tpu.memory_space<vmem>>
      %dma_start3A_1647 = tpu.memref_squeeze %dma_start3A_1646 : memref<1x8x128xf32, #tpu.memory_space<vmem>> -> memref<8x128xf32, #tpu.memory_space<vmem>>
      %dma_start3A_1648 = arith.constant 16 : i32
      %dma_start3A_1649 = tpu.memref_slice %arg3[%dma_start3A_1648, %multiple_of3A_1616] : memref<32x1000000xf32, #tpu.memory_space<hbm>> -> memref<8x128xf32, #tpu.memory_space<hbm>>
      %dma_start3A_1650 = arith.constant 16 : i32
      %dma_start3A_1651 = arith.constant 0 : i32
      %dma_start3A_1652 = tpu.memref_slice %arg6[%dma_start3A_1643, %dma_start3A_1650, %dma_start3A_1651] : memref<8x32x128xf32, #tpu.memory_space<vmem>> -> memref<1x8x128xf32, #tpu.memory_space<vmem>>
      %dma_start3A_1653 = tpu.memref_squeeze %dma_start3A_1652 : memref<1x8x128xf32, #tpu.memory_space<vmem>> -> memref<8x128xf32, #tpu.memory_space<vmem>>
      %dma_start3A_1654 = arith.constant 16 : i32
      %dma_start3A_1655 = tpu.memref_slice %arg3[%dma_start3A_1654, %multiple_of3A_1616] : memref<32x1000000xf32, #tpu.memory_space<hbm>> -> memref<8x128xf32, #tpu.memory_space<hbm>>
      tpu.enqueue_dma source(%dma_start3A_1655 : memref<8x128xf32, #tpu.memory_space<hbm>>) target(%dma_start3A_1653 : memref<8x128xf32, #tpu.memory_space<vmem>>) target_semaphore(%arg12 : memref<!tpu.dma_semaphore, #tpu.memory_space<semaphore_mem>>)
      %dma_start3A_1656 = arith.constant 3 : i32
      %dma_start3A_1657 = arith.constant 24 : i32
      %dma_start3A_1658 = arith.constant 0 : i32
      %dma_start3A_1659 = tpu.memref_slice %arg6[%dma_start3A_1656, %dma_start3A_1657, %dma_start3A_1658] : memref<8x32x128xf32, #tpu.memory_space<vmem>> -> memref<1x8x128xf32, #tpu.memory_space<vmem>>
      %dma_start3A_1660 = tpu.memref_squeeze %dma_start3A_1659 : memref<1x8x128xf32, #tpu.memory_space<vmem>> -> memref<8x128xf32, #tpu.memory_space<vmem>>
      %dma_start3A_1661 = arith.constant 24 : i32
      %dma_start3A_1662 = tpu.memref_slice %arg3[%dma_start3A_1661, %multiple_of3A_1616] : memref<32x1000000xf32, #tpu.memory_space<hbm>> -> memref<8x128xf32, #tpu.memory_space<hbm>>
      %dma_start3A_1663 = arith.constant 24 : i32
      %dma_start3A_1664 = arith.constant 0 : i32
      %dma_start3A_1665 = tpu.memref_slice %arg6[%dma_start3A_1656, %dma_start3A_1663, %dma_start3A_1664] : memref<8x32x128xf32, #tpu.memory_space<vmem>> -> memref<1x8x128xf32, #tpu.memory_space<vmem>>
      %dma_start3A_1666 = tpu.memref_squeeze %dma_start3A_1665 : memref<1x8x128xf32, #tpu.memory_space<vmem>> -> memref<8x128xf32, #tpu.memory_space<vmem>>
      %dma_start3A_1667 = arith.constant 24 : i32
      %dma_start3A_1668 = tpu.memref_slice %arg3[%dma_start3A_1667, %multiple_of3A_1616] : memref<32x1000000xf32, #tpu.memory_space<hbm>> -> memref<8x128xf32, #tpu.memory_space<hbm>>
      tpu.enqueue_dma source(%dma_start3A_1668 : memref<8x128xf32, #tpu.memory_space<hbm>>) target(%dma_start3A_1666 : memref<8x128xf32, #tpu.memory_space<vmem>>) target_semaphore(%arg12 : memref<!tpu.dma_semaphore, #tpu.memory_space<semaphore_mem>>)
      %add3A_1669 = arith.constant 4 : i32
      %add3A_1670 = arith.addi %mul3A_1100, %add3A_1669 : i32
      %dma_wait3A_1671 = arith.constant 4 : i32
      %dma_wait3A_1672 = arith.constant 0 : i32
      %dma_wait3A_1673 = arith.constant 0 : i32
      %dma_wait3A_1674 = tpu.memref_slice %arg6[%dma_wait3A_1671, %dma_wait3A_1672, %dma_wait3A_1673] : memref<8x32x128xf32, #tpu.memory_space<vmem>> -> memref<1x32x128xf32, #tpu.memory_space<vmem>>
      %dma_wait3A_1675 = tpu.memref_squeeze %dma_wait3A_1674 : memref<1x32x128xf32, #tpu.memory_space<vmem>> -> memref<32x128xf32, #tpu.memory_space<vmem>>
      %dma_wait3A_1676 = arith.constant 0 : i32
      %dma_wait3A_1677 = arith.constant 0 : i32
      %dma_wait3A_1678 = tpu.memref_slice %arg3[%dma_wait3A_1676, %dma_wait3A_1677] : memref<32x1000000xf32, #tpu.memory_space<hbm>> -> memref<32x128xf32, #tpu.memory_space<hbm>>
      %dma_wait3A_1679 = arith.constant 0 : i32
      %dma_wait3A_1680 = arith.constant 0 : i32
      %dma_wait3A_1681 = tpu.memref_slice %arg6[%dma_wait3A_1671, %dma_wait3A_1679, %dma_wait3A_1680] : memref<8x32x128xf32, #tpu.memory_space<vmem>> -> memref<1x32x128xf32, #tpu.memory_space<vmem>>
      %dma_wait3A_1682 = tpu.memref_squeeze %dma_wait3A_1681 : memref<1x32x128xf32, #tpu.memory_space<vmem>> -> memref<32x128xf32, #tpu.memory_space<vmem>>
      %dma_wait3A_1683 = arith.constant 0 : i32
      %dma_wait3A_1684 = arith.constant 0 : i32
      %dma_wait3A_1685 = tpu.memref_slice %arg3[%dma_wait3A_1683, %dma_wait3A_1684] : memref<32x1000000xf32, #tpu.memory_space<hbm>> -> memref<32x128xf32, #tpu.memory_space<hbm>>
      tpu.wait_dma2 semaphore(%arg13 : memref<!tpu.dma_semaphore, #tpu.memory_space<semaphore_mem>>) src(%dma_wait3A_1685 : memref<32x128xf32, #tpu.memory_space<hbm>>) dst(%dma_wait3A_1682 : memref<32x128xf32, #tpu.memory_space<vmem>>)
      %get3A_1686 = arith.index_cast %add3A_1670 : i32 to index
      %get3A_1687 = tpu.vector_load %arg5[%get3A_1686] {strides = array<i32>} : memref<528xi32, #tpu.memory_space<vmem>>, vector<16xi32>,
      %slice3A_1688 = vector.extract_strided_slice %get3A_1687 {offsets = [0], sizes = [1], strides = [1]} : vector<16xi32> to vector<1xi32>
      %squeeze3A_1689 = vector.extract %slice3A_1688[0] : i32 from vector<1xi32>
      %broadcast_in_dim3A_1690 = arith.constant 4 : i32
      %broadcast_in_dim3A_1691 = vector.broadcast %broadcast_in_dim3A_1690 : i32 to vector<16xi32>
      %jit3A_1692 = arith.constant 128 : i32
      %eq3A_1693 = arith.constant 0 : i32
      %eq3A_1694 = arith.cmpi eq, %jit3A_1692, %eq3A_1693 : i32
      %jit3A_1695 = arith.constant 1 : i32
      %select_n3A_1696 = arith.select %eq3A_1694, %jit3A_1695, %jit3A_1692 : i32
      %rem3A_1697 = arith.remsi %squeeze3A_1689, %select_n3A_1696 : i32
      %ne3A_1698 = arith.constant 0 : i32
      %ne3A_1699 = arith.cmpi ne, %rem3A_1697, %ne3A_1698 : i32
      %lt3A_1700 = arith.constant 0 : i32
      %lt3A_1701 = arith.cmpi slt, %rem3A_1697, %lt3A_1700 : i32
      %lt3A_1702 = arith.constant 0 : i32
      %lt3A_1703 = arith.cmpi slt, %select_n3A_1696, %lt3A_1702 : i32
      %ne3A_1704 = arith.xori %lt3A_1701, %lt3A_1703 : i1
      %and3A_1705 = arith.andi %ne3A_1704, %ne3A_1699 : i1
      %add3A_1706 = arith.addi %rem3A_1697, %select_n3A_1696 : i32
      %select_n3A_1707 = arith.select %and3A_1705, %add3A_1706, %rem3A_1697 : i32
      %broadcast_in_dim3A_1708 = vector.broadcast %select_n3A_1707 : i32 to vector<16xi32>
      %broadcast_in_dim3A_1709 = vector.broadcast %add3A_1670 : i32 to vector<16xi32>
      %add3A_1710 = arith.constant 0 : i32
      %add3A_1711 = vector.broadcast %add3A_1710 : i32 to vector<16xi32>
      %add3A_1712 = arith.addi %iota3A, %add3A_1711 : vector<16xi32>
      %gather3A_1713 = tpu.vector_load_idx %arg6[%broadcast_in_dim3A_1691, %add3A_1712, %broadcast_in_dim3A_1708] : memref<8x32x128xf32, #tpu.memory_space<vmem>>[vector<16xi32>, vector<16xi32>, vector<16xi32>], vector<16xf32>,
      %add3A_1714 = arith.constant 0 : i32
      %add3A_1715 = vector.broadcast %add3A_1714 : i32 to vector<16xi32>
      %add3A_1716 = arith.addi %iota3A, %add3A_1715 : vector<16xi32>
      tpu.vector_store_idx %arg7[%add3A_1716, %broadcast_in_dim3A_1709], %gather3A_1713 : memref<32x512xf32, #tpu.memory_space<vmem>>[vector<16xi32>, vector<16xi32>], vector<16xf32>,
      %add3A_1717 = arith.constant 16 : i32
      %add3A_1718 = vector.broadcast %add3A_1717 : i32 to vector<16xi32>
      %add3A_1719 = arith.addi %iota3A, %add3A_1718 : vector<16xi32>
      %gather3A_1720 = tpu.vector_load_idx %arg6[%broadcast_in_dim3A_1691, %add3A_1719, %broadcast_in_dim3A_1708] : memref<8x32x128xf32, #tpu.memory_space<vmem>>[vector<16xi32>, vector<16xi32>, vector<16xi32>], vector<16xf32>,
      %add3A_1721 = arith.constant 16 : i32
      %add3A_1722 = vector.broadcast %add3A_1721 : i32 to vector<16xi32>
      %add3A_1723 = arith.addi %iota3A, %add3A_1722 : vector<16xi32>
      tpu.vector_store_idx %arg7[%add3A_1723, %broadcast_in_dim3A_1709], %gather3A_1720 : memref<32x512xf32, #tpu.memory_space<vmem>>[vector<16xi32>, vector<16xi32>], vector<16xf32>,
      %add3A_1724 = arith.constant 4 : i32
      %add3A_1725 = arith.addi %mul3A_1100, %add3A_1724 : i32
      %add3A_1726 = arith.constant 8 : i32
      %add3A_1727 = arith.addi %add3A_1725, %add3A_1726 : i32
      %get3A_1728 = arith.index_cast %add3A_1727 : i32 to index
      %get3A_1729 = tpu.vector_load %arg5[%get3A_1728] {strides = array<i32>} : memref<528xi32, #tpu.memory_space<vmem>>, vector<16xi32>,
      %slice3A_1730 = vector.extract_strided_slice %get3A_1729 {offsets = [0], sizes = [1], strides = [1]} : vector<16xi32> to vector<1xi32>
      %squeeze3A_1731 = vector.extract %slice3A_1730[0] : i32 from vector<1xi32>
      %jit3A_1732 = arith.constant 128 : i32
      %div3A_1733 = arith.divsi %squeeze3A_1731, %jit3A_1732 : i32
      %sign3A_1734 = arith.constant 0 : i32
      %sign3A_1735 = arith.cmpi sgt, %squeeze3A_1731, %sign3A_1734 : i32
      %sign3A_1736 = arith.extui %sign3A_1735 : i1 to i32
      %sign3A_1737 = arith.constant 0 : i32
      %sign3A_1738 = arith.cmpi slt, %squeeze3A_1731, %sign3A_1737 : i32
      %sign3A_1739 = arith.extui %sign3A_1738 : i1 to i32
      %sign3A_1740 = arith.subi %sign3A_1736, %sign3A_1739 : i32
      %sign3A_1741 = arith.constant 0 : i32
      %sign3A_1742 = arith.cmpi sgt, %jit3A_1732, %sign3A_1741 : i32
      %sign3A_1743 = arith.extui %sign3A_1742 : i1 to i32
      %sign3A_1744 = arith.constant 0 : i32
      %sign3A_1745 = arith.cmpi slt, %jit3A_1732, %sign3A_1744 : i32
      %sign3A_1746 = arith.extui %sign3A_1745 : i1 to i32
      %sign3A_1747 = arith.subi %sign3A_1743, %sign3A_1746 : i32
      %ne3A_1748 = arith.cmpi ne, %sign3A_1740, %sign3A_1747 : i32
      %rem3A_1749 = arith.remsi %squeeze3A_1731, %jit3A_1732 : i32
      %ne3A_1750 = arith.constant 0 : i32
      %ne3A_1751 = arith.cmpi ne, %rem3A_1749, %ne3A_1750 : i32
      %and3A_1752 = arith.andi %ne3A_1748, %ne3A_1751 : i1
      %sub3A_1753 = arith.constant 1 : i32
      %sub3A_1754 = arith.subi %div3A_1733, %sub3A_1753 : i32
      %select_n3A_1755 = arith.select %and3A_1752, %sub3A_1754, %div3A_1733 : i32
      %mul3A_1756 = arith.constant 128 : i32
      %mul3A_1757 = arith.muli %select_n3A_1755, %mul3A_1756 : i32
      %multiple_of3A_1758 = tpu.assume_multiple %mul3A_1757, 128 : i32
      %dma_start3A_1759 = arith.constant 4 : i32
      %dma_start3A_1760 = arith.constant 0 : i32
      %dma_start3A_1761 = arith.constant 0 : i32
      %dma_start3A_1762 = tpu.memref_slice %arg6[%dma_start3A_1759, %dma_start3A_1760, %dma_start3A_1761] : memref<8x32x128xf32, #tpu.memory_space<vmem>> -> memref<1x8x128xf32, #tpu.memory_space<vmem>>
      %dma_start3A_1763 = tpu.memref_squeeze %dma_start3A_1762 : memref<1x8x128xf32, #tpu.memory_space<vmem>> -> memref<8x128xf32, #tpu.memory_space<vmem>>
      %dma_start3A_1764 = arith.constant 0 : i32
      %dma_start3A_1765 = tpu.memref_slice %arg3[%dma_start3A_1764, %multiple_of3A_1758] : memref<32x1000000xf32, #tpu.memory_space<hbm>> -> memref<8x128xf32, #tpu.memory_space<hbm>>
      %dma_start3A_1766 = arith.constant 0 : i32
      %dma_start3A_1767 = arith.constant 0 : i32
      %dma_start3A_1768 = tpu.memref_slice %arg6[%dma_start3A_1759, %dma_start3A_1766, %dma_start3A_1767] : memref<8x32x128xf32, #tpu.memory_space<vmem>> -> memref<1x8x128xf32, #tpu.memory_space<vmem>>
      %dma_start3A_1769 = tpu.memref_squeeze %dma_start3A_1768 : memref<1x8x128xf32, #tpu.memory_space<vmem>> -> memref<8x128xf32, #tpu.memory_space<vmem>>
      %dma_start3A_1770 = arith.constant 0 : i32
      %dma_start3A_1771 = tpu.memref_slice %arg3[%dma_start3A_1770, %multiple_of3A_1758] : memref<32x1000000xf32, #tpu.memory_space<hbm>> -> memref<8x128xf32, #tpu.memory_space<hbm>>
      tpu.enqueue_dma source(%dma_start3A_1771 : memref<8x128xf32, #tpu.memory_space<hbm>>) target(%dma_start3A_1769 : memref<8x128xf32, #tpu.memory_space<vmem>>) target_semaphore(%arg13 : memref<!tpu.dma_semaphore, #tpu.memory_space<semaphore_mem>>)
      %dma_start3A_1772 = arith.constant 4 : i32
      %dma_start3A_1773 = arith.constant 8 : i32
      %dma_start3A_1774 = arith.constant 0 : i32
      %dma_start3A_1775 = tpu.memref_slice %arg6[%dma_start3A_1772, %dma_start3A_1773, %dma_start3A_1774] : memref<8x32x128xf32, #tpu.memory_space<vmem>> -> memref<1x8x128xf32, #tpu.memory_space<vmem>>
      %dma_start3A_1776 = tpu.memref_squeeze %dma_start3A_1775 : memref<1x8x128xf32, #tpu.memory_space<vmem>> -> memref<8x128xf32, #tpu.memory_space<vmem>>
      %dma_start3A_1777 = arith.constant 8 : i32
      %dma_start3A_1778 = tpu.memref_slice %arg3[%dma_start3A_1777, %multiple_of3A_1758] : memref<32x1000000xf32, #tpu.memory_space<hbm>> -> memref<8x128xf32, #tpu.memory_space<hbm>>
      %dma_start3A_1779 = arith.constant 8 : i32
      %dma_start3A_1780 = arith.constant 0 : i32
      %dma_start3A_1781 = tpu.memref_slice %arg6[%dma_start3A_1772, %dma_start3A_1779, %dma_start3A_1780] : memref<8x32x128xf32, #tpu.memory_space<vmem>> -> memref<1x8x128xf32, #tpu.memory_space<vmem>>
      %dma_start3A_1782 = tpu.memref_squeeze %dma_start3A_1781 : memref<1x8x128xf32, #tpu.memory_space<vmem>> -> memref<8x128xf32, #tpu.memory_space<vmem>>
      %dma_start3A_1783 = arith.constant 8 : i32
      %dma_start3A_1784 = tpu.memref_slice %arg3[%dma_start3A_1783, %multiple_of3A_1758] : memref<32x1000000xf32, #tpu.memory_space<hbm>> -> memref<8x128xf32, #tpu.memory_space<hbm>>
      tpu.enqueue_dma source(%dma_start3A_1784 : memref<8x128xf32, #tpu.memory_space<hbm>>) target(%dma_start3A_1782 : memref<8x128xf32, #tpu.memory_space<vmem>>) target_semaphore(%arg13 : memref<!tpu.dma_semaphore, #tpu.memory_space<semaphore_mem>>)
      %dma_start3A_1785 = arith.constant 4 : i32
      %dma_start3A_1786 = arith.constant 16 : i32
      %dma_start3A_1787 = arith.constant 0 : i32
      %dma_start3A_1788 = tpu.memref_slice %arg6[%dma_start3A_1785, %dma_start3A_1786, %dma_start3A_1787] : memref<8x32x128xf32, #tpu.memory_space<vmem>> -> memref<1x8x128xf32, #tpu.memory_space<vmem>>
      %dma_start3A_1789 = tpu.memref_squeeze %dma_start3A_1788 : memref<1x8x128xf32, #tpu.memory_space<vmem>> -> memref<8x128xf32, #tpu.memory_space<vmem>>
      %dma_start3A_1790 = arith.constant 16 : i32
      %dma_start3A_1791 = tpu.memref_slice %arg3[%dma_start3A_1790, %multiple_of3A_1758] : memref<32x1000000xf32, #tpu.memory_space<hbm>> -> memref<8x128xf32, #tpu.memory_space<hbm>>
      %dma_start3A_1792 = arith.constant 16 : i32
      %dma_start3A_1793 = arith.constant 0 : i32
      %dma_start3A_1794 = tpu.memref_slice %arg6[%dma_start3A_1785, %dma_start3A_1792, %dma_start3A_1793] : memref<8x32x128xf32, #tpu.memory_space<vmem>> -> memref<1x8x128xf32, #tpu.memory_space<vmem>>
      %dma_start3A_1795 = tpu.memref_squeeze %dma_start3A_1794 : memref<1x8x128xf32, #tpu.memory_space<vmem>> -> memref<8x128xf32, #tpu.memory_space<vmem>>
      %dma_start3A_1796 = arith.constant 16 : i32
      %dma_start3A_1797 = tpu.memref_slice %arg3[%dma_start3A_1796, %multiple_of3A_1758] : memref<32x1000000xf32, #tpu.memory_space<hbm>> -> memref<8x128xf32, #tpu.memory_space<hbm>>
      tpu.enqueue_dma source(%dma_start3A_1797 : memref<8x128xf32, #tpu.memory_space<hbm>>) target(%dma_start3A_1795 : memref<8x128xf32, #tpu.memory_space<vmem>>) target_semaphore(%arg13 : memref<!tpu.dma_semaphore, #tpu.memory_space<semaphore_mem>>)
      %dma_start3A_1798 = arith.constant 4 : i32
      %dma_start3A_1799 = arith.constant 24 : i32
      %dma_start3A_1800 = arith.constant 0 : i32
      %dma_start3A_1801 = tpu.memref_slice %arg6[%dma_start3A_1798, %dma_start3A_1799, %dma_start3A_1800] : memref<8x32x128xf32, #tpu.memory_space<vmem>> -> memref<1x8x128xf32, #tpu.memory_space<vmem>>
      %dma_start3A_1802 = tpu.memref_squeeze %dma_start3A_1801 : memref<1x8x128xf32, #tpu.memory_space<vmem>> -> memref<8x128xf32, #tpu.memory_space<vmem>>
      %dma_start3A_1803 = arith.constant 24 : i32
      %dma_start3A_1804 = tpu.memref_slice %arg3[%dma_start3A_1803, %multiple_of3A_1758] : memref<32x1000000xf32, #tpu.memory_space<hbm>> -> memref<8x128xf32, #tpu.memory_space<hbm>>
      %dma_start3A_1805 = arith.constant 24 : i32
      %dma_start3A_1806 = arith.constant 0 : i32
      %dma_start3A_1807 = tpu.memref_slice %arg6[%dma_start3A_1798, %dma_start3A_1805, %dma_start3A_1806] : memref<8x32x128xf32, #tpu.memory_space<vmem>> -> memref<1x8x128xf32, #tpu.memory_space<vmem>>
      %dma_start3A_1808 = tpu.memref_squeeze %dma_start3A_1807 : memref<1x8x128xf32, #tpu.memory_space<vmem>> -> memref<8x128xf32, #tpu.memory_space<vmem>>
      %dma_start3A_1809 = arith.constant 24 : i32
      %dma_start3A_1810 = tpu.memref_slice %arg3[%dma_start3A_1809, %multiple_of3A_1758] : memref<32x1000000xf32, #tpu.memory_space<hbm>> -> memref<8x128xf32, #tpu.memory_space<hbm>>
      tpu.enqueue_dma source(%dma_start3A_1810 : memref<8x128xf32, #tpu.memory_space<hbm>>) target(%dma_start3A_1808 : memref<8x128xf32, #tpu.memory_space<vmem>>) target_semaphore(%arg13 : memref<!tpu.dma_semaphore, #tpu.memory_space<semaphore_mem>>)
      %add3A_1811 = arith.constant 5 : i32
      %add3A_1812 = arith.addi %mul3A_1100, %add3A_1811 : i32
      %dma_wait3A_1813 = arith.constant 5 : i32
      %dma_wait3A_1814 = arith.constant 0 : i32
      %dma_wait3A_1815 = arith.constant 0 : i32
      %dma_wait3A_1816 = tpu.memref_slice %arg6[%dma_wait3A_1813, %dma_wait3A_1814, %dma_wait3A_1815] : memref<8x32x128xf32, #tpu.memory_space<vmem>> -> memref<1x32x128xf32, #tpu.memory_space<vmem>>
      %dma_wait3A_1817 = tpu.memref_squeeze %dma_wait3A_1816 : memref<1x32x128xf32, #tpu.memory_space<vmem>> -> memref<32x128xf32, #tpu.memory_space<vmem>>
      %dma_wait3A_1818 = arith.constant 0 : i32
      %dma_wait3A_1819 = arith.constant 0 : i32
      %dma_wait3A_1820 = tpu.memref_slice %arg3[%dma_wait3A_1818, %dma_wait3A_1819] : memref<32x1000000xf32, #tpu.memory_space<hbm>> -> memref<32x128xf32, #tpu.memory_space<hbm>>
      %dma_wait3A_1821 = arith.constant 0 : i32
      %dma_wait3A_1822 = arith.constant 0 : i32
      %dma_wait3A_1823 = tpu.memref_slice %arg6[%dma_wait3A_1813, %dma_wait3A_1821, %dma_wait3A_1822] : memref<8x32x128xf32, #tpu.memory_space<vmem>> -> memref<1x32x128xf32, #tpu.memory_space<vmem>>
      %dma_wait3A_1824 = tpu.memref_squeeze %dma_wait3A_1823 : memref<1x32x128xf32, #tpu.memory_space<vmem>> -> memref<32x128xf32, #tpu.memory_space<vmem>>
      %dma_wait3A_1825 = arith.constant 0 : i32
      %dma_wait3A_1826 = arith.constant 0 : i32
      %dma_wait3A_1827 = tpu.memref_slice %arg3[%dma_wait3A_1825, %dma_wait3A_1826] : memref<32x1000000xf32, #tpu.memory_space<hbm>> -> memref<32x128xf32, #tpu.memory_space<hbm>>
      tpu.wait_dma2 semaphore(%arg14 : memref<!tpu.dma_semaphore, #tpu.memory_space<semaphore_mem>>) src(%dma_wait3A_1827 : memref<32x128xf32, #tpu.memory_space<hbm>>) dst(%dma_wait3A_1824 : memref<32x128xf32, #tpu.memory_space<vmem>>)
      %get3A_1828 = arith.index_cast %add3A_1812 : i32 to index
      %get3A_1829 = tpu.vector_load %arg5[%get3A_1828] {strides = array<i32>} : memref<528xi32, #tpu.memory_space<vmem>>, vector<16xi32>,
      %slice3A_1830 = vector.extract_strided_slice %get3A_1829 {offsets = [0], sizes = [1], strides = [1]} : vector<16xi32> to vector<1xi32>
      %squeeze3A_1831 = vector.extract %slice3A_1830[0] : i32 from vector<1xi32>
      %broadcast_in_dim3A_1832 = arith.constant 5 : i32
      %broadcast_in_dim3A_1833 = vector.broadcast %broadcast_in_dim3A_1832 : i32 to vector<16xi32>
      %jit3A_1834 = arith.constant 128 : i32
      %eq3A_1835 = arith.constant 0 : i32
      %eq3A_1836 = arith.cmpi eq, %jit3A_1834, %eq3A_1835 : i32
      %jit3A_1837 = arith.constant 1 : i32
      %select_n3A_1838 = arith.select %eq3A_1836, %jit3A_1837, %jit3A_1834 : i32
      %rem3A_1839 = arith.remsi %squeeze3A_1831, %select_n3A_1838 : i32
      %ne3A_1840 = arith.constant 0 : i32
      %ne3A_1841 = arith.cmpi ne, %rem3A_1839, %ne3A_1840 : i32
      %lt3A_1842 = arith.constant 0 : i32
      %lt3A_1843 = arith.cmpi slt, %rem3A_1839, %lt3A_1842 : i32
      %lt3A_1844 = arith.constant 0 : i32
      %lt3A_1845 = arith.cmpi slt, %select_n3A_1838, %lt3A_1844 : i32
      %ne3A_1846 = arith.xori %lt3A_1843, %lt3A_1845 : i1
      %and3A_1847 = arith.andi %ne3A_1846, %ne3A_1841 : i1
      %add3A_1848 = arith.addi %rem3A_1839, %select_n3A_1838 : i32
      %select_n3A_1849 = arith.select %and3A_1847, %add3A_1848, %rem3A_1839 : i32
      %broadcast_in_dim3A_1850 = vector.broadcast %select_n3A_1849 : i32 to vector<16xi32>
      %broadcast_in_dim3A_1851 = vector.broadcast %add3A_1812 : i32 to vector<16xi32>
      %add3A_1852 = arith.constant 0 : i32
      %add3A_1853 = vector.broadcast %add3A_1852 : i32 to vector<16xi32>
      %add3A_1854 = arith.addi %iota3A, %add3A_1853 : vector<16xi32>
      %gather3A_1855 = tpu.vector_load_idx %arg6[%broadcast_in_dim3A_1833, %add3A_1854, %broadcast_in_dim3A_1850] : memref<8x32x128xf32, #tpu.memory_space<vmem>>[vector<16xi32>, vector<16xi32>, vector<16xi32>], vector<16xf32>,
      %add3A_1856 = arith.constant 0 : i32
      %add3A_1857 = vector.broadcast %add3A_1856 : i32 to vector<16xi32>
      %add3A_1858 = arith.addi %iota3A, %add3A_1857 : vector<16xi32>
      tpu.vector_store_idx %arg7[%add3A_1858, %broadcast_in_dim3A_1851], %gather3A_1855 : memref<32x512xf32, #tpu.memory_space<vmem>>[vector<16xi32>, vector<16xi32>], vector<16xf32>,
      %add3A_1859 = arith.constant 16 : i32
      %add3A_1860 = vector.broadcast %add3A_1859 : i32 to vector<16xi32>
      %add3A_1861 = arith.addi %iota3A, %add3A_1860 : vector<16xi32>
      %gather3A_1862 = tpu.vector_load_idx %arg6[%broadcast_in_dim3A_1833, %add3A_1861, %broadcast_in_dim3A_1850] : memref<8x32x128xf32, #tpu.memory_space<vmem>>[vector<16xi32>, vector<16xi32>, vector<16xi32>], vector<16xf32>,
      %add3A_1863 = arith.constant 16 : i32
      %add3A_1864 = vector.broadcast %add3A_1863 : i32 to vector<16xi32>
      %add3A_1865 = arith.addi %iota3A, %add3A_1864 : vector<16xi32>
      tpu.vector_store_idx %arg7[%add3A_1865, %broadcast_in_dim3A_1851], %gather3A_1862 : memref<32x512xf32, #tpu.memory_space<vmem>>[vector<16xi32>, vector<16xi32>], vector<16xf32>,
      %add3A_1866 = arith.constant 5 : i32
      %add3A_1867 = arith.addi %mul3A_1100, %add3A_1866 : i32
      %add3A_1868 = arith.constant 8 : i32
      %add3A_1869 = arith.addi %add3A_1867, %add3A_1868 : i32
      %get3A_1870 = arith.index_cast %add3A_1869 : i32 to index
      %get3A_1871 = tpu.vector_load %arg5[%get3A_1870] {strides = array<i32>} : memref<528xi32, #tpu.memory_space<vmem>>, vector<16xi32>,
      %slice3A_1872 = vector.extract_strided_slice %get3A_1871 {offsets = [0], sizes = [1], strides = [1]} : vector<16xi32> to vector<1xi32>
      %squeeze3A_1873 = vector.extract %slice3A_1872[0] : i32 from vector<1xi32>
      %jit3A_1874 = arith.constant 128 : i32
      %div3A_1875 = arith.divsi %squeeze3A_1873, %jit3A_1874 : i32
      %sign3A_1876 = arith.constant 0 : i32
      %sign3A_1877 = arith.cmpi sgt, %squeeze3A_1873, %sign3A_1876 : i32
      %sign3A_1878 = arith.extui %sign3A_1877 : i1 to i32
      %sign3A_1879 = arith.constant 0 : i32
      %sign3A_1880 = arith.cmpi slt, %squeeze3A_1873, %sign3A_1879 : i32
      %sign3A_1881 = arith.extui %sign3A_1880 : i1 to i32
      %sign3A_1882 = arith.subi %sign3A_1878, %sign3A_1881 : i32
      %sign3A_1883 = arith.constant 0 : i32
      %sign3A_1884 = arith.cmpi sgt, %jit3A_1874, %sign3A_1883 : i32
      %sign3A_1885 = arith.extui %sign3A_1884 : i1 to i32
      %sign3A_1886 = arith.constant 0 : i32
      %sign3A_1887 = arith.cmpi slt, %jit3A_1874, %sign3A_1886 : i32
      %sign3A_1888 = arith.extui %sign3A_1887 : i1 to i32
      %sign3A_1889 = arith.subi %sign3A_1885, %sign3A_1888 : i32
      %ne3A_1890 = arith.cmpi ne, %sign3A_1882, %sign3A_1889 : i32
      %rem3A_1891 = arith.remsi %squeeze3A_1873, %jit3A_1874 : i32
      %ne3A_1892 = arith.constant 0 : i32
      %ne3A_1893 = arith.cmpi ne, %rem3A_1891, %ne3A_1892 : i32
      %and3A_1894 = arith.andi %ne3A_1890, %ne3A_1893 : i1
      %sub3A_1895 = arith.constant 1 : i32
      %sub3A_1896 = arith.subi %div3A_1875, %sub3A_1895 : i32
      %select_n3A_1897 = arith.select %and3A_1894, %sub3A_1896, %div3A_1875 : i32
      %mul3A_1898 = arith.constant 128 : i32
      %mul3A_1899 = arith.muli %select_n3A_1897, %mul3A_1898 : i32
      %multiple_of3A_1900 = tpu.assume_multiple %mul3A_1899, 128 : i32
      %dma_start3A_1901 = arith.constant 5 : i32
      %dma_start3A_1902 = arith.constant 0 : i32
      %dma_start3A_1903 = arith.constant 0 : i32
      %dma_start3A_1904 = tpu.memref_slice %arg6[%dma_start3A_1901, %dma_start3A_1902, %dma_start3A_1903] : memref<8x32x128xf32, #tpu.memory_space<vmem>> -> memref<1x8x128xf32, #tpu.memory_space<vmem>>
      %dma_start3A_1905 = tpu.memref_squeeze %dma_start3A_1904 : memref<1x8x128xf32, #tpu.memory_space<vmem>> -> memref<8x128xf32, #tpu.memory_space<vmem>>
      %dma_start3A_1906 = arith.constant 0 : i32
      %dma_start3A_1907 = tpu.memref_slice %arg3[%dma_start3A_1906, %multiple_of3A_1900] : memref<32x1000000xf32, #tpu.memory_space<hbm>> -> memref<8x128xf32, #tpu.memory_space<hbm>>
      %dma_start3A_1908 = arith.constant 0 : i32
      %dma_start3A_1909 = arith.constant 0 : i32
      %dma_start3A_1910 = tpu.memref_slice %arg6[%dma_start3A_1901, %dma_start3A_1908, %dma_start3A_1909] : memref<8x32x128xf32, #tpu.memory_space<vmem>> -> memref<1x8x128xf32, #tpu.memory_space<vmem>>
      %dma_start3A_1911 = tpu.memref_squeeze %dma_start3A_1910 : memref<1x8x128xf32, #tpu.memory_space<vmem>> -> memref<8x128xf32, #tpu.memory_space<vmem>>
      %dma_start3A_1912 = arith.constant 0 : i32
      %dma_start3A_1913 = tpu.memref_slice %arg3[%dma_start3A_1912, %multiple_of3A_1900] : memref<32x1000000xf32, #tpu.memory_space<hbm>> -> memref<8x128xf32, #tpu.memory_space<hbm>>
      tpu.enqueue_dma source(%dma_start3A_1913 : memref<8x128xf32, #tpu.memory_space<hbm>>) target(%dma_start3A_1911 : memref<8x128xf32, #tpu.memory_space<vmem>>) target_semaphore(%arg14 : memref<!tpu.dma_semaphore, #tpu.memory_space<semaphore_mem>>)
      %dma_start3A_1914 = arith.constant 5 : i32
      %dma_start3A_1915 = arith.constant 8 : i32
      %dma_start3A_1916 = arith.constant 0 : i32
      %dma_start3A_1917 = tpu.memref_slice %arg6[%dma_start3A_1914, %dma_start3A_1915, %dma_start3A_1916] : memref<8x32x128xf32, #tpu.memory_space<vmem>> -> memref<1x8x128xf32, #tpu.memory_space<vmem>>
      %dma_start3A_1918 = tpu.memref_squeeze %dma_start3A_1917 : memref<1x8x128xf32, #tpu.memory_space<vmem>> -> memref<8x128xf32, #tpu.memory_space<vmem>>
      %dma_start3A_1919 = arith.constant 8 : i32
      %dma_start3A_1920 = tpu.memref_slice %arg3[%dma_start3A_1919, %multiple_of3A_1900] : memref<32x1000000xf32, #tpu.memory_space<hbm>> -> memref<8x128xf32, #tpu.memory_space<hbm>>
      %dma_start3A_1921 = arith.constant 8 : i32
      %dma_start3A_1922 = arith.constant 0 : i32
      %dma_start3A_1923 = tpu.memref_slice %arg6[%dma_start3A_1914, %dma_start3A_1921, %dma_start3A_1922] : memref<8x32x128xf32, #tpu.memory_space<vmem>> -> memref<1x8x128xf32, #tpu.memory_space<vmem>>
      %dma_start3A_1924 = tpu.memref_squeeze %dma_start3A_1923 : memref<1x8x128xf32, #tpu.memory_space<vmem>> -> memref<8x128xf32, #tpu.memory_space<vmem>>
      %dma_start3A_1925 = arith.constant 8 : i32
      %dma_start3A_1926 = tpu.memref_slice %arg3[%dma_start3A_1925, %multiple_of3A_1900] : memref<32x1000000xf32, #tpu.memory_space<hbm>> -> memref<8x128xf32, #tpu.memory_space<hbm>>
      tpu.enqueue_dma source(%dma_start3A_1926 : memref<8x128xf32, #tpu.memory_space<hbm>>) target(%dma_start3A_1924 : memref<8x128xf32, #tpu.memory_space<vmem>>) target_semaphore(%arg14 : memref<!tpu.dma_semaphore, #tpu.memory_space<semaphore_mem>>)
      %dma_start3A_1927 = arith.constant 5 : i32
      %dma_start3A_1928 = arith.constant 16 : i32
      %dma_start3A_1929 = arith.constant 0 : i32
      %dma_start3A_1930 = tpu.memref_slice %arg6[%dma_start3A_1927, %dma_start3A_1928, %dma_start3A_1929] : memref<8x32x128xf32, #tpu.memory_space<vmem>> -> memref<1x8x128xf32, #tpu.memory_space<vmem>>
      %dma_start3A_1931 = tpu.memref_squeeze %dma_start3A_1930 : memref<1x8x128xf32, #tpu.memory_space<vmem>> -> memref<8x128xf32, #tpu.memory_space<vmem>>
      %dma_start3A_1932 = arith.constant 16 : i32
      %dma_start3A_1933 = tpu.memref_slice %arg3[%dma_start3A_1932, %multiple_of3A_1900] : memref<32x1000000xf32, #tpu.memory_space<hbm>> -> memref<8x128xf32, #tpu.memory_space<hbm>>
      %dma_start3A_1934 = arith.constant 16 : i32
      %dma_start3A_1935 = arith.constant 0 : i32
      %dma_start3A_1936 = tpu.memref_slice %arg6[%dma_start3A_1927, %dma_start3A_1934, %dma_start3A_1935] : memref<8x32x128xf32, #tpu.memory_space<vmem>> -> memref<1x8x128xf32, #tpu.memory_space<vmem>>
      %dma_start3A_1937 = tpu.memref_squeeze %dma_start3A_1936 : memref<1x8x128xf32, #tpu.memory_space<vmem>> -> memref<8x128xf32, #tpu.memory_space<vmem>>
      %dma_start3A_1938 = arith.constant 16 : i32
      %dma_start3A_1939 = tpu.memref_slice %arg3[%dma_start3A_1938, %multiple_of3A_1900] : memref<32x1000000xf32, #tpu.memory_space<hbm>> -> memref<8x128xf32, #tpu.memory_space<hbm>>
      tpu.enqueue_dma source(%dma_start3A_1939 : memref<8x128xf32, #tpu.memory_space<hbm>>) target(%dma_start3A_1937 : memref<8x128xf32, #tpu.memory_space<vmem>>) target_semaphore(%arg14 : memref<!tpu.dma_semaphore, #tpu.memory_space<semaphore_mem>>)
      %dma_start3A_1940 = arith.constant 5 : i32
      %dma_start3A_1941 = arith.constant 24 : i32
      %dma_start3A_1942 = arith.constant 0 : i32
      %dma_start3A_1943 = tpu.memref_slice %arg6[%dma_start3A_1940, %dma_start3A_1941, %dma_start3A_1942] : memref<8x32x128xf32, #tpu.memory_space<vmem>> -> memref<1x8x128xf32, #tpu.memory_space<vmem>>
      %dma_start3A_1944 = tpu.memref_squeeze %dma_start3A_1943 : memref<1x8x128xf32, #tpu.memory_space<vmem>> -> memref<8x128xf32, #tpu.memory_space<vmem>>
      %dma_start3A_1945 = arith.constant 24 : i32
      %dma_start3A_1946 = tpu.memref_slice %arg3[%dma_start3A_1945, %multiple_of3A_1900] : memref<32x1000000xf32, #tpu.memory_space<hbm>> -> memref<8x128xf32, #tpu.memory_space<hbm>>
      %dma_start3A_1947 = arith.constant 24 : i32
      %dma_start3A_1948 = arith.constant 0 : i32
      %dma_start3A_1949 = tpu.memref_slice %arg6[%dma_start3A_1940, %dma_start3A_1947, %dma_start3A_1948] : memref<8x32x128xf32, #tpu.memory_space<vmem>> -> memref<1x8x128xf32, #tpu.memory_space<vmem>>
      %dma_start3A_1950 = tpu.memref_squeeze %dma_start3A_1949 : memref<1x8x128xf32, #tpu.memory_space<vmem>> -> memref<8x128xf32, #tpu.memory_space<vmem>>
      %dma_start3A_1951 = arith.constant 24 : i32
      %dma_start3A_1952 = tpu.memref_slice %arg3[%dma_start3A_1951, %multiple_of3A_1900] : memref<32x1000000xf32, #tpu.memory_space<hbm>> -> memref<8x128xf32, #tpu.memory_space<hbm>>
      tpu.enqueue_dma source(%dma_start3A_1952 : memref<8x128xf32, #tpu.memory_space<hbm>>) target(%dma_start3A_1950 : memref<8x128xf32, #tpu.memory_space<vmem>>) target_semaphore(%arg14 : memref<!tpu.dma_semaphore, #tpu.memory_space<semaphore_mem>>)
      %add3A_1953 = arith.constant 6 : i32
      %add3A_1954 = arith.addi %mul3A_1100, %add3A_1953 : i32
      %dma_wait3A_1955 = arith.constant 6 : i32
      %dma_wait3A_1956 = arith.constant 0 : i32
      %dma_wait3A_1957 = arith.constant 0 : i32
      %dma_wait3A_1958 = tpu.memref_slice %arg6[%dma_wait3A_1955, %dma_wait3A_1956, %dma_wait3A_1957] : memref<8x32x128xf32, #tpu.memory_space<vmem>> -> memref<1x32x128xf32, #tpu.memory_space<vmem>>
      %dma_wait3A_1959 = tpu.memref_squeeze %dma_wait3A_1958 : memref<1x32x128xf32, #tpu.memory_space<vmem>> -> memref<32x128xf32, #tpu.memory_space<vmem>>
      %dma_wait3A_1960 = arith.constant 0 : i32
      %dma_wait3A_1961 = arith.constant 0 : i32
      %dma_wait3A_1962 = tpu.memref_slice %arg3[%dma_wait3A_1960, %dma_wait3A_1961] : memref<32x1000000xf32, #tpu.memory_space<hbm>> -> memref<32x128xf32, #tpu.memory_space<hbm>>
      %dma_wait3A_1963 = arith.constant 0 : i32
      %dma_wait3A_1964 = arith.constant 0 : i32
      %dma_wait3A_1965 = tpu.memref_slice %arg6[%dma_wait3A_1955, %dma_wait3A_1963, %dma_wait3A_1964] : memref<8x32x128xf32, #tpu.memory_space<vmem>> -> memref<1x32x128xf32, #tpu.memory_space<vmem>>
      %dma_wait3A_1966 = tpu.memref_squeeze %dma_wait3A_1965 : memref<1x32x128xf32, #tpu.memory_space<vmem>> -> memref<32x128xf32, #tpu.memory_space<vmem>>
      %dma_wait3A_1967 = arith.constant 0 : i32
      %dma_wait3A_1968 = arith.constant 0 : i32
      %dma_wait3A_1969 = tpu.memref_slice %arg3[%dma_wait3A_1967, %dma_wait3A_1968] : memref<32x1000000xf32, #tpu.memory_space<hbm>> -> memref<32x128xf32, #tpu.memory_space<hbm>>
      tpu.wait_dma2 semaphore(%arg15 : memref<!tpu.dma_semaphore, #tpu.memory_space<semaphore_mem>>) src(%dma_wait3A_1969 : memref<32x128xf32, #tpu.memory_space<hbm>>) dst(%dma_wait3A_1966 : memref<32x128xf32, #tpu.memory_space<vmem>>)
      %get3A_1970 = arith.index_cast %add3A_1954 : i32 to index
      %get3A_1971 = tpu.vector_load %arg5[%get3A_1970] {strides = array<i32>} : memref<528xi32, #tpu.memory_space<vmem>>, vector<16xi32>,
      %slice3A_1972 = vector.extract_strided_slice %get3A_1971 {offsets = [0], sizes = [1], strides = [1]} : vector<16xi32> to vector<1xi32>
      %squeeze3A_1973 = vector.extract %slice3A_1972[0] : i32 from vector<1xi32>
      %broadcast_in_dim3A_1974 = arith.constant 6 : i32
      %broadcast_in_dim3A_1975 = vector.broadcast %broadcast_in_dim3A_1974 : i32 to vector<16xi32>
      %jit3A_1976 = arith.constant 128 : i32
      %eq3A_1977 = arith.constant 0 : i32
      %eq3A_1978 = arith.cmpi eq, %jit3A_1976, %eq3A_1977 : i32
      %jit3A_1979 = arith.constant 1 : i32
      %select_n3A_1980 = arith.select %eq3A_1978, %jit3A_1979, %jit3A_1976 : i32
      %rem3A_1981 = arith.remsi %squeeze3A_1973, %select_n3A_1980 : i32
      %ne3A_1982 = arith.constant 0 : i32
      %ne3A_1983 = arith.cmpi ne, %rem3A_1981, %ne3A_1982 : i32
      %lt3A_1984 = arith.constant 0 : i32
      %lt3A_1985 = arith.cmpi slt, %rem3A_1981, %lt3A_1984 : i32
      %lt3A_1986 = arith.constant 0 : i32
      %lt3A_1987 = arith.cmpi slt, %select_n3A_1980, %lt3A_1986 : i32
      %ne3A_1988 = arith.xori %lt3A_1985, %lt3A_1987 : i1
      %and3A_1989 = arith.andi %ne3A_1988, %ne3A_1983 : i1
      %add3A_1990 = arith.addi %rem3A_1981, %select_n3A_1980 : i32
      %select_n3A_1991 = arith.select %and3A_1989, %add3A_1990, %rem3A_1981 : i32
      %broadcast_in_dim3A_1992 = vector.broadcast %select_n3A_1991 : i32 to vector<16xi32>
      %broadcast_in_dim3A_1993 = vector.broadcast %add3A_1954 : i32 to vector<16xi32>
      %add3A_1994 = arith.constant 0 : i32
      %add3A_1995 = vector.broadcast %add3A_1994 : i32 to vector<16xi32>
      %add3A_1996 = arith.addi %iota3A, %add3A_1995 : vector<16xi32>
      %gather3A_1997 = tpu.vector_load_idx %arg6[%broadcast_in_dim3A_1975, %add3A_1996, %broadcast_in_dim3A_1992] : memref<8x32x128xf32, #tpu.memory_space<vmem>>[vector<16xi32>, vector<16xi32>, vector<16xi32>], vector<16xf32>,
      %add3A_1998 = arith.constant 0 : i32
      %add3A_1999 = vector.broadcast %add3A_1998 : i32 to vector<16xi32>
      %add3A_2000 = arith.addi %iota3A, %add3A_1999 : vector<16xi32>
      tpu.vector_store_idx %arg7[%add3A_2000, %broadcast_in_dim3A_1993], %gather3A_1997 : memref<32x512xf32, #tpu.memory_space<vmem>>[vector<16xi32>, vector<16xi32>], vector<16xf32>,
      %add3A_2001 = arith.constant 16 : i32
      %add3A_2002 = vector.broadcast %add3A_2001 : i32 to vector<16xi32>
      %add3A_2003 = arith.addi %iota3A, %add3A_2002 : vector<16xi32>
      %gather3A_2004 = tpu.vector_load_idx %arg6[%broadcast_in_dim3A_1975, %add3A_2003, %broadcast_in_dim3A_1992] : memref<8x32x128xf32, #tpu.memory_space<vmem>>[vector<16xi32>, vector<16xi32>, vector<16xi32>], vector<16xf32>,
      %add3A_2005 = arith.constant 16 : i32
      %add3A_2006 = vector.broadcast %add3A_2005 : i32 to vector<16xi32>
      %add3A_2007 = arith.addi %iota3A, %add3A_2006 : vector<16xi32>
      tpu.vector_store_idx %arg7[%add3A_2007, %broadcast_in_dim3A_1993], %gather3A_2004 : memref<32x512xf32, #tpu.memory_space<vmem>>[vector<16xi32>, vector<16xi32>], vector<16xf32>,
      %add3A_2008 = arith.constant 6 : i32
      %add3A_2009 = arith.addi %mul3A_1100, %add3A_2008 : i32
      %add3A_2010 = arith.constant 8 : i32
      %add3A_2011 = arith.addi %add3A_2009, %add3A_2010 : i32
      %get3A_2012 = arith.index_cast %add3A_2011 : i32 to index
      %get3A_2013 = tpu.vector_load %arg5[%get3A_2012] {strides = array<i32>} : memref<528xi32, #tpu.memory_space<vmem>>, vector<16xi32>,
      %slice3A_2014 = vector.extract_strided_slice %get3A_2013 {offsets = [0], sizes = [1], strides = [1]} : vector<16xi32> to vector<1xi32>
      %squeeze3A_2015 = vector.extract %slice3A_2014[0] : i32 from vector<1xi32>
      %jit3A_2016 = arith.constant 128 : i32
      %div3A_2017 = arith.divsi %squeeze3A_2015, %jit3A_2016 : i32
      %sign3A_2018 = arith.constant 0 : i32
      %sign3A_2019 = arith.cmpi sgt, %squeeze3A_2015, %sign3A_2018 : i32
      %sign3A_2020 = arith.extui %sign3A_2019 : i1 to i32
      %sign3A_2021 = arith.constant 0 : i32
      %sign3A_2022 = arith.cmpi slt, %squeeze3A_2015, %sign3A_2021 : i32
      %sign3A_2023 = arith.extui %sign3A_2022 : i1 to i32
      %sign3A_2024 = arith.subi %sign3A_2020, %sign3A_2023 : i32
      %sign3A_2025 = arith.constant 0 : i32
      %sign3A_2026 = arith.cmpi sgt, %jit3A_2016, %sign3A_2025 : i32
      %sign3A_2027 = arith.extui %sign3A_2026 : i1 to i32
      %sign3A_2028 = arith.constant 0 : i32
      %sign3A_2029 = arith.cmpi slt, %jit3A_2016, %sign3A_2028 : i32
      %sign3A_2030 = arith.extui %sign3A_2029 : i1 to i32
      %sign3A_2031 = arith.subi %sign3A_2027, %sign3A_2030 : i32
      %ne3A_2032 = arith.cmpi ne, %sign3A_2024, %sign3A_2031 : i32
      %rem3A_2033 = arith.remsi %squeeze3A_2015, %jit3A_2016 : i32
      %ne3A_2034 = arith.constant 0 : i32
      %ne3A_2035 = arith.cmpi ne, %rem3A_2033, %ne3A_2034 : i32
      %and3A_2036 = arith.andi %ne3A_2032, %ne3A_2035 : i1
      %sub3A_2037 = arith.constant 1 : i32
      %sub3A_2038 = arith.subi %div3A_2017, %sub3A_2037 : i32
      %select_n3A_2039 = arith.select %and3A_2036, %sub3A_2038, %div3A_2017 : i32
      %mul3A_2040 = arith.constant 128 : i32
      %mul3A_2041 = arith.muli %select_n3A_2039, %mul3A_2040 : i32
      %multiple_of3A_2042 = tpu.assume_multiple %mul3A_2041, 128 : i32
      %dma_start3A_2043 = arith.constant 6 : i32
      %dma_start3A_2044 = arith.constant 0 : i32
      %dma_start3A_2045 = arith.constant 0 : i32
      %dma_start3A_2046 = tpu.memref_slice %arg6[%dma_start3A_2043, %dma_start3A_2044, %dma_start3A_2045] : memref<8x32x128xf32, #tpu.memory_space<vmem>> -> memref<1x8x128xf32, #tpu.memory_space<vmem>>
      %dma_start3A_2047 = tpu.memref_squeeze %dma_start3A_2046 : memref<1x8x128xf32, #tpu.memory_space<vmem>> -> memref<8x128xf32, #tpu.memory_space<vmem>>
      %dma_start3A_2048 = arith.constant 0 : i32
      %dma_start3A_2049 = tpu.memref_slice %arg3[%dma_start3A_2048, %multiple_of3A_2042] : memref<32x1000000xf32, #tpu.memory_space<hbm>> -> memref<8x128xf32, #tpu.memory_space<hbm>>
      %dma_start3A_2050 = arith.constant 0 : i32
      %dma_start3A_2051 = arith.constant 0 : i32
      %dma_start3A_2052 = tpu.memref_slice %arg6[%dma_start3A_2043, %dma_start3A_2050, %dma_start3A_2051] : memref<8x32x128xf32, #tpu.memory_space<vmem>> -> memref<1x8x128xf32, #tpu.memory_space<vmem>>
      %dma_start3A_2053 = tpu.memref_squeeze %dma_start3A_2052 : memref<1x8x128xf32, #tpu.memory_space<vmem>> -> memref<8x128xf32, #tpu.memory_space<vmem>>
      %dma_start3A_2054 = arith.constant 0 : i32
      %dma_start3A_2055 = tpu.memref_slice %arg3[%dma_start3A_2054, %multiple_of3A_2042] : memref<32x1000000xf32, #tpu.memory_space<hbm>> -> memref<8x128xf32, #tpu.memory_space<hbm>>
      tpu.enqueue_dma source(%dma_start3A_2055 : memref<8x128xf32, #tpu.memory_space<hbm>>) target(%dma_start3A_2053 : memref<8x128xf32, #tpu.memory_space<vmem>>) target_semaphore(%arg15 : memref<!tpu.dma_semaphore, #tpu.memory_space<semaphore_mem>>)
      %dma_start3A_2056 = arith.constant 6 : i32
      %dma_start3A_2057 = arith.constant 8 : i32
      %dma_start3A_2058 = arith.constant 0 : i32
      %dma_start3A_2059 = tpu.memref_slice %arg6[%dma_start3A_2056, %dma_start3A_2057, %dma_start3A_2058] : memref<8x32x128xf32, #tpu.memory_space<vmem>> -> memref<1x8x128xf32, #tpu.memory_space<vmem>>
      %dma_start3A_2060 = tpu.memref_squeeze %dma_start3A_2059 : memref<1x8x128xf32, #tpu.memory_space<vmem>> -> memref<8x128xf32, #tpu.memory_space<vmem>>
      %dma_start3A_2061 = arith.constant 8 : i32
      %dma_start3A_2062 = tpu.memref_slice %arg3[%dma_start3A_2061, %multiple_of3A_2042] : memref<32x1000000xf32, #tpu.memory_space<hbm>> -> memref<8x128xf32, #tpu.memory_space<hbm>>
      %dma_start3A_2063 = arith.constant 8 : i32
      %dma_start3A_2064 = arith.constant 0 : i32
      %dma_start3A_2065 = tpu.memref_slice %arg6[%dma_start3A_2056, %dma_start3A_2063, %dma_start3A_2064] : memref<8x32x128xf32, #tpu.memory_space<vmem>> -> memref<1x8x128xf32, #tpu.memory_space<vmem>>
      %dma_start3A_2066 = tpu.memref_squeeze %dma_start3A_2065 : memref<1x8x128xf32, #tpu.memory_space<vmem>> -> memref<8x128xf32, #tpu.memory_space<vmem>>
      %dma_start3A_2067 = arith.constant 8 : i32
      %dma_start3A_2068 = tpu.memref_slice %arg3[%dma_start3A_2067, %multiple_of3A_2042] : memref<32x1000000xf32, #tpu.memory_space<hbm>> -> memref<8x128xf32, #tpu.memory_space<hbm>>
      tpu.enqueue_dma source(%dma_start3A_2068 : memref<8x128xf32, #tpu.memory_space<hbm>>) target(%dma_start3A_2066 : memref<8x128xf32, #tpu.memory_space<vmem>>) target_semaphore(%arg15 : memref<!tpu.dma_semaphore, #tpu.memory_space<semaphore_mem>>)
      %dma_start3A_2069 = arith.constant 6 : i32
      %dma_start3A_2070 = arith.constant 16 : i32
      %dma_start3A_2071 = arith.constant 0 : i32
      %dma_start3A_2072 = tpu.memref_slice %arg6[%dma_start3A_2069, %dma_start3A_2070, %dma_start3A_2071] : memref<8x32x128xf32, #tpu.memory_space<vmem>> -> memref<1x8x128xf32, #tpu.memory_space<vmem>>
      %dma_start3A_2073 = tpu.memref_squeeze %dma_start3A_2072 : memref<1x8x128xf32, #tpu.memory_space<vmem>> -> memref<8x128xf32, #tpu.memory_space<vmem>>
      %dma_start3A_2074 = arith.constant 16 : i32
      %dma_start3A_2075 = tpu.memref_slice %arg3[%dma_start3A_2074, %multiple_of3A_2042] : memref<32x1000000xf32, #tpu.memory_space<hbm>> -> memref<8x128xf32, #tpu.memory_space<hbm>>
      %dma_start3A_2076 = arith.constant 16 : i32
      %dma_start3A_2077 = arith.constant 0 : i32
      %dma_start3A_2078 = tpu.memref_slice %arg6[%dma_start3A_2069, %dma_start3A_2076, %dma_start3A_2077] : memref<8x32x128xf32, #tpu.memory_space<vmem>> -> memref<1x8x128xf32, #tpu.memory_space<vmem>>
      %dma_start3A_2079 = tpu.memref_squeeze %dma_start3A_2078 : memref<1x8x128xf32, #tpu.memory_space<vmem>> -> memref<8x128xf32, #tpu.memory_space<vmem>>
      %dma_start3A_2080 = arith.constant 16 : i32
      %dma_start3A_2081 = tpu.memref_slice %arg3[%dma_start3A_2080, %multiple_of3A_2042] : memref<32x1000000xf32, #tpu.memory_space<hbm>> -> memref<8x128xf32, #tpu.memory_space<hbm>>
      tpu.enqueue_dma source(%dma_start3A_2081 : memref<8x128xf32, #tpu.memory_space<hbm>>) target(%dma_start3A_2079 : memref<8x128xf32, #tpu.memory_space<vmem>>) target_semaphore(%arg15 : memref<!tpu.dma_semaphore, #tpu.memory_space<semaphore_mem>>)
      %dma_start3A_2082 = arith.constant 6 : i32
      %dma_start3A_2083 = arith.constant 24 : i32
      %dma_start3A_2084 = arith.constant 0 : i32
      %dma_start3A_2085 = tpu.memref_slice %arg6[%dma_start3A_2082, %dma_start3A_2083, %dma_start3A_2084] : memref<8x32x128xf32, #tpu.memory_space<vmem>> -> memref<1x8x128xf32, #tpu.memory_space<vmem>>
      %dma_start3A_2086 = tpu.memref_squeeze %dma_start3A_2085 : memref<1x8x128xf32, #tpu.memory_space<vmem>> -> memref<8x128xf32, #tpu.memory_space<vmem>>
      %dma_start3A_2087 = arith.constant 24 : i32
      %dma_start3A_2088 = tpu.memref_slice %arg3[%dma_start3A_2087, %multiple_of3A_2042] : memref<32x1000000xf32, #tpu.memory_space<hbm>> -> memref<8x128xf32, #tpu.memory_space<hbm>>
      %dma_start3A_2089 = arith.constant 24 : i32
      %dma_start3A_2090 = arith.constant 0 : i32
      %dma_start3A_2091 = tpu.memref_slice %arg6[%dma_start3A_2082, %dma_start3A_2089, %dma_start3A_2090] : memref<8x32x128xf32, #tpu.memory_space<vmem>> -> memref<1x8x128xf32, #tpu.memory_space<vmem>>
      %dma_start3A_2092 = tpu.memref_squeeze %dma_start3A_2091 : memref<1x8x128xf32, #tpu.memory_space<vmem>> -> memref<8x128xf32, #tpu.memory_space<vmem>>
      %dma_start3A_2093 = arith.constant 24 : i32
      %dma_start3A_2094 = tpu.memref_slice %arg3[%dma_start3A_2093, %multiple_of3A_2042] : memref<32x1000000xf32, #tpu.memory_space<hbm>> -> memref<8x128xf32, #tpu.memory_space<hbm>>
      tpu.enqueue_dma source(%dma_start3A_2094 : memref<8x128xf32, #tpu.memory_space<hbm>>) target(%dma_start3A_2092 : memref<8x128xf32, #tpu.memory_space<vmem>>) target_semaphore(%arg15 : memref<!tpu.dma_semaphore, #tpu.memory_space<semaphore_mem>>)
      %add3A_2095 = arith.constant 7 : i32
      %add3A_2096 = arith.addi %mul3A_1100, %add3A_2095 : i32
      %dma_wait3A_2097 = arith.constant 7 : i32
      %dma_wait3A_2098 = arith.constant 0 : i32
      %dma_wait3A_2099 = arith.constant 0 : i32
      %dma_wait3A_2100 = tpu.memref_slice %arg6[%dma_wait3A_2097, %dma_wait3A_2098, %dma_wait3A_2099] : memref<8x32x128xf32, #tpu.memory_space<vmem>> -> memref<1x32x128xf32, #tpu.memory_space<vmem>>
      %dma_wait3A_2101 = tpu.memref_squeeze %dma_wait3A_2100 : memref<1x32x128xf32, #tpu.memory_space<vmem>> -> memref<32x128xf32, #tpu.memory_space<vmem>>
      %dma_wait3A_2102 = arith.constant 0 : i32
      %dma_wait3A_2103 = arith.constant 0 : i32
      %dma_wait3A_2104 = tpu.memref_slice %arg3[%dma_wait3A_2102, %dma_wait3A_2103] : memref<32x1000000xf32, #tpu.memory_space<hbm>> -> memref<32x128xf32, #tpu.memory_space<hbm>>
      %dma_wait3A_2105 = arith.constant 0 : i32
      %dma_wait3A_2106 = arith.constant 0 : i32
      %dma_wait3A_2107 = tpu.memref_slice %arg6[%dma_wait3A_2097, %dma_wait3A_2105, %dma_wait3A_2106] : memref<8x32x128xf32, #tpu.memory_space<vmem>> -> memref<1x32x128xf32, #tpu.memory_space<vmem>>
      %dma_wait3A_2108 = tpu.memref_squeeze %dma_wait3A_2107 : memref<1x32x128xf32, #tpu.memory_space<vmem>> -> memref<32x128xf32, #tpu.memory_space<vmem>>
      %dma_wait3A_2109 = arith.constant 0 : i32
      %dma_wait3A_2110 = arith.constant 0 : i32
      %dma_wait3A_2111 = tpu.memref_slice %arg3[%dma_wait3A_2109, %dma_wait3A_2110] : memref<32x1000000xf32, #tpu.memory_space<hbm>> -> memref<32x128xf32, #tpu.memory_space<hbm>>
      tpu.wait_dma2 semaphore(%arg16 : memref<!tpu.dma_semaphore, #tpu.memory_space<semaphore_mem>>) src(%dma_wait3A_2111 : memref<32x128xf32, #tpu.memory_space<hbm>>) dst(%dma_wait3A_2108 : memref<32x128xf32, #tpu.memory_space<vmem>>)
      %get3A_2112 = arith.index_cast %add3A_2096 : i32 to index
      %get3A_2113 = tpu.vector_load %arg5[%get3A_2112] {strides = array<i32>} : memref<528xi32, #tpu.memory_space<vmem>>, vector<16xi32>,
      %slice3A_2114 = vector.extract_strided_slice %get3A_2113 {offsets = [0], sizes = [1], strides = [1]} : vector<16xi32> to vector<1xi32>
      %squeeze3A_2115 = vector.extract %slice3A_2114[0] : i32 from vector<1xi32>
      %broadcast_in_dim3A_2116 = arith.constant 7 : i32
      %broadcast_in_dim3A_2117 = vector.broadcast %broadcast_in_dim3A_2116 : i32 to vector<16xi32>
      %jit3A_2118 = arith.constant 128 : i32
      %eq3A_2119 = arith.constant 0 : i32
      %eq3A_2120 = arith.cmpi eq, %jit3A_2118, %eq3A_2119 : i32
      %jit3A_2121 = arith.constant 1 : i32
      %select_n3A_2122 = arith.select %eq3A_2120, %jit3A_2121, %jit3A_2118 : i32
      %rem3A_2123 = arith.remsi %squeeze3A_2115, %select_n3A_2122 : i32
      %ne3A_2124 = arith.constant 0 : i32
      %ne3A_2125 = arith.cmpi ne, %rem3A_2123, %ne3A_2124 : i32
      %lt3A_2126 = arith.constant 0 : i32
      %lt3A_2127 = arith.cmpi slt, %rem3A_2123, %lt3A_2126 : i32
      %lt3A_2128 = arith.constant 0 : i32
      %lt3A_2129 = arith.cmpi slt, %select_n3A_2122, %lt3A_2128 : i32
      %ne3A_2130 = arith.xori %lt3A_2127, %lt3A_2129 : i1
      %and3A_2131 = arith.andi %ne3A_2130, %ne3A_2125 : i1
      %add3A_2132 = arith.addi %rem3A_2123, %select_n3A_2122 : i32
      %select_n3A_2133 = arith.select %and3A_2131, %add3A_2132, %rem3A_2123 : i32
      %broadcast_in_dim3A_2134 = vector.broadcast %select_n3A_2133 : i32 to vector<16xi32>
      %broadcast_in_dim3A_2135 = vector.broadcast %add3A_2096 : i32 to vector<16xi32>
      %add3A_2136 = arith.constant 0 : i32
      %add3A_2137 = vector.broadcast %add3A_2136 : i32 to vector<16xi32>
      %add3A_2138 = arith.addi %iota3A, %add3A_2137 : vector<16xi32>
      %gather3A_2139 = tpu.vector_load_idx %arg6[%broadcast_in_dim3A_2117, %add3A_2138, %broadcast_in_dim3A_2134] : memref<8x32x128xf32, #tpu.memory_space<vmem>>[vector<16xi32>, vector<16xi32>, vector<16xi32>], vector<16xf32>,
      %add3A_2140 = arith.constant 0 : i32
      %add3A_2141 = vector.broadcast %add3A_2140 : i32 to vector<16xi32>
      %add3A_2142 = arith.addi %iota3A, %add3A_2141 : vector<16xi32>
      tpu.vector_store_idx %arg7[%add3A_2142, %broadcast_in_dim3A_2135], %gather3A_2139 : memref<32x512xf32, #tpu.memory_space<vmem>>[vector<16xi32>, vector<16xi32>], vector<16xf32>,
      %add3A_2143 = arith.constant 16 : i32
      %add3A_2144 = vector.broadcast %add3A_2143 : i32 to vector<16xi32>
      %add3A_2145 = arith.addi %iota3A, %add3A_2144 : vector<16xi32>
      %gather3A_2146 = tpu.vector_load_idx %arg6[%broadcast_in_dim3A_2117, %add3A_2145, %broadcast_in_dim3A_2134] : memref<8x32x128xf32, #tpu.memory_space<vmem>>[vector<16xi32>, vector<16xi32>, vector<16xi32>], vector<16xf32>,
      %add3A_2147 = arith.constant 16 : i32
      %add3A_2148 = vector.broadcast %add3A_2147 : i32 to vector<16xi32>
      %add3A_2149 = arith.addi %iota3A, %add3A_2148 : vector<16xi32>
      tpu.vector_store_idx %arg7[%add3A_2149, %broadcast_in_dim3A_2135], %gather3A_2146 : memref<32x512xf32, #tpu.memory_space<vmem>>[vector<16xi32>, vector<16xi32>], vector<16xf32>,
      %add3A_2150 = arith.constant 7 : i32
      %add3A_2151 = arith.addi %mul3A_1100, %add3A_2150 : i32
      %add3A_2152 = arith.constant 8 : i32
      %add3A_2153 = arith.addi %add3A_2151, %add3A_2152 : i32
      %get3A_2154 = arith.index_cast %add3A_2153 : i32 to index
      %get3A_2155 = tpu.vector_load %arg5[%get3A_2154] {strides = array<i32>} : memref<528xi32, #tpu.memory_space<vmem>>, vector<16xi32>,
      %slice3A_2156 = vector.extract_strided_slice %get3A_2155 {offsets = [0], sizes = [1], strides = [1]} : vector<16xi32> to vector<1xi32>
      %squeeze3A_2157 = vector.extract %slice3A_2156[0] : i32 from vector<1xi32>
      %jit3A_2158 = arith.constant 128 : i32
      %div3A_2159 = arith.divsi %squeeze3A_2157, %jit3A_2158 : i32
      %sign3A_2160 = arith.constant 0 : i32
      %sign3A_2161 = arith.cmpi sgt, %squeeze3A_2157, %sign3A_2160 : i32
      %sign3A_2162 = arith.extui %sign3A_2161 : i1 to i32
      %sign3A_2163 = arith.constant 0 : i32
      %sign3A_2164 = arith.cmpi slt, %squeeze3A_2157, %sign3A_2163 : i32
      %sign3A_2165 = arith.extui %sign3A_2164 : i1 to i32
      %sign3A_2166 = arith.subi %sign3A_2162, %sign3A_2165 : i32
      %sign3A_2167 = arith.constant 0 : i32
      %sign3A_2168 = arith.cmpi sgt, %jit3A_2158, %sign3A_2167 : i32
      %sign3A_2169 = arith.extui %sign3A_2168 : i1 to i32
      %sign3A_2170 = arith.constant 0 : i32
      %sign3A_2171 = arith.cmpi slt, %jit3A_2158, %sign3A_2170 : i32
      %sign3A_2172 = arith.extui %sign3A_2171 : i1 to i32
      %sign3A_2173 = arith.subi %sign3A_2169, %sign3A_2172 : i32
      %ne3A_2174 = arith.cmpi ne, %sign3A_2166, %sign3A_2173 : i32
      %rem3A_2175 = arith.remsi %squeeze3A_2157, %jit3A_2158 : i32
      %ne3A_2176 = arith.constant 0 : i32
      %ne3A_2177 = arith.cmpi ne, %rem3A_2175, %ne3A_2176 : i32
      %and3A_2178 = arith.andi %ne3A_2174, %ne3A_2177 : i1
      %sub3A_2179 = arith.constant 1 : i32
      %sub3A_2180 = arith.subi %div3A_2159, %sub3A_2179 : i32
      %select_n3A_2181 = arith.select %and3A_2178, %sub3A_2180, %div3A_2159 : i32
      %mul3A_2182 = arith.constant 128 : i32
      %mul3A_2183 = arith.muli %select_n3A_2181, %mul3A_2182 : i32
      %multiple_of3A_2184 = tpu.assume_multiple %mul3A_2183, 128 : i32
      %dma_start3A_2185 = arith.constant 7 : i32
      %dma_start3A_2186 = arith.constant 0 : i32
      %dma_start3A_2187 = arith.constant 0 : i32
      %dma_start3A_2188 = tpu.memref_slice %arg6[%dma_start3A_2185, %dma_start3A_2186, %dma_start3A_2187] : memref<8x32x128xf32, #tpu.memory_space<vmem>> -> memref<1x8x128xf32, #tpu.memory_space<vmem>>
      %dma_start3A_2189 = tpu.memref_squeeze %dma_start3A_2188 : memref<1x8x128xf32, #tpu.memory_space<vmem>> -> memref<8x128xf32, #tpu.memory_space<vmem>>
      %dma_start3A_2190 = arith.constant 0 : i32
      %dma_start3A_2191 = tpu.memref_slice %arg3[%dma_start3A_2190, %multiple_of3A_2184] : memref<32x1000000xf32, #tpu.memory_space<hbm>> -> memref<8x128xf32, #tpu.memory_space<hbm>>
      %dma_start3A_2192 = arith.constant 0 : i32
      %dma_start3A_2193 = arith.constant 0 : i32
      %dma_start3A_2194 = tpu.memref_slice %arg6[%dma_start3A_2185, %dma_start3A_2192, %dma_start3A_2193] : memref<8x32x128xf32, #tpu.memory_space<vmem>> -> memref<1x8x128xf32, #tpu.memory_space<vmem>>
      %dma_start3A_2195 = tpu.memref_squeeze %dma_start3A_2194 : memref<1x8x128xf32, #tpu.memory_space<vmem>> -> memref<8x128xf32, #tpu.memory_space<vmem>>
      %dma_start3A_2196 = arith.constant 0 : i32
      %dma_start3A_2197 = tpu.memref_slice %arg3[%dma_start3A_2196, %multiple_of3A_2184] : memref<32x1000000xf32, #tpu.memory_space<hbm>> -> memref<8x128xf32, #tpu.memory_space<hbm>>
      tpu.enqueue_dma source(%dma_start3A_2197 : memref<8x128xf32, #tpu.memory_space<hbm>>) target(%dma_start3A_2195 : memref<8x128xf32, #tpu.memory_space<vmem>>) target_semaphore(%arg16 : memref<!tpu.dma_semaphore, #tpu.memory_space<semaphore_mem>>)
      %dma_start3A_2198 = arith.constant 7 : i32
      %dma_start3A_2199 = arith.constant 8 : i32
      %dma_start3A_2200 = arith.constant 0 : i32
      %dma_start3A_2201 = tpu.memref_slice %arg6[%dma_start3A_2198, %dma_start3A_2199, %dma_start3A_2200] : memref<8x32x128xf32, #tpu.memory_space<vmem>> -> memref<1x8x128xf32, #tpu.memory_space<vmem>>
      %dma_start3A_2202 = tpu.memref_squeeze %dma_start3A_2201 : memref<1x8x128xf32, #tpu.memory_space<vmem>> -> memref<8x128xf32, #tpu.memory_space<vmem>>
      %dma_start3A_2203 = arith.constant 8 : i32
      %dma_start3A_2204 = tpu.memref_slice %arg3[%dma_start3A_2203, %multiple_of3A_2184] : memref<32x1000000xf32, #tpu.memory_space<hbm>> -> memref<8x128xf32, #tpu.memory_space<hbm>>
      %dma_start3A_2205 = arith.constant 8 : i32
      %dma_start3A_2206 = arith.constant 0 : i32
      %dma_start3A_2207 = tpu.memref_slice %arg6[%dma_start3A_2198, %dma_start3A_2205, %dma_start3A_2206] : memref<8x32x128xf32, #tpu.memory_space<vmem>> -> memref<1x8x128xf32, #tpu.memory_space<vmem>>
      %dma_start3A_2208 = tpu.memref_squeeze %dma_start3A_2207 : memref<1x8x128xf32, #tpu.memory_space<vmem>> -> memref<8x128xf32, #tpu.memory_space<vmem>>
      %dma_start3A_2209 = arith.constant 8 : i32
      %dma_start3A_2210 = tpu.memref_slice %arg3[%dma_start3A_2209, %multiple_of3A_2184] : memref<32x1000000xf32, #tpu.memory_space<hbm>> -> memref<8x128xf32, #tpu.memory_space<hbm>>
      tpu.enqueue_dma source(%dma_start3A_2210 : memref<8x128xf32, #tpu.memory_space<hbm>>) target(%dma_start3A_2208 : memref<8x128xf32, #tpu.memory_space<vmem>>) target_semaphore(%arg16 : memref<!tpu.dma_semaphore, #tpu.memory_space<semaphore_mem>>)
      %dma_start3A_2211 = arith.constant 7 : i32
      %dma_start3A_2212 = arith.constant 16 : i32
      %dma_start3A_2213 = arith.constant 0 : i32
      %dma_start3A_2214 = tpu.memref_slice %arg6[%dma_start3A_2211, %dma_start3A_2212, %dma_start3A_2213] : memref<8x32x128xf32, #tpu.memory_space<vmem>> -> memref<1x8x128xf32, #tpu.memory_space<vmem>>
      %dma_start3A_2215 = tpu.memref_squeeze %dma_start3A_2214 : memref<1x8x128xf32, #tpu.memory_space<vmem>> -> memref<8x128xf32, #tpu.memory_space<vmem>>
      %dma_start3A_2216 = arith.constant 16 : i32
      %dma_start3A_2217 = tpu.memref_slice %arg3[%dma_start3A_2216, %multiple_of3A_2184] : memref<32x1000000xf32, #tpu.memory_space<hbm>> -> memref<8x128xf32, #tpu.memory_space<hbm>>
      %dma_start3A_2218 = arith.constant 16 : i32
      %dma_start3A_2219 = arith.constant 0 : i32
      %dma_start3A_2220 = tpu.memref_slice %arg6[%dma_start3A_2211, %dma_start3A_2218, %dma_start3A_2219] : memref<8x32x128xf32, #tpu.memory_space<vmem>> -> memref<1x8x128xf32, #tpu.memory_space<vmem>>
      %dma_start3A_2221 = tpu.memref_squeeze %dma_start3A_2220 : memref<1x8x128xf32, #tpu.memory_space<vmem>> -> memref<8x128xf32, #tpu.memory_space<vmem>>
      %dma_start3A_2222 = arith.constant 16 : i32
      %dma_start3A_2223 = tpu.memref_slice %arg3[%dma_start3A_2222, %multiple_of3A_2184] : memref<32x1000000xf32, #tpu.memory_space<hbm>> -> memref<8x128xf32, #tpu.memory_space<hbm>>
      tpu.enqueue_dma source(%dma_start3A_2223 : memref<8x128xf32, #tpu.memory_space<hbm>>) target(%dma_start3A_2221 : memref<8x128xf32, #tpu.memory_space<vmem>>) target_semaphore(%arg16 : memref<!tpu.dma_semaphore, #tpu.memory_space<semaphore_mem>>)
      %dma_start3A_2224 = arith.constant 7 : i32
      %dma_start3A_2225 = arith.constant 24 : i32
      %dma_start3A_2226 = arith.constant 0 : i32
      %dma_start3A_2227 = tpu.memref_slice %arg6[%dma_start3A_2224, %dma_start3A_2225, %dma_start3A_2226] : memref<8x32x128xf32, #tpu.memory_space<vmem>> -> memref<1x8x128xf32, #tpu.memory_space<vmem>>
      %dma_start3A_2228 = tpu.memref_squeeze %dma_start3A_2227 : memref<1x8x128xf32, #tpu.memory_space<vmem>> -> memref<8x128xf32, #tpu.memory_space<vmem>>
      %dma_start3A_2229 = arith.constant 24 : i32
      %dma_start3A_2230 = tpu.memref_slice %arg3[%dma_start3A_2229, %multiple_of3A_2184] : memref<32x1000000xf32, #tpu.memory_space<hbm>> -> memref<8x128xf32, #tpu.memory_space<hbm>>
      %dma_start3A_2231 = arith.constant 24 : i32
      %dma_start3A_2232 = arith.constant 0 : i32
      %dma_start3A_2233 = tpu.memref_slice %arg6[%dma_start3A_2224, %dma_start3A_2231, %dma_start3A_2232] : memref<8x32x128xf32, #tpu.memory_space<vmem>> -> memref<1x8x128xf32, #tpu.memory_space<vmem>>
      %dma_start3A_2234 = tpu.memref_squeeze %dma_start3A_2233 : memref<1x8x128xf32, #tpu.memory_space<vmem>> -> memref<8x128xf32, #tpu.memory_space<vmem>>
      %dma_start3A_2235 = arith.constant 24 : i32
      %dma_start3A_2236 = tpu.memref_slice %arg3[%dma_start3A_2235, %multiple_of3A_2184] : memref<32x1000000xf32, #tpu.memory_space<hbm>> -> memref<8x128xf32, #tpu.memory_space<hbm>>
      tpu.enqueue_dma source(%dma_start3A_2236 : memref<8x128xf32, #tpu.memory_space<hbm>>) target(%dma_start3A_2234 : memref<8x128xf32, #tpu.memory_space<vmem>>) target_semaphore(%arg16 : memref<!tpu.dma_semaphore, #tpu.memory_space<semaphore_mem>>)
    }
    %scan3A_669 = arith.constant 63 : i32
    %dma_wait3A_670 = arith.constant 0 : i32
    %dma_wait3A_671 = arith.constant 0 : i32
    %dma_wait3A_672 = arith.constant 0 : i32
    %dma_wait3A_673 = tpu.memref_slice %arg6[%dma_wait3A_670, %dma_wait3A_671, %dma_wait3A_672] : memref<8x32x128xf32, #tpu.memory_space<vmem>> -> memref<1x32x128xf32, #tpu.memory_space<vmem>>
    %dma_wait3A_674 = tpu.memref_squeeze %dma_wait3A_673 : memref<1x32x128xf32, #tpu.memory_space<vmem>> -> memref<32x128xf32, #tpu.memory_space<vmem>>
    %dma_wait3A_675 = arith.constant 0 : i32
    %dma_wait3A_676 = arith.constant 0 : i32
    %dma_wait3A_677 = tpu.memref_slice %arg3[%dma_wait3A_675, %dma_wait3A_676] : memref<32x1000000xf32, #tpu.memory_space<hbm>> -> memref<32x128xf32, #tpu.memory_space<hbm>>
    %dma_wait3A_678 = arith.constant 0 : i32
    %dma_wait3A_679 = arith.constant 0 : i32
    %dma_wait3A_680 = tpu.memref_slice %arg6[%dma_wait3A_670, %dma_wait3A_678, %dma_wait3A_679] : memref<8x32x128xf32, #tpu.memory_space<vmem>> -> memref<1x32x128xf32, #tpu.memory_space<vmem>>
    %dma_wait3A_681 = tpu.memref_squeeze %dma_wait3A_680 : memref<1x32x128xf32, #tpu.memory_space<vmem>> -> memref<32x128xf32, #tpu.memory_space<vmem>>
    %dma_wait3A_682 = arith.constant 0 : i32
    %dma_wait3A_683 = arith.constant 0 : i32
    %dma_wait3A_684 = tpu.memref_slice %arg3[%dma_wait3A_682, %dma_wait3A_683] : memref<32x1000000xf32, #tpu.memory_space<hbm>> -> memref<32x128xf32, #tpu.memory_space<hbm>>
    tpu.wait_dma2 semaphore(%arg9 : memref<!tpu.dma_semaphore, #tpu.memory_space<semaphore_mem>>) src(%dma_wait3A_684 : memref<32x128xf32, #tpu.memory_space<hbm>>) dst(%dma_wait3A_681 : memref<32x128xf32, #tpu.memory_space<vmem>>)
    %get3A_685 = arith.constant 504 : index
    %get3A_686 = tpu.vector_load %arg5[%get3A_685] {strides = array<i32>} : memref<528xi32, #tpu.memory_space<vmem>>, vector<16xi32>,
    %slice3A_687 = vector.extract_strided_slice %get3A_686 {offsets = [0], sizes = [1], strides = [1]} : vector<16xi32> to vector<1xi32>
    %squeeze3A_688 = vector.extract %slice3A_687[0] : i32 from vector<1xi32>
    %broadcast_in_dim3A = arith.constant 0 : i32
    %broadcast_in_dim3A_689 = vector.broadcast %broadcast_in_dim3A : i32 to vector<16xi32>
    %jit3A_690 = arith.constant 128 : i32
    %eq3A = arith.constant 0 : i32
    %eq3A_691 = arith.cmpi eq, %jit3A_690, %eq3A : i32
    %jit3A_692 = arith.constant 1 : i32
    %select_n3A_693 = arith.select %eq3A_691, %jit3A_692, %jit3A_690 : i32
    %rem3A_694 = arith.remsi %squeeze3A_688, %select_n3A_693 : i32
    %ne3A_695 = arith.constant 0 : i32
    %ne3A_696 = arith.cmpi ne, %rem3A_694, %ne3A_695 : i32
    %lt3A = arith.constant 0 : i32
    %lt3A_697 = arith.cmpi slt, %rem3A_694, %lt3A : i32
    %lt3A_698 = arith.constant 0 : i32
    %lt3A_699 = arith.cmpi slt, %select_n3A_693, %lt3A_698 : i32
    %ne3A_700 = arith.xori %lt3A_697, %lt3A_699 : i1
    %and3A_701 = arith.andi %ne3A_700, %ne3A_696 : i1
    %add3A_702 = arith.addi %rem3A_694, %select_n3A_693 : i32
    %select_n3A_703 = arith.select %and3A_701, %add3A_702, %rem3A_694 : i32
    %broadcast_in_dim3A_704 = vector.broadcast %select_n3A_703 : i32 to vector<16xi32>
    %broadcast_in_dim3A_705 = arith.constant 504 : i32
    %broadcast_in_dim3A_706 = vector.broadcast %broadcast_in_dim3A_705 : i32 to vector<16xi32>
    %add3A_707 = arith.constant 0 : i32
    %add3A_708 = vector.broadcast %add3A_707 : i32 to vector<16xi32>
    %add3A_709 = arith.addi %iota3A, %add3A_708 : vector<16xi32>
    %gather3A = tpu.vector_load_idx %arg6[%broadcast_in_dim3A_689, %add3A_709, %broadcast_in_dim3A_704] : memref<8x32x128xf32, #tpu.memory_space<vmem>>[vector<16xi32>, vector<16xi32>, vector<16xi32>], vector<16xf32>,
    %add3A_710 = arith.constant 0 : i32
    %add3A_711 = vector.broadcast %add3A_710 : i32 to vector<16xi32>
    %add3A_712 = arith.addi %iota3A, %add3A_711 : vector<16xi32>
    tpu.vector_store_idx %arg7[%add3A_712, %broadcast_in_dim3A_706], %gather3A : memref<32x512xf32, #tpu.memory_space<vmem>>[vector<16xi32>, vector<16xi32>], vector<16xf32>,
    %add3A_713 = arith.constant 16 : i32
    %add3A_714 = vector.broadcast %add3A_713 : i32 to vector<16xi32>
    %add3A_715 = arith.addi %iota3A, %add3A_714 : vector<16xi32>
    %gather3A_716 = tpu.vector_load_idx %arg6[%broadcast_in_dim3A_689, %add3A_715, %broadcast_in_dim3A_704] : memref<8x32x128xf32, #tpu.memory_space<vmem>>[vector<16xi32>, vector<16xi32>, vector<16xi32>], vector<16xf32>,
    %add3A_717 = arith.constant 16 : i32
    %add3A_718 = vector.broadcast %add3A_717 : i32 to vector<16xi32>
    %add3A_719 = arith.addi %iota3A, %add3A_718 : vector<16xi32>
    tpu.vector_store_idx %arg7[%add3A_719, %broadcast_in_dim3A_706], %gather3A_716 : memref<32x512xf32, #tpu.memory_space<vmem>>[vector<16xi32>, vector<16xi32>], vector<16xf32>,
    %dma_wait3A_720 = arith.constant 1 : i32
    %dma_wait3A_721 = arith.constant 0 : i32
    %dma_wait3A_722 = arith.constant 0 : i32
    %dma_wait3A_723 = tpu.memref_slice %arg6[%dma_wait3A_720, %dma_wait3A_721, %dma_wait3A_722] : memref<8x32x128xf32, #tpu.memory_space<vmem>> -> memref<1x32x128xf32, #tpu.memory_space<vmem>>
    %dma_wait3A_724 = tpu.memref_squeeze %dma_wait3A_723 : memref<1x32x128xf32, #tpu.memory_space<vmem>> -> memref<32x128xf32, #tpu.memory_space<vmem>>
    %dma_wait3A_725 = arith.constant 0 : i32
    %dma_wait3A_726 = arith.constant 0 : i32
    %dma_wait3A_727 = tpu.memref_slice %arg3[%dma_wait3A_725, %dma_wait3A_726] : memref<32x1000000xf32, #tpu.memory_space<hbm>> -> memref<32x128xf32, #tpu.memory_space<hbm>>
    %dma_wait3A_728 = arith.constant 0 : i32
    %dma_wait3A_729 = arith.constant 0 : i32
    %dma_wait3A_730 = tpu.memref_slice %arg6[%dma_wait3A_720, %dma_wait3A_728, %dma_wait3A_729] : memref<8x32x128xf32, #tpu.memory_space<vmem>> -> memref<1x32x128xf32, #tpu.memory_space<vmem>>
    %dma_wait3A_731 = tpu.memref_squeeze %dma_wait3A_730 : memref<1x32x128xf32, #tpu.memory_space<vmem>> -> memref<32x128xf32, #tpu.memory_space<vmem>>
    %dma_wait3A_732 = arith.constant 0 : i32
    %dma_wait3A_733 = arith.constant 0 : i32
    %dma_wait3A_734 = tpu.memref_slice %arg3[%dma_wait3A_732, %dma_wait3A_733] : memref<32x1000000xf32, #tpu.memory_space<hbm>> -> memref<32x128xf32, #tpu.memory_space<hbm>>
    tpu.wait_dma2 semaphore(%arg10 : memref<!tpu.dma_semaphore, #tpu.memory_space<semaphore_mem>>) src(%dma_wait3A_734 : memref<32x128xf32, #tpu.memory_space<hbm>>) dst(%dma_wait3A_731 : memref<32x128xf32, #tpu.memory_space<vmem>>)
    %get3A_735 = arith.constant 505 : index
    %get3A_736 = tpu.vector_load %arg5[%get3A_735] {strides = array<i32>} : memref<528xi32, #tpu.memory_space<vmem>>, vector<16xi32>,
    %slice3A_737 = vector.extract_strided_slice %get3A_736 {offsets = [0], sizes = [1], strides = [1]} : vector<16xi32> to vector<1xi32>
    %squeeze3A_738 = vector.extract %slice3A_737[0] : i32 from vector<1xi32>
    %broadcast_in_dim3A_739 = arith.constant 1 : i32
    %broadcast_in_dim3A_740 = vector.broadcast %broadcast_in_dim3A_739 : i32 to vector<16xi32>
    %jit3A_741 = arith.constant 128 : i32
    %eq3A_742 = arith.constant 0 : i32
    %eq3A_743 = arith.cmpi eq, %jit3A_741, %eq3A_742 : i32
    %jit3A_744 = arith.constant 1 : i32
    %select_n3A_745 = arith.select %eq3A_743, %jit3A_744, %jit3A_741 : i32
    %rem3A_746 = arith.remsi %squeeze3A_738, %select_n3A_745 : i32
    %ne3A_747 = arith.constant 0 : i32
    %ne3A_748 = arith.cmpi ne, %rem3A_746, %ne3A_747 : i32
    %lt3A_749 = arith.constant 0 : i32
    %lt3A_750 = arith.cmpi slt, %rem3A_746, %lt3A_749 : i32
    %lt3A_751 = arith.constant 0 : i32
    %lt3A_752 = arith.cmpi slt, %select_n3A_745, %lt3A_751 : i32
    %ne3A_753 = arith.xori %lt3A_750, %lt3A_752 : i1
    %and3A_754 = arith.andi %ne3A_753, %ne3A_748 : i1
    %add3A_755 = arith.addi %rem3A_746, %select_n3A_745 : i32
    %select_n3A_756 = arith.select %and3A_754, %add3A_755, %rem3A_746 : i32
    %broadcast_in_dim3A_757 = vector.broadcast %select_n3A_756 : i32 to vector<16xi32>
    %broadcast_in_dim3A_758 = arith.constant 505 : i32
    %broadcast_in_dim3A_759 = vector.broadcast %broadcast_in_dim3A_758 : i32 to vector<16xi32>
    %add3A_760 = arith.constant 0 : i32
    %add3A_761 = vector.broadcast %add3A_760 : i32 to vector<16xi32>
    %add3A_762 = arith.addi %iota3A, %add3A_761 : vector<16xi32>
    %gather3A_763 = tpu.vector_load_idx %arg6[%broadcast_in_dim3A_740, %add3A_762, %broadcast_in_dim3A_757] : memref<8x32x128xf32, #tpu.memory_space<vmem>>[vector<16xi32>, vector<16xi32>, vector<16xi32>], vector<16xf32>,
    %add3A_764 = arith.constant 0 : i32
    %add3A_765 = vector.broadcast %add3A_764 : i32 to vector<16xi32>
    %add3A_766 = arith.addi %iota3A, %add3A_765 : vector<16xi32>
    tpu.vector_store_idx %arg7[%add3A_766, %broadcast_in_dim3A_759], %gather3A_763 : memref<32x512xf32, #tpu.memory_space<vmem>>[vector<16xi32>, vector<16xi32>], vector<16xf32>,
    %add3A_767 = arith.constant 16 : i32
    %add3A_768 = vector.broadcast %add3A_767 : i32 to vector<16xi32>
    %add3A_769 = arith.addi %iota3A, %add3A_768 : vector<16xi32>
    %gather3A_770 = tpu.vector_load_idx %arg6[%broadcast_in_dim3A_740, %add3A_769, %broadcast_in_dim3A_757] : memref<8x32x128xf32, #tpu.memory_space<vmem>>[vector<16xi32>, vector<16xi32>, vector<16xi32>], vector<16xf32>,
    %add3A_771 = arith.constant 16 : i32
    %add3A_772 = vector.broadcast %add3A_771 : i32 to vector<16xi32>
    %add3A_773 = arith.addi %iota3A, %add3A_772 : vector<16xi32>
    tpu.vector_store_idx %arg7[%add3A_773, %broadcast_in_dim3A_759], %gather3A_770 : memref<32x512xf32, #tpu.memory_space<vmem>>[vector<16xi32>, vector<16xi32>], vector<16xf32>,
    %dma_wait3A_774 = arith.constant 2 : i32
    %dma_wait3A_775 = arith.constant 0 : i32
    %dma_wait3A_776 = arith.constant 0 : i32
    %dma_wait3A_777 = tpu.memref_slice %arg6[%dma_wait3A_774, %dma_wait3A_775, %dma_wait3A_776] : memref<8x32x128xf32, #tpu.memory_space<vmem>> -> memref<1x32x128xf32, #tpu.memory_space<vmem>>
    %dma_wait3A_778 = tpu.memref_squeeze %dma_wait3A_777 : memref<1x32x128xf32, #tpu.memory_space<vmem>> -> memref<32x128xf32, #tpu.memory_space<vmem>>
    %dma_wait3A_779 = arith.constant 0 : i32
    %dma_wait3A_780 = arith.constant 0 : i32
    %dma_wait3A_781 = tpu.memref_slice %arg3[%dma_wait3A_779, %dma_wait3A_780] : memref<32x1000000xf32, #tpu.memory_space<hbm>> -> memref<32x128xf32, #tpu.memory_space<hbm>>
    %dma_wait3A_782 = arith.constant 0 : i32
    %dma_wait3A_783 = arith.constant 0 : i32
    %dma_wait3A_784 = tpu.memref_slice %arg6[%dma_wait3A_774, %dma_wait3A_782, %dma_wait3A_783] : memref<8x32x128xf32, #tpu.memory_space<vmem>> -> memref<1x32x128xf32, #tpu.memory_space<vmem>>
    %dma_wait3A_785 = tpu.memref_squeeze %dma_wait3A_784 : memref<1x32x128xf32, #tpu.memory_space<vmem>> -> memref<32x128xf32, #tpu.memory_space<vmem>>
    %dma_wait3A_786 = arith.constant 0 : i32
    %dma_wait3A_787 = arith.constant 0 : i32
    %dma_wait3A_788 = tpu.memref_slice %arg3[%dma_wait3A_786, %dma_wait3A_787] : memref<32x1000000xf32, #tpu.memory_space<hbm>> -> memref<32x128xf32, #tpu.memory_space<hbm>>
    tpu.wait_dma2 semaphore(%arg11 : memref<!tpu.dma_semaphore, #tpu.memory_space<semaphore_mem>>) src(%dma_wait3A_788 : memref<32x128xf32, #tpu.memory_space<hbm>>) dst(%dma_wait3A_785 : memref<32x128xf32, #tpu.memory_space<vmem>>)
    %get3A_789 = arith.constant 506 : index
    %get3A_790 = tpu.vector_load %arg5[%get3A_789] {strides = array<i32>} : memref<528xi32, #tpu.memory_space<vmem>>, vector<16xi32>,
    %slice3A_791 = vector.extract_strided_slice %get3A_790 {offsets = [0], sizes = [1], strides = [1]} : vector<16xi32> to vector<1xi32>
    %squeeze3A_792 = vector.extract %slice3A_791[0] : i32 from vector<1xi32>
    %broadcast_in_dim3A_793 = arith.constant 2 : i32
    %broadcast_in_dim3A_794 = vector.broadcast %broadcast_in_dim3A_793 : i32 to vector<16xi32>
    %jit3A_795 = arith.constant 128 : i32
    %eq3A_796 = arith.constant 0 : i32
    %eq3A_797 = arith.cmpi eq, %jit3A_795, %eq3A_796 : i32
    %jit3A_798 = arith.constant 1 : i32
    %select_n3A_799 = arith.select %eq3A_797, %jit3A_798, %jit3A_795 : i32
    %rem3A_800 = arith.remsi %squeeze3A_792, %select_n3A_799 : i32
    %ne3A_801 = arith.constant 0 : i32
    %ne3A_802 = arith.cmpi ne, %rem3A_800, %ne3A_801 : i32
    %lt3A_803 = arith.constant 0 : i32
    %lt3A_804 = arith.cmpi slt, %rem3A_800, %lt3A_803 : i32
    %lt3A_805 = arith.constant 0 : i32
    %lt3A_806 = arith.cmpi slt, %select_n3A_799, %lt3A_805 : i32
    %ne3A_807 = arith.xori %lt3A_804, %lt3A_806 : i1
    %and3A_808 = arith.andi %ne3A_807, %ne3A_802 : i1
    %add3A_809 = arith.addi %rem3A_800, %select_n3A_799 : i32
    %select_n3A_810 = arith.select %and3A_808, %add3A_809, %rem3A_800 : i32
    %broadcast_in_dim3A_811 = vector.broadcast %select_n3A_810 : i32 to vector<16xi32>
    %broadcast_in_dim3A_812 = arith.constant 506 : i32
    %broadcast_in_dim3A_813 = vector.broadcast %broadcast_in_dim3A_812 : i32 to vector<16xi32>
    %add3A_814 = arith.constant 0 : i32
    %add3A_815 = vector.broadcast %add3A_814 : i32 to vector<16xi32>
    %add3A_816 = arith.addi %iota3A, %add3A_815 : vector<16xi32>
    %gather3A_817 = tpu.vector_load_idx %arg6[%broadcast_in_dim3A_794, %add3A_816, %broadcast_in_dim3A_811] : memref<8x32x128xf32, #tpu.memory_space<vmem>>[vector<16xi32>, vector<16xi32>, vector<16xi32>], vector<16xf32>,
    %add3A_818 = arith.constant 0 : i32
    %add3A_819 = vector.broadcast %add3A_818 : i32 to vector<16xi32>
    %add3A_820 = arith.addi %iota3A, %add3A_819 : vector<16xi32>
    tpu.vector_store_idx %arg7[%add3A_820, %broadcast_in_dim3A_813], %gather3A_817 : memref<32x512xf32, #tpu.memory_space<vmem>>[vector<16xi32>, vector<16xi32>], vector<16xf32>,
    %add3A_821 = arith.constant 16 : i32
    %add3A_822 = vector.broadcast %add3A_821 : i32 to vector<16xi32>
    %add3A_823 = arith.addi %iota3A, %add3A_822 : vector<16xi32>
    %gather3A_824 = tpu.vector_load_idx %arg6[%broadcast_in_dim3A_794, %add3A_823, %broadcast_in_dim3A_811] : memref<8x32x128xf32, #tpu.memory_space<vmem>>[vector<16xi32>, vector<16xi32>, vector<16xi32>], vector<16xf32>,
    %add3A_825 = arith.constant 16 : i32
    %add3A_826 = vector.broadcast %add3A_825 : i32 to vector<16xi32>
    %add3A_827 = arith.addi %iota3A, %add3A_826 : vector<16xi32>
    tpu.vector_store_idx %arg7[%add3A_827, %broadcast_in_dim3A_813], %gather3A_824 : memref<32x512xf32, #tpu.memory_space<vmem>>[vector<16xi32>, vector<16xi32>], vector<16xf32>,
    %dma_wait3A_828 = arith.constant 3 : i32
    %dma_wait3A_829 = arith.constant 0 : i32
    %dma_wait3A_830 = arith.constant 0 : i32
    %dma_wait3A_831 = tpu.memref_slice %arg6[%dma_wait3A_828, %dma_wait3A_829, %dma_wait3A_830] : memref<8x32x128xf32, #tpu.memory_space<vmem>> -> memref<1x32x128xf32, #tpu.memory_space<vmem>>
    %dma_wait3A_832 = tpu.memref_squeeze %dma_wait3A_831 : memref<1x32x128xf32, #tpu.memory_space<vmem>> -> memref<32x128xf32, #tpu.memory_space<vmem>>
    %dma_wait3A_833 = arith.constant 0 : i32
    %dma_wait3A_834 = arith.constant 0 : i32
    %dma_wait3A_835 = tpu.memref_slice %arg3[%dma_wait3A_833, %dma_wait3A_834] : memref<32x1000000xf32, #tpu.memory_space<hbm>> -> memref<32x128xf32, #tpu.memory_space<hbm>>
    %dma_wait3A_836 = arith.constant 0 : i32
    %dma_wait3A_837 = arith.constant 0 : i32
    %dma_wait3A_838 = tpu.memref_slice %arg6[%dma_wait3A_828, %dma_wait3A_836, %dma_wait3A_837] : memref<8x32x128xf32, #tpu.memory_space<vmem>> -> memref<1x32x128xf32, #tpu.memory_space<vmem>>
    %dma_wait3A_839 = tpu.memref_squeeze %dma_wait3A_838 : memref<1x32x128xf32, #tpu.memory_space<vmem>> -> memref<32x128xf32, #tpu.memory_space<vmem>>
    %dma_wait3A_840 = arith.constant 0 : i32
    %dma_wait3A_841 = arith.constant 0 : i32
    %dma_wait3A_842 = tpu.memref_slice %arg3[%dma_wait3A_840, %dma_wait3A_841] : memref<32x1000000xf32, #tpu.memory_space<hbm>> -> memref<32x128xf32, #tpu.memory_space<hbm>>
    tpu.wait_dma2 semaphore(%arg12 : memref<!tpu.dma_semaphore, #tpu.memory_space<semaphore_mem>>) src(%dma_wait3A_842 : memref<32x128xf32, #tpu.memory_space<hbm>>) dst(%dma_wait3A_839 : memref<32x128xf32, #tpu.memory_space<vmem>>)
    %get3A_843 = arith.constant 507 : index
    %get3A_844 = tpu.vector_load %arg5[%get3A_843] {strides = array<i32>} : memref<528xi32, #tpu.memory_space<vmem>>, vector<16xi32>,
    %slice3A_845 = vector.extract_strided_slice %get3A_844 {offsets = [0], sizes = [1], strides = [1]} : vector<16xi32> to vector<1xi32>
    %squeeze3A_846 = vector.extract %slice3A_845[0] : i32 from vector<1xi32>
    %broadcast_in_dim3A_847 = arith.constant 3 : i32
    %broadcast_in_dim3A_848 = vector.broadcast %broadcast_in_dim3A_847 : i32 to vector<16xi32>
    %jit3A_849 = arith.constant 128 : i32
    %eq3A_850 = arith.constant 0 : i32
    %eq3A_851 = arith.cmpi eq, %jit3A_849, %eq3A_850 : i32
    %jit3A_852 = arith.constant 1 : i32
    %select_n3A_853 = arith.select %eq3A_851, %jit3A_852, %jit3A_849 : i32
    %rem3A_854 = arith.remsi %squeeze3A_846, %select_n3A_853 : i32
    %ne3A_855 = arith.constant 0 : i32
    %ne3A_856 = arith.cmpi ne, %rem3A_854, %ne3A_855 : i32
    %lt3A_857 = arith.constant 0 : i32
    %lt3A_858 = arith.cmpi slt, %rem3A_854, %lt3A_857 : i32
    %lt3A_859 = arith.constant 0 : i32
    %lt3A_860 = arith.cmpi slt, %select_n3A_853, %lt3A_859 : i32
    %ne3A_861 = arith.xori %lt3A_858, %lt3A_860 : i1
    %and3A_862 = arith.andi %ne3A_861, %ne3A_856 : i1
    %add3A_863 = arith.addi %rem3A_854, %select_n3A_853 : i32
    %select_n3A_864 = arith.select %and3A_862, %add3A_863, %rem3A_854 : i32
    %broadcast_in_dim3A_865 = vector.broadcast %select_n3A_864 : i32 to vector<16xi32>
    %broadcast_in_dim3A_866 = arith.constant 507 : i32
    %broadcast_in_dim3A_867 = vector.broadcast %broadcast_in_dim3A_866 : i32 to vector<16xi32>
    %add3A_868 = arith.constant 0 : i32
    %add3A_869 = vector.broadcast %add3A_868 : i32 to vector<16xi32>
    %add3A_870 = arith.addi %iota3A, %add3A_869 : vector<16xi32>
    %gather3A_871 = tpu.vector_load_idx %arg6[%broadcast_in_dim3A_848, %add3A_870, %broadcast_in_dim3A_865] : memref<8x32x128xf32, #tpu.memory_space<vmem>>[vector<16xi32>, vector<16xi32>, vector<16xi32>], vector<16xf32>,
    %add3A_872 = arith.constant 0 : i32
    %add3A_873 = vector.broadcast %add3A_872 : i32 to vector<16xi32>
    %add3A_874 = arith.addi %iota3A, %add3A_873 : vector<16xi32>
    tpu.vector_store_idx %arg7[%add3A_874, %broadcast_in_dim3A_867], %gather3A_871 : memref<32x512xf32, #tpu.memory_space<vmem>>[vector<16xi32>, vector<16xi32>], vector<16xf32>,
    %add3A_875 = arith.constant 16 : i32
    %add3A_876 = vector.broadcast %add3A_875 : i32 to vector<16xi32>
    %add3A_877 = arith.addi %iota3A, %add3A_876 : vector<16xi32>
    %gather3A_878 = tpu.vector_load_idx %arg6[%broadcast_in_dim3A_848, %add3A_877, %broadcast_in_dim3A_865] : memref<8x32x128xf32, #tpu.memory_space<vmem>>[vector<16xi32>, vector<16xi32>, vector<16xi32>], vector<16xf32>,
    %add3A_879 = arith.constant 16 : i32
    %add3A_880 = vector.broadcast %add3A_879 : i32 to vector<16xi32>
    %add3A_881 = arith.addi %iota3A, %add3A_880 : vector<16xi32>
    tpu.vector_store_idx %arg7[%add3A_881, %broadcast_in_dim3A_867], %gather3A_878 : memref<32x512xf32, #tpu.memory_space<vmem>>[vector<16xi32>, vector<16xi32>], vector<16xf32>,
    %dma_wait3A_882 = arith.constant 4 : i32
    %dma_wait3A_883 = arith.constant 0 : i32
    %dma_wait3A_884 = arith.constant 0 : i32
    %dma_wait3A_885 = tpu.memref_slice %arg6[%dma_wait3A_882, %dma_wait3A_883, %dma_wait3A_884] : memref<8x32x128xf32, #tpu.memory_space<vmem>> -> memref<1x32x128xf32, #tpu.memory_space<vmem>>
    %dma_wait3A_886 = tpu.memref_squeeze %dma_wait3A_885 : memref<1x32x128xf32, #tpu.memory_space<vmem>> -> memref<32x128xf32, #tpu.memory_space<vmem>>
    %dma_wait3A_887 = arith.constant 0 : i32
    %dma_wait3A_888 = arith.constant 0 : i32
    %dma_wait3A_889 = tpu.memref_slice %arg3[%dma_wait3A_887, %dma_wait3A_888] : memref<32x1000000xf32, #tpu.memory_space<hbm>> -> memref<32x128xf32, #tpu.memory_space<hbm>>
    %dma_wait3A_890 = arith.constant 0 : i32
    %dma_wait3A_891 = arith.constant 0 : i32
    %dma_wait3A_892 = tpu.memref_slice %arg6[%dma_wait3A_882, %dma_wait3A_890, %dma_wait3A_891] : memref<8x32x128xf32, #tpu.memory_space<vmem>> -> memref<1x32x128xf32, #tpu.memory_space<vmem>>
    %dma_wait3A_893 = tpu.memref_squeeze %dma_wait3A_892 : memref<1x32x128xf32, #tpu.memory_space<vmem>> -> memref<32x128xf32, #tpu.memory_space<vmem>>
    %dma_wait3A_894 = arith.constant 0 : i32
    %dma_wait3A_895 = arith.constant 0 : i32
    %dma_wait3A_896 = tpu.memref_slice %arg3[%dma_wait3A_894, %dma_wait3A_895] : memref<32x1000000xf32, #tpu.memory_space<hbm>> -> memref<32x128xf32, #tpu.memory_space<hbm>>
    tpu.wait_dma2 semaphore(%arg13 : memref<!tpu.dma_semaphore, #tpu.memory_space<semaphore_mem>>) src(%dma_wait3A_896 : memref<32x128xf32, #tpu.memory_space<hbm>>) dst(%dma_wait3A_893 : memref<32x128xf32, #tpu.memory_space<vmem>>)
    %get3A_897 = arith.constant 508 : index
    %get3A_898 = tpu.vector_load %arg5[%get3A_897] {strides = array<i32>} : memref<528xi32, #tpu.memory_space<vmem>>, vector<16xi32>,
    %slice3A_899 = vector.extract_strided_slice %get3A_898 {offsets = [0], sizes = [1], strides = [1]} : vector<16xi32> to vector<1xi32>
    %squeeze3A_900 = vector.extract %slice3A_899[0] : i32 from vector<1xi32>
    %broadcast_in_dim3A_901 = arith.constant 4 : i32
    %broadcast_in_dim3A_902 = vector.broadcast %broadcast_in_dim3A_901 : i32 to vector<16xi32>
    %jit3A_903 = arith.constant 128 : i32
    %eq3A_904 = arith.constant 0 : i32
    %eq3A_905 = arith.cmpi eq, %jit3A_903, %eq3A_904 : i32
    %jit3A_906 = arith.constant 1 : i32
    %select_n3A_907 = arith.select %eq3A_905, %jit3A_906, %jit3A_903 : i32
    %rem3A_908 = arith.remsi %squeeze3A_900, %select_n3A_907 : i32
    %ne3A_909 = arith.constant 0 : i32
    %ne3A_910 = arith.cmpi ne, %rem3A_908, %ne3A_909 : i32
    %lt3A_911 = arith.constant 0 : i32
    %lt3A_912 = arith.cmpi slt, %rem3A_908, %lt3A_911 : i32
    %lt3A_913 = arith.constant 0 : i32
    %lt3A_914 = arith.cmpi slt, %select_n3A_907, %lt3A_913 : i32
    %ne3A_915 = arith.xori %lt3A_912, %lt3A_914 : i1
    %and3A_916 = arith.andi %ne3A_915, %ne3A_910 : i1
    %add3A_917 = arith.addi %rem3A_908, %select_n3A_907 : i32
    %select_n3A_918 = arith.select %and3A_916, %add3A_917, %rem3A_908 : i32
    %broadcast_in_dim3A_919 = vector.broadcast %select_n3A_918 : i32 to vector<16xi32>
    %broadcast_in_dim3A_920 = arith.constant 508 : i32
    %broadcast_in_dim3A_921 = vector.broadcast %broadcast_in_dim3A_920 : i32 to vector<16xi32>
    %add3A_922 = arith.constant 0 : i32
    %add3A_923 = vector.broadcast %add3A_922 : i32 to vector<16xi32>
    %add3A_924 = arith.addi %iota3A, %add3A_923 : vector<16xi32>
    %gather3A_925 = tpu.vector_load_idx %arg6[%broadcast_in_dim3A_902, %add3A_924, %broadcast_in_dim3A_919] : memref<8x32x128xf32, #tpu.memory_space<vmem>>[vector<16xi32>, vector<16xi32>, vector<16xi32>], vector<16xf32>,
    %add3A_926 = arith.constant 0 : i32
    %add3A_927 = vector.broadcast %add3A_926 : i32 to vector<16xi32>
    %add3A_928 = arith.addi %iota3A, %add3A_927 : vector<16xi32>
    tpu.vector_store_idx %arg7[%add3A_928, %broadcast_in_dim3A_921], %gather3A_925 : memref<32x512xf32, #tpu.memory_space<vmem>>[vector<16xi32>, vector<16xi32>], vector<16xf32>,
    %add3A_929 = arith.constant 16 : i32
    %add3A_930 = vector.broadcast %add3A_929 : i32 to vector<16xi32>
    %add3A_931 = arith.addi %iota3A, %add3A_930 : vector<16xi32>
    %gather3A_932 = tpu.vector_load_idx %arg6[%broadcast_in_dim3A_902, %add3A_931, %broadcast_in_dim3A_919] : memref<8x32x128xf32, #tpu.memory_space<vmem>>[vector<16xi32>, vector<16xi32>, vector<16xi32>], vector<16xf32>,
    %add3A_933 = arith.constant 16 : i32
    %add3A_934 = vector.broadcast %add3A_933 : i32 to vector<16xi32>
    %add3A_935 = arith.addi %iota3A, %add3A_934 : vector<16xi32>
    tpu.vector_store_idx %arg7[%add3A_935, %broadcast_in_dim3A_921], %gather3A_932 : memref<32x512xf32, #tpu.memory_space<vmem>>[vector<16xi32>, vector<16xi32>], vector<16xf32>,
    %dma_wait3A_936 = arith.constant 5 : i32
    %dma_wait3A_937 = arith.constant 0 : i32
    %dma_wait3A_938 = arith.constant 0 : i32
    %dma_wait3A_939 = tpu.memref_slice %arg6[%dma_wait3A_936, %dma_wait3A_937, %dma_wait3A_938] : memref<8x32x128xf32, #tpu.memory_space<vmem>> -> memref<1x32x128xf32, #tpu.memory_space<vmem>>
    %dma_wait3A_940 = tpu.memref_squeeze %dma_wait3A_939 : memref<1x32x128xf32, #tpu.memory_space<vmem>> -> memref<32x128xf32, #tpu.memory_space<vmem>>
    %dma_wait3A_941 = arith.constant 0 : i32
    %dma_wait3A_942 = arith.constant 0 : i32
    %dma_wait3A_943 = tpu.memref_slice %arg3[%dma_wait3A_941, %dma_wait3A_942] : memref<32x1000000xf32, #tpu.memory_space<hbm>> -> memref<32x128xf32, #tpu.memory_space<hbm>>
    %dma_wait3A_944 = arith.constant 0 : i32
    %dma_wait3A_945 = arith.constant 0 : i32
    %dma_wait3A_946 = tpu.memref_slice %arg6[%dma_wait3A_936, %dma_wait3A_944, %dma_wait3A_945] : memref<8x32x128xf32, #tpu.memory_space<vmem>> -> memref<1x32x128xf32, #tpu.memory_space<vmem>>
    %dma_wait3A_947 = tpu.memref_squeeze %dma_wait3A_946 : memref<1x32x128xf32, #tpu.memory_space<vmem>> -> memref<32x128xf32, #tpu.memory_space<vmem>>
    %dma_wait3A_948 = arith.constant 0 : i32
    %dma_wait3A_949 = arith.constant 0 : i32
    %dma_wait3A_950 = tpu.memref_slice %arg3[%dma_wait3A_948, %dma_wait3A_949] : memref<32x1000000xf32, #tpu.memory_space<hbm>> -> memref<32x128xf32, #tpu.memory_space<hbm>>
    tpu.wait_dma2 semaphore(%arg14 : memref<!tpu.dma_semaphore, #tpu.memory_space<semaphore_mem>>) src(%dma_wait3A_950 : memref<32x128xf32, #tpu.memory_space<hbm>>) dst(%dma_wait3A_947 : memref<32x128xf32, #tpu.memory_space<vmem>>)
    %get3A_951 = arith.constant 509 : index
    %get3A_952 = tpu.vector_load %arg5[%get3A_951] {strides = array<i32>} : memref<528xi32, #tpu.memory_space<vmem>>, vector<16xi32>,
    %slice3A_953 = vector.extract_strided_slice %get3A_952 {offsets = [0], sizes = [1], strides = [1]} : vector<16xi32> to vector<1xi32>
    %squeeze3A_954 = vector.extract %slice3A_953[0] : i32 from vector<1xi32>
    %broadcast_in_dim3A_955 = arith.constant 5 : i32
    %broadcast_in_dim3A_956 = vector.broadcast %broadcast_in_dim3A_955 : i32 to vector<16xi32>
    %jit3A_957 = arith.constant 128 : i32
    %eq3A_958 = arith.constant 0 : i32
    %eq3A_959 = arith.cmpi eq, %jit3A_957, %eq3A_958 : i32
    %jit3A_960 = arith.constant 1 : i32
    %select_n3A_961 = arith.select %eq3A_959, %jit3A_960, %jit3A_957 : i32
    %rem3A_962 = arith.remsi %squeeze3A_954, %select_n3A_961 : i32
    %ne3A_963 = arith.constant 0 : i32
    %ne3A_964 = arith.cmpi ne, %rem3A_962, %ne3A_963 : i32
    %lt3A_965 = arith.constant 0 : i32
    %lt3A_966 = arith.cmpi slt, %rem3A_962, %lt3A_965 : i32
    %lt3A_967 = arith.constant 0 : i32
    %lt3A_968 = arith.cmpi slt, %select_n3A_961, %lt3A_967 : i32
    %ne3A_969 = arith.xori %lt3A_966, %lt3A_968 : i1
    %and3A_970 = arith.andi %ne3A_969, %ne3A_964 : i1
    %add3A_971 = arith.addi %rem3A_962, %select_n3A_961 : i32
    %select_n3A_972 = arith.select %and3A_970, %add3A_971, %rem3A_962 : i32
    %broadcast_in_dim3A_973 = vector.broadcast %select_n3A_972 : i32 to vector<16xi32>
    %broadcast_in_dim3A_974 = arith.constant 509 : i32
    %broadcast_in_dim3A_975 = vector.broadcast %broadcast_in_dim3A_974 : i32 to vector<16xi32>
    %add3A_976 = arith.constant 0 : i32
    %add3A_977 = vector.broadcast %add3A_976 : i32 to vector<16xi32>
    %add3A_978 = arith.addi %iota3A, %add3A_977 : vector<16xi32>
    %gather3A_979 = tpu.vector_load_idx %arg6[%broadcast_in_dim3A_956, %add3A_978, %broadcast_in_dim3A_973] : memref<8x32x128xf32, #tpu.memory_space<vmem>>[vector<16xi32>, vector<16xi32>, vector<16xi32>], vector<16xf32>,
    %add3A_980 = arith.constant 0 : i32
    %add3A_981 = vector.broadcast %add3A_980 : i32 to vector<16xi32>
    %add3A_982 = arith.addi %iota3A, %add3A_981 : vector<16xi32>
    tpu.vector_store_idx %arg7[%add3A_982, %broadcast_in_dim3A_975], %gather3A_979 : memref<32x512xf32, #tpu.memory_space<vmem>>[vector<16xi32>, vector<16xi32>], vector<16xf32>,
    %add3A_983 = arith.constant 16 : i32
    %add3A_984 = vector.broadcast %add3A_983 : i32 to vector<16xi32>
    %add3A_985 = arith.addi %iota3A, %add3A_984 : vector<16xi32>
    %gather3A_986 = tpu.vector_load_idx %arg6[%broadcast_in_dim3A_956, %add3A_985, %broadcast_in_dim3A_973] : memref<8x32x128xf32, #tpu.memory_space<vmem>>[vector<16xi32>, vector<16xi32>, vector<16xi32>], vector<16xf32>,
    %add3A_987 = arith.constant 16 : i32
    %add3A_988 = vector.broadcast %add3A_987 : i32 to vector<16xi32>
    %add3A_989 = arith.addi %iota3A, %add3A_988 : vector<16xi32>
    tpu.vector_store_idx %arg7[%add3A_989, %broadcast_in_dim3A_975], %gather3A_986 : memref<32x512xf32, #tpu.memory_space<vmem>>[vector<16xi32>, vector<16xi32>], vector<16xf32>,
    %dma_wait3A_990 = arith.constant 6 : i32
    %dma_wait3A_991 = arith.constant 0 : i32
    %dma_wait3A_992 = arith.constant 0 : i32
    %dma_wait3A_993 = tpu.memref_slice %arg6[%dma_wait3A_990, %dma_wait3A_991, %dma_wait3A_992] : memref<8x32x128xf32, #tpu.memory_space<vmem>> -> memref<1x32x128xf32, #tpu.memory_space<vmem>>
    %dma_wait3A_994 = tpu.memref_squeeze %dma_wait3A_993 : memref<1x32x128xf32, #tpu.memory_space<vmem>> -> memref<32x128xf32, #tpu.memory_space<vmem>>
    %dma_wait3A_995 = arith.constant 0 : i32
    %dma_wait3A_996 = arith.constant 0 : i32
    %dma_wait3A_997 = tpu.memref_slice %arg3[%dma_wait3A_995, %dma_wait3A_996] : memref<32x1000000xf32, #tpu.memory_space<hbm>> -> memref<32x128xf32, #tpu.memory_space<hbm>>
    %dma_wait3A_998 = arith.constant 0 : i32
    %dma_wait3A_999 = arith.constant 0 : i32
    %dma_wait3A_1000 = tpu.memref_slice %arg6[%dma_wait3A_990, %dma_wait3A_998, %dma_wait3A_999] : memref<8x32x128xf32, #tpu.memory_space<vmem>> -> memref<1x32x128xf32, #tpu.memory_space<vmem>>
    %dma_wait3A_1001 = tpu.memref_squeeze %dma_wait3A_1000 : memref<1x32x128xf32, #tpu.memory_space<vmem>> -> memref<32x128xf32, #tpu.memory_space<vmem>>
    %dma_wait3A_1002 = arith.constant 0 : i32
    %dma_wait3A_1003 = arith.constant 0 : i32
    %dma_wait3A_1004 = tpu.memref_slice %arg3[%dma_wait3A_1002, %dma_wait3A_1003] : memref<32x1000000xf32, #tpu.memory_space<hbm>> -> memref<32x128xf32, #tpu.memory_space<hbm>>
    tpu.wait_dma2 semaphore(%arg15 : memref<!tpu.dma_semaphore, #tpu.memory_space<semaphore_mem>>) src(%dma_wait3A_1004 : memref<32x128xf32, #tpu.memory_space<hbm>>) dst(%dma_wait3A_1001 : memref<32x128xf32, #tpu.memory_space<vmem>>)
    %get3A_1005 = arith.constant 510 : index
    %get3A_1006 = tpu.vector_load %arg5[%get3A_1005] {strides = array<i32>} : memref<528xi32, #tpu.memory_space<vmem>>, vector<16xi32>,
    %slice3A_1007 = vector.extract_strided_slice %get3A_1006 {offsets = [0], sizes = [1], strides = [1]} : vector<16xi32> to vector<1xi32>
    %squeeze3A_1008 = vector.extract %slice3A_1007[0] : i32 from vector<1xi32>
    %broadcast_in_dim3A_1009 = arith.constant 6 : i32
    %broadcast_in_dim3A_1010 = vector.broadcast %broadcast_in_dim3A_1009 : i32 to vector<16xi32>
    %jit3A_1011 = arith.constant 128 : i32
    %eq3A_1012 = arith.constant 0 : i32
    %eq3A_1013 = arith.cmpi eq, %jit3A_1011, %eq3A_1012 : i32
    %jit3A_1014 = arith.constant 1 : i32
    %select_n3A_1015 = arith.select %eq3A_1013, %jit3A_1014, %jit3A_1011 : i32
    %rem3A_1016 = arith.remsi %squeeze3A_1008, %select_n3A_1015 : i32
    %ne3A_1017 = arith.constant 0 : i32
    %ne3A_1018 = arith.cmpi ne, %rem3A_1016, %ne3A_1017 : i32
    %lt3A_1019 = arith.constant 0 : i32
    %lt3A_1020 = arith.cmpi slt, %rem3A_1016, %lt3A_1019 : i32
    %lt3A_1021 = arith.constant 0 : i32
    %lt3A_1022 = arith.cmpi slt, %select_n3A_1015, %lt3A_1021 : i32
    %ne3A_1023 = arith.xori %lt3A_1020, %lt3A_1022 : i1
    %and3A_1024 = arith.andi %ne3A_1023, %ne3A_1018 : i1
    %add3A_1025 = arith.addi %rem3A_1016, %select_n3A_1015 : i32
    %select_n3A_1026 = arith.select %and3A_1024, %add3A_1025, %rem3A_1016 : i32
    %broadcast_in_dim3A_1027 = vector.broadcast %select_n3A_1026 : i32 to vector<16xi32>
    %broadcast_in_dim3A_1028 = arith.constant 510 : i32
    %broadcast_in_dim3A_1029 = vector.broadcast %broadcast_in_dim3A_1028 : i32 to vector<16xi32>
    %add3A_1030 = arith.constant 0 : i32
    %add3A_1031 = vector.broadcast %add3A_1030 : i32 to vector<16xi32>
    %add3A_1032 = arith.addi %iota3A, %add3A_1031 : vector<16xi32>
    %gather3A_1033 = tpu.vector_load_idx %arg6[%broadcast_in_dim3A_1010, %add3A_1032, %broadcast_in_dim3A_1027] : memref<8x32x128xf32, #tpu.memory_space<vmem>>[vector<16xi32>, vector<16xi32>, vector<16xi32>], vector<16xf32>,
    %add3A_1034 = arith.constant 0 : i32
    %add3A_1035 = vector.broadcast %add3A_1034 : i32 to vector<16xi32>
    %add3A_1036 = arith.addi %iota3A, %add3A_1035 : vector<16xi32>
    tpu.vector_store_idx %arg7[%add3A_1036, %broadcast_in_dim3A_1029], %gather3A_1033 : memref<32x512xf32, #tpu.memory_space<vmem>>[vector<16xi32>, vector<16xi32>], vector<16xf32>,
    %add3A_1037 = arith.constant 16 : i32
    %add3A_1038 = vector.broadcast %add3A_1037 : i32 to vector<16xi32>
    %add3A_1039 = arith.addi %iota3A, %add3A_1038 : vector<16xi32>
    %gather3A_1040 = tpu.vector_load_idx %arg6[%broadcast_in_dim3A_1010, %add3A_1039, %broadcast_in_dim3A_1027] : memref<8x32x128xf32, #tpu.memory_space<vmem>>[vector<16xi32>, vector<16xi32>, vector<16xi32>], vector<16xf32>,
    %add3A_1041 = arith.constant 16 : i32
    %add3A_1042 = vector.broadcast %add3A_1041 : i32 to vector<16xi32>
    %add3A_1043 = arith.addi %iota3A, %add3A_1042 : vector<16xi32>
    tpu.vector_store_idx %arg7[%add3A_1043, %broadcast_in_dim3A_1029], %gather3A_1040 : memref<32x512xf32, #tpu.memory_space<vmem>>[vector<16xi32>, vector<16xi32>], vector<16xf32>,
    %dma_wait3A_1044 = arith.constant 7 : i32
    %dma_wait3A_1045 = arith.constant 0 : i32
    %dma_wait3A_1046 = arith.constant 0 : i32
    %dma_wait3A_1047 = tpu.memref_slice %arg6[%dma_wait3A_1044, %dma_wait3A_1045, %dma_wait3A_1046] : memref<8x32x128xf32, #tpu.memory_space<vmem>> -> memref<1x32x128xf32, #tpu.memory_space<vmem>>
    %dma_wait3A_1048 = tpu.memref_squeeze %dma_wait3A_1047 : memref<1x32x128xf32, #tpu.memory_space<vmem>> -> memref<32x128xf32, #tpu.memory_space<vmem>>
    %dma_wait3A_1049 = arith.constant 0 : i32
    %dma_wait3A_1050 = arith.constant 0 : i32
    %dma_wait3A_1051 = tpu.memref_slice %arg3[%dma_wait3A_1049, %dma_wait3A_1050] : memref<32x1000000xf32, #tpu.memory_space<hbm>> -> memref<32x128xf32, #tpu.memory_space<hbm>>
    %dma_wait3A_1052 = arith.constant 0 : i32
    %dma_wait3A_1053 = arith.constant 0 : i32
    %dma_wait3A_1054 = tpu.memref_slice %arg6[%dma_wait3A_1044, %dma_wait3A_1052, %dma_wait3A_1053] : memref<8x32x128xf32, #tpu.memory_space<vmem>> -> memref<1x32x128xf32, #tpu.memory_space<vmem>>
    %dma_wait3A_1055 = tpu.memref_squeeze %dma_wait3A_1054 : memref<1x32x128xf32, #tpu.memory_space<vmem>> -> memref<32x128xf32, #tpu.memory_space<vmem>>
    %dma_wait3A_1056 = arith.constant 0 : i32
    %dma_wait3A_1057 = arith.constant 0 : i32
    %dma_wait3A_1058 = tpu.memref_slice %arg3[%dma_wait3A_1056, %dma_wait3A_1057] : memref<32x1000000xf32, #tpu.memory_space<hbm>> -> memref<32x128xf32, #tpu.memory_space<hbm>>
    tpu.wait_dma2 semaphore(%arg16 : memref<!tpu.dma_semaphore, #tpu.memory_space<semaphore_mem>>) src(%dma_wait3A_1058 : memref<32x128xf32, #tpu.memory_space<hbm>>) dst(%dma_wait3A_1055 : memref<32x128xf32, #tpu.memory_space<vmem>>)
    %get3A_1059 = arith.constant 511 : index
    %get3A_1060 = tpu.vector_load %arg5[%get3A_1059] {strides = array<i32>} : memref<528xi32, #tpu.memory_space<vmem>>, vector<16xi32>,
    %slice3A_1061 = vector.extract_strided_slice %get3A_1060 {offsets = [0], sizes = [1], strides = [1]} : vector<16xi32> to vector<1xi32>
    %squeeze3A_1062 = vector.extract %slice3A_1061[0] : i32 from vector<1xi32>
    %broadcast_in_dim3A_1063 = arith.constant 7 : i32
    %broadcast_in_dim3A_1064 = vector.broadcast %broadcast_in_dim3A_1063 : i32 to vector<16xi32>
    %jit3A_1065 = arith.constant 128 : i32
    %eq3A_1066 = arith.constant 0 : i32
    %eq3A_1067 = arith.cmpi eq, %jit3A_1065, %eq3A_1066 : i32
    %jit3A_1068 = arith.constant 1 : i32
    %select_n3A_1069 = arith.select %eq3A_1067, %jit3A_1068, %jit3A_1065 : i32
    %rem3A_1070 = arith.remsi %squeeze3A_1062, %select_n3A_1069 : i32
    %ne3A_1071 = arith.constant 0 : i32
    %ne3A_1072 = arith.cmpi ne, %rem3A_1070, %ne3A_1071 : i32
    %lt3A_1073 = arith.constant 0 : i32
    %lt3A_1074 = arith.cmpi slt, %rem3A_1070, %lt3A_1073 : i32
    %lt3A_1075 = arith.constant 0 : i32
    %lt3A_1076 = arith.cmpi slt, %select_n3A_1069, %lt3A_1075 : i32
    %ne3A_1077 = arith.xori %lt3A_1074, %lt3A_1076 : i1
    %and3A_1078 = arith.andi %ne3A_1077, %ne3A_1072 : i1
    %add3A_1079 = arith.addi %rem3A_1070, %select_n3A_1069 : i32
    %select_n3A_1080 = arith.select %and3A_1078, %add3A_1079, %rem3A_1070 : i32
    %broadcast_in_dim3A_1081 = vector.broadcast %select_n3A_1080 : i32 to vector<16xi32>
    %broadcast_in_dim3A_1082 = arith.constant 511 : i32
    %broadcast_in_dim3A_1083 = vector.broadcast %broadcast_in_dim3A_1082 : i32 to vector<16xi32>
    %add3A_1084 = arith.constant 0 : i32
    %add3A_1085 = vector.broadcast %add3A_1084 : i32 to vector<16xi32>
    %add3A_1086 = arith.addi %iota3A, %add3A_1085 : vector<16xi32>
    %gather3A_1087 = tpu.vector_load_idx %arg6[%broadcast_in_dim3A_1064, %add3A_1086, %broadcast_in_dim3A_1081] : memref<8x32x128xf32, #tpu.memory_space<vmem>>[vector<16xi32>, vector<16xi32>, vector<16xi32>], vector<16xf32>,
    %add3A_1088 = arith.constant 0 : i32
    %add3A_1089 = vector.broadcast %add3A_1088 : i32 to vector<16xi32>
    %add3A_1090 = arith.addi %iota3A, %add3A_1089 : vector<16xi32>
    tpu.vector_store_idx %arg7[%add3A_1090, %broadcast_in_dim3A_1083], %gather3A_1087 : memref<32x512xf32, #tpu.memory_space<vmem>>[vector<16xi32>, vector<16xi32>], vector<16xf32>,
    %add3A_1091 = arith.constant 16 : i32
    %add3A_1092 = vector.broadcast %add3A_1091 : i32 to vector<16xi32>
    %add3A_1093 = arith.addi %iota3A, %add3A_1092 : vector<16xi32>
    %gather3A_1094 = tpu.vector_load_idx %arg6[%broadcast_in_dim3A_1064, %add3A_1093, %broadcast_in_dim3A_1081] : memref<8x32x128xf32, #tpu.memory_space<vmem>>[vector<16xi32>, vector<16xi32>, vector<16xi32>], vector<16xf32>,
    %add3A_1095 = arith.constant 16 : i32
    %add3A_1096 = vector.broadcast %add3A_1095 : i32 to vector<16xi32>
    %add3A_1097 = arith.addi %iota3A, %add3A_1096 : vector<16xi32>
    tpu.vector_store_idx %arg7[%add3A_1097, %broadcast_in_dim3A_1083], %gather3A_1094 : memref<32x512xf32, #tpu.memory_space<vmem>>[vector<16xi32>, vector<16xi32>], vector<16xf32>,
    "tpu.region"() ({
      %run_scoped3A = tpu.sem_alloc : memref<!tpu.dma_semaphore, #tpu.memory_space<semaphore_mem>>
      %dma_start3A_1098 = arith.constant 0 : i32
      %dma_start3A_1099 = tpu.memref_slice %arg4[%dma_start3A_1098, %mul3A_2] : memref<32x16384xf32, #tpu.memory_space<hbm>> -> memref<32x512xf32, #tpu.memory_space<hbm>>
      %dma_start3A_1100 = arith.constant 0 : i32
      %dma_start3A_1101 = tpu.memref_slice %arg4[%dma_start3A_1100, %mul3A_2] : memref<32x16384xf32, #tpu.memory_space<hbm>> -> memref<32x512xf32, #tpu.memory_space<hbm>>
      tpu.enqueue_dma source(%arg7 : memref<32x512xf32, #tpu.memory_space<vmem>>) target(%dma_start3A_1101 : memref<32x512xf32, #tpu.memory_space<hbm>>) target_semaphore(%run_scoped3A : memref<!tpu.dma_semaphore, #tpu.memory_space<semaphore_mem>>)
      %dma_wait3A_1102 = arith.constant 0 : i32
      %dma_wait3A_1103 = tpu.memref_slice %arg4[%dma_wait3A_1102, %mul3A_2] : memref<32x16384xf32, #tpu.memory_space<hbm>> -> memref<32x512xf32, #tpu.memory_space<hbm>>
      %dma_wait3A_1104 = arith.constant 0 : i32
      %dma_wait3A_1105 = tpu.memref_slice %arg4[%dma_wait3A_1104, %mul3A_2] : memref<32x16384xf32, #tpu.memory_space<hbm>> -> memref<32x512xf32, #tpu.memory_space<hbm>>
      tpu.wait_dma2 semaphore(%run_scoped3A : memref<!tpu.dma_semaphore, #tpu.memory_space<semaphore_mem>>) src(%arg7 : memref<32x512xf32, #tpu.memory_space<vmem>>) dst(%dma_wait3A_1105 : memref<32x512xf32, #tpu.memory_space<hbm>>)
      tpu.yield
    }) : () -> ()
    return
  }
}

</mosaic_0001>

<sc_bundles>
// kernel: kernel.3.cloned.1.call-start
scs
__scs_entry_jumppad:
0x0: {  	(pc) =	sbr.rel $0x88, $3  }
0x1: {  	(tag) =	ssettag $0x0;
	lr =	simm.s32 $0x1  }
0x2: {  	[smem:$0x3F9F] =	sst lr;
	_ =	strace $0xD0000000  }
0x3: {  	_ = 	snop  }
0x4: {  	_ = 	snop  }
0x5: {  	_ = 	snop  }
0x6: {  	_ = 	snop  }
0x7: {  	_ = 	snop  }
__scs_overlays_trampoline_lowered:
0x8: {  	[smem:$0x3FAE] =	sst s0  }
0x9: {  	[smem:$0x3FAF] =	sst s1  }
0xa: {  	[smem:$0x3FB0] =	sst s2  }
0xb: {  	[smem:$0x3FB1] =	sst s3  }
0xc: {  	[smem:$0x3FB2] =	sst s4  }
0xd: {  	[smem:$0x3FB3] =	sst s5  }
0xe: {  	[smem:$0x3FB4] =	sst s6  }
0xf: {  	[smem:$0x3FB5] =	sst s7  }
0x10: {  	[smem:$0x3FB6] =	sst s8  }
0x11: {  	[smem:$0x3FB7] =	sst s9;
	s0 =	simm.s32 @!p0 $0x0  }
0x12: {  	s1 =	sld [smem:$0x3F9D];
	s0 =	simm.s32 @p0 $0x1  }
0x13: {  	[smem:$0x3FB8] =	sst s0;
	s0 =	simm.s32 @!p1 $0x0  }
0x14: {  	s2 =	sld [smem:$0x3F9C];
	s0 =	simm.s32 @p1 $0x1  }
0x15: {  	[smem:$0x3FB9] =	sst s0;
	s0 =	simm.s32 @!p2 $0x0  }
0x16: {  	s3 =	sld [smem:$0x3FDB];
	s0 =	simm.s32 @p2 $0x1  }
0x17: {  	s4 =	simm.s32 $0x1BF5;
	[smem:$0x3FBB] =	sst s0  }
0x18: {  	s0 =	sld [smem:$0x3F9E];
	_ =	swait.ge [sflag:s4], $0x0  }
0x19: {  	s7 =	sld [smem:$0x3F9F]  }
0x1a: {  	s8 =	sadd.s32 $0xFFFFE003, lr  }
0x1b: {  	s9 =	sadd.s32 $0xFFFFFEF7, lr;
	s5 =	simm.s32 $0xFFFFFFFF;
	p2 =	slt.u32 s8, $0xFFFFF086  }
0x1c: {  	p1 =	slt.u32 s9, $0xF7A;
	s5 =	simm.s32 @!p2 $0x0  }
0x1d: {  	s5 =	simm.s32 @p1 $0x1;
	p0 =	seq.s32 s7, s2  }
0x1e: {  	s7 =	smul.u32 @!p0 $0xF7A, s2;
	p2 =	seq.s32 @!p0 s5, $0x0  }
0x1f: {  	s9 =	smul.u32 $0xF7A, s1;
	s8 =	simm.s32 @!p0 $0x1BF5;
	p2 =	por !p2, p0  }
0x20: {  	[sflag:s8] =	ssyncset.s32 @!p0 $0xFFFFF086;
	s6 =	sadd.s32 @!p0 s3, s7;
	s7 =	simm.s32 @!p0 $0x108  }
0x21: {  	s3 =	sadd.s32 s3, s9;
	s6 =	sadd.s32 @!p0 $0x88, s6;
	s7 =	simm.s32 @p2 $0x1082  }
0x22: {  	[simem:s7], [sflag:s8] =	dma.local @!p0 [hbm:s6], $0xF7A  }
0x23: {  	s9 =	sor.u32 $0xD0000000, s2;
	s6 =	simm.s32 $0x108;
	_ =	swait.ge @!p0 [sflag:s8], $0x0  }
0x24: {  	s3 =	sadd.s32 $0x88, s3;
	s6 =	simm.s32 @!p1 $0x1082;
	[sflag:s4] =	ssyncset.s32 $0xFFFFF086  }
0x25: {  	[simem:s6], [sflag:s4] =	dma.local [hbm:s3], $0xF7A  }
0x26: {  	[smem:$0x3F9F] =	sst s1;
	(tag) =	ssettag s2;
	_ =	strace s9  }
0x27: {  	s1 =	sld [smem:$0x3FAF]  }
0x28: {  	s2 =	sld [smem:$0x3FB0]  }
0x29: {  	s4 =	sld [smem:$0x3FB2]  }
0x2a: {  	p0 =	seq.s32 s5, $0x0;
	s5 =	sld [smem:$0x3FB3]  }
0x2b: {  	s6 =	sld [smem:$0x3FB4]  }
0x2c: {  	s7 =	sld [smem:$0x3FB5]  }
0x2d: {  	s3 =	simm.s32 $0x108;
	s8 =	sld [smem:$0x3FB6]  }
0x2e: {  	s3 =	simm.s32 @!p0 $0x1082;
	s9 =	sld [smem:$0x3FB7]  }
0x2f: {  	lr =	sadd.s32 s0, s3;
	s0 =	sld [smem:$0x3FAE]  }
0x30: {  	s3 =	sld [smem:$0x3FB1]  }
0x31: {  	[smem:$0x3FBA] =	sst s10  }
0x32: {  	s10 =	sld [smem:$0x3FB8];
	_ =	sdelay $0x3  }
0x33: {  	p0 =	seq.s32 s10, $0x1;
	s10 =	sld [smem:$0x3FBA];
	_ =	sdelay $0x3  }
0x34: {  	[smem:$0x3FBA] =	sst s10  }
0x35: {  	s10 =	sld [smem:$0x3FB9];
	_ =	sdelay $0x3  }
0x36: {  	p1 =	seq.s32 s10, $0x1;
	s10 =	sld [smem:$0x3FBA];
	_ =	sdelay $0x3  }
0x37: {  	[smem:$0x3FBA] =	sst s10  }
0x38: {  	s10 =	sld [smem:$0x3FBB]  }
0x39: {  	_ = 	snop;
	(pc) =	sbr.ind lr, $3  }
0x3a: {  	_ = 	snop  }
0x3b: {  	_ = 	snop  }
0x3c: {  	p2 =	seq.s32 s10, $0x1;
	s10 =	sld [smem:$0x3FBA]  }
0x3d: {  	_ =	shalt  }
0x3e: {  	_ =	shalt  }
0x3f: {  	_ =	shalt  }
0x40: {  	_ =	shalt  }
0x41: {  	_ =	shalt  }
0x42: {  	_ =	shalt  }
0x43: {  	_ =	shalt  }
0x44: {  	_ =	shalt  }
0x45: {  	_ =	shalt  }
0x46: {  	_ =	shalt  }
0x47: {  	_ =	shalt  }
0x48: {  	_ =	shalt  }
0x49: {  	_ =	shalt  }
0x4a: {  	_ =	shalt  }
0x4b: {  	_ =	shalt  }
0x4c: {  	_ =	shalt  }
0x4d: {  	_ =	shalt  }
0x4e: {  	_ =	shalt  }
0x4f: {  	_ =	shalt  }
0x50: {  	_ =	shalt  }
0x51: {  	_ =	shalt  }
0x52: {  	_ =	shalt  }
0x53: {  	_ =	shalt  }
0x54: {  	_ =	shalt  }
0x55: {  	_ =	shalt  }
0x56: {  	_ =	shalt  }
0x57: {  	_ =	shalt  }
0x58: {  	_ =	shalt  }
0x59: {  	_ =	shalt  }
0x5a: {  	_ =	shalt  }
0x5b: {  	_ =	shalt  }
0x5c: {  	_ =	shalt  }
0x5d: {  	_ =	shalt  }
0x5e: {  	_ =	shalt  }
0x5f: {  	_ =	shalt  }
0x60: {  	_ =	shalt  }
0x61: {  	_ =	shalt  }
0x62: {  	_ =	shalt  }
0x63: {  	_ =	shalt  }
0x64: {  	_ =	shalt  }
0x65: {  	_ =	shalt  }
0x66: {  	_ =	shalt  }
0x67: {  	_ =	shalt  }
0x68: {  	_ =	shalt  }
0x69: {  	_ =	shalt  }
0x6a: {  	_ =	shalt  }
0x6b: {  	_ =	shalt  }
0x6c: {  	_ =	shalt  }
0x6d: {  	_ =	shalt  }
0x6e: {  	_ =	shalt  }
0x6f: {  	_ =	shalt  }
0x70: {  	_ =	shalt  }
0x71: {  	_ =	shalt  }
0x72: {  	_ =	shalt  }
0x73: {  	_ =	shalt  }
0x74: {  	_ =	shalt  }
0x75: {  	_ =	shalt  }
0x76: {  	_ =	shalt  }
0x77: {  	_ =	shalt  }
0x78: {  	_ =	shalt  }
0x79: {  	_ =	shalt  }
0x7a: {  	_ =	shalt  }
0x7b: {  	_ =	shalt  }
0x7c: {  	_ =	shalt  }
0x7d: {  	_ =	shalt  }
0x7e: {  	_ =	shalt  }
0x7f: {  	_ =	shalt  }
0x80: {  	_ =	shalt  }
0x81: {  	_ =	shalt  }
0x82: {  	_ =	shalt  }
0x83: {  	_ =	shalt  }
0x84: {  	_ =	shalt  }
0x85: {  	_ =	shalt  }
0x86: {  	_ =	shalt  }
0x87: {  	_ =	shalt  }
.Lfunc_end0:
.L_simem_size_0:
called_computation_lowered:
.L_overlay_start_0:
0x88: {  	s2 =	sld [smem:$0x3FD9]  }
0x89: {  	s3 =	sld [smem:$0x3FFE];
	_ =	sdelay $0x1  }
0x8a: {  	s1 =	srdreg.scid  }
0x8b: {  	s0 =	sand.u32 $0x1, s1  }
0x8c: {  	s18 =	sshll.u32 s0, $0xA;
	s2 =	sadd.s32 s3, s2  }
0x8d: {  	s2 =	sadd.s32 s2, s18  }
0x8e: {  	[smem:$0x3FC6] =	sst s2  }
0x8f: {  	_ = 	snop  }
0x90: {  	s2 =	sld [smem:$0x3FC9]  }
0x91: {  	s19 =	sld [smem:$0x3FC8]  }
0x92: {  	s4 =	sld [smem:$0x3FD0];
	(tm) =	ssettm $0x1  }
0x93: {  	s5 =	sld [smem:$0x3FFB];
	_ =	sdelay $0x3  }
0x94: {  	_ =	strace s5  }
0x95: {  	s5 =	sld [smem:$0x3FFC];
	_ =	sdelay $0x3  }
0x96: {  	_ =	strace s5  }
0x97: {  	s5 =	sld [smem:$0x3FFD];
	_ =	sdelay $0x3  }
0x98: {  	_ =	strace s5  }
0x99: {  	_ =	strace $0x8FFFFFFF  }
0x9a: {  	s20 =	sld [smem:$0x3FDB];
	_ =	sdelay $0x1  }
0x9b: {  	s6 =	simm.s32 $_scs_section_size  }
0x9c: {  	s7 =	simm.s32 $_size__tile_overlayer_lowered;
	s8 =	simm.s32 $_tile_overlayer_lowered  }
0x9d: {  	s23 =	simm.s32 $0x1BFF;
	s22 =	sshll.u32 s8, $0x1;
	s5 =	sadd.s32 s6, s20  }
0x9e: {  	s9 =	simm.s32 $0x0;
	s21 =	sshll.u32 s7, $0x1;
	s7 =	sadd.s32 s22, s5  }
0x9f: {  	[timem:s9], [sflag:s23] =	dma.local [hbm:s7], s21  }
0xa0: {  	_ =	swait.ge [sflag:s23], s21  }
0xa1: {  	s6 =	ssub.s32 $0x0, s21;
	[sflag:s23] =	ssyncset.done $0x0  }
0xa2: {  	[sflag:s23] =	ssyncadd.s32 s6;
	_ =	sdelay $0x1  }
0xa3: {  	s24 =	simm.s32 $0x1B8B  }
0xa4: {  	_ =	swait.ge [sflag:s24], $0x1  }
0xa5: {  	[sflag:s24] =	ssyncset.done $0x0  }
0xa6: {  	s25 =	simm.s32 $0x1B8E;
	[sflag:s24] =	ssyncadd.s32 $0xFFFFFFFF  }
0xa7: {  	s26 =	simm.s32 $execute0_lowered;
	[smem:$0x3FD2] =	sst s25  }
0xa8: {  	s6 =	sshll.u32 s26, $0x1;
	_ =	strace $0x80000046;
	[dreg:$0x1] =	wrdreg $0xFFFFFFFF  }
0xa9: {  	s28 =	simm.s32 $_size_execute0_lowered;
	s5 =	sadd.s32 s5, s6;
	[dreg:$0x0] =	wrdreg $0x0  }
0xaa: {  	s6 =	sshll.u32 s28, $0x1;
	[dreg:$0x2] =	wrdreg s5  }
0xab: {  	[dreg:$0x3] =	wrdreg s6  }
0xac: {  	[dreg:$0x4] =	wrdreg $0xC0  }
0xad: {  	_ =	task [dreg:s9], $0x5FFFF  }
0xae: {  	[dreg:$0x1] =	wrdreg $0xFFFFFFFF  }
0xaf: {  	[dreg:$0x0] =	wrdreg $0x60  }
0xb0: {  	[dreg:$0x2] =	wrdreg s2  }
0xb1: {  	[dreg:$0x3] =	wrdreg s19  }
0xb2: {  	[dreg:$0x4] =	wrdreg s4  }
0xb3: {  	[dreg:$0x5] =	wrdreg $0x9  }
0xb4: {  	_ =	task.clear_ibuf [dreg:s9], $0x6FFFF;
	_ =	strace $0x90000046  }
0xb5: {  	s29 =	simm.s32 $0x9;
	_ =	strace $0x80000048  }
0xb6: {  	_ =	swait.ge [sflag:s29], $0x1  }
0xb7: {  	[sflag:s29] =	ssyncadd.s32 $0xFFFFFFFF  }
0xb8: {  	_ =	strace $0x90000048  }
0xb9: {  	_ =	sfence  }
0xba: {  	s30 =	sld [smem:$0x0];
	_ =	sdelay $0x2  }
0xbb: {  	s31 =	sshll.u32 s1, $0xD;
	s1 =	sshrl.u32 s1, $0x2  }
0xbc: {  	s3 =	sand.u32 $0x4000, s31;
	s1 =	sadd.s32 s1, s30  }
0xbd: {  	s0 =	sor.u32 s3, s0;
	s1 =	sshll.u32 s1, $0x11  }
0xbe: {  	s0 =	sor.u32 s1, s0  }
0xbf: {  	s0 =	sadd.s32 $0x8F2B, s0  }
0xc0: {  	[sflag:s0] =	ssyncadd.remote.s32 $0x1  }
0xc1: {  	_ =	sfence.sel $0xFFFF  }
0xc2: {  	[dreg:$0x0] =	wrdreg $0xFFFFFFFF;
	(pc) =	sbr.abs _section_cstart, $3  }
0xc3: {  	[dreg:$0x1] =	wrdreg $0xFFFFFFFF  }
0xc4: {  	_ =	task.clear_ibuf [dreg:s9], $0x2FFFF;
	_ =	strace $0x9FFFFFFF  }
0xc5: {  	(tm) =	ssettm $0x7FFFFFFF  }
tec
execute0_lowered:
.L_overlay_start_1:
0x0: {  	(tag) =	ssettag $0x1  }
0x1: {  	v0 =	vimm.s32 $0x1380;
	vm14 =	vcmask $0x300  }
0x2: {  	vm13 =	vcmask $0x704;
	vm12 =	vcmask $0xB08;
	vm11 =	vcmask $0xF0C  }
0x3: {  	v1 =	vlaneseq.u32;
	vm10 =	vcmask $0x1310;
	vm8 =	vcmask $0x1714  }
0x4: {  	v2 =	vimm.s32 $0x3380;
	vm9 =	vcmask $0x1B18;
	vm7 =	vcmask $0x1F1C  }
0x5: {  	vm6 =	vcmask $0x2320;
	vm5 =	vcmask $0x2724;
	vm4 =	vcmask $0x2B28  }
0x6: {  	vm0 =	vcmask $0x2F2C;
	vm1 =	vcmask $0x3330;
	vm2 =	vcmask $0x3734  }
0x7: {  	vm3 =	vcmask $0x3B38;
	v19 =	vimm.s32 $0x3FF8;
	v20 =	vimm.s32 $0x1FF9  }
0x8: {  	v21 =	vimm.s32 $0x3FF9;
	v22 =	vimm.s32 $0x1FFA;
	v23 =	vimm.s32 $0x3FFA  }
0x9: {  	v24 =	vimm.s32 $0x1FFB;
	v25 =	vimm.s32 $0x3FFB;
	v26 =	vimm.s32 $0x1FFC  }
0xa: {  	v27 =	vimm.s32 $0x3FFC;
	v28 =	vimm.s32 $0x1FFD;
	v29 =	vimm.s32 $0x3FFD  }
0xb: {  	v30 =	vimm.s32 $0x1FFE;
	v31 =	vimm.s32 $0x3FFE;
	v32 =	vimm.s32 $0x1FFF  }
0xc: {  	v33 =	vimm.s32 $0x3FFF;
	v0 =	vsel vm14, $0x0, v0;
	v2 =	vsel vm14, $0x2000, v2  }
0xd: {  	v19 =	vsel vm14, $0x2C78, v19;
	v20 =	vsel vm14, $0xC79, v20;
	v21 =	vsel vm14, $0x2C79, v21  }
0xe: {  	v22 =	vsel vm14, $0xC7A, v22;
	v23 =	vsel vm14, $0x2C7A, v23;
	v24 =	vsel vm14, $0xC7B, v24  }
0xf: {  	v25 =	vsel vm14, $0x2C7B, v25;
	v26 =	vsel vm14, $0xC7C, v26;
	v27 =	vsel vm14, $0x2C7C, v27  }
0x10: {  	v28 =	vsel vm14, $0xC7D, v28;
	v29 =	vsel vm14, $0x2C7D, v29;
	v30 =	vsel vm14, $0xC7E, v30  }
0x11: {  	v31 =	vsel vm14, $0x2C7E, v31;
	v32 =	vsel vm14, $0xC7F, v32;
	v33 =	vsel vm14, $0x2C7F, v33  }
0x12: {  	v0 =	vsel vm13, $0x80, v0;
	v2 =	vsel vm13, $0x2080, v2;
	v19 =	vsel vm13, $0x2CF8, v19  }
0x13: {  	v20 =	vsel vm13, $0xCF9, v20;
	v21 =	vsel vm13, $0x2CF9, v21;
	v22 =	vsel vm13, $0xCFA, v22  }
0x14: {  	v23 =	vsel vm13, $0x2CFA, v23;
	v24 =	vsel vm13, $0xCFB, v24;
	v25 =	vsel vm13, $0x2CFB, v25  }
0x15: {  	v26 =	vsel vm13, $0xCFC, v26;
	v27 =	vsel vm13, $0x2CFC, v27;
	v28 =	vsel vm13, $0xCFD, v28  }
0x16: {  	v29 =	vsel vm13, $0x2CFD, v29;
	v30 =	vsel vm13, $0xCFE, v30;
	v31 =	vsel vm13, $0x2CFE, v31  }
0x17: {  	v32 =	vsel vm13, $0xCFF, v32;
	v33 =	vsel vm13, $0x2CFF, v33;
	v0 =	vsel vm12, $0x100, v0  }
0x18: {  	v2 =	vsel vm12, $0x2100, v2;
	v19 =	vsel vm12, $0x2D78, v19;
	v20 =	vsel vm12, $0xD79, v20  }
0x19: {  	v21 =	vsel vm12, $0x2D79, v21;
	v22 =	vsel vm12, $0xD7A, v22;
	v23 =	vsel vm12, $0x2D7A, v23  }
0x1a: {  	v24 =	vsel vm12, $0xD7B, v24;
	v25 =	vsel vm12, $0x2D7B, v25;
	v26 =	vsel vm12, $0xD7C, v26  }
0x1b: {  	v27 =	vsel vm12, $0x2D7C, v27;
	v28 =	vsel vm12, $0xD7D, v28;
	v29 =	vsel vm12, $0x2D7D, v29  }
0x1c: {  	v30 =	vsel vm12, $0xD7E, v30;
	v31 =	vsel vm12, $0x2D7E, v31;
	v32 =	vsel vm12, $0xD7F, v32  }
0x1d: {  	v33 =	vsel vm12, $0x2D7F, v33;
	v0 =	vsel vm11, $0x180, v0;
	v2 =	vsel vm11, $0x2180, v2  }
0x1e: {  	v19 =	vsel vm11, $0x2DF8, v19;
	v20 =	vsel vm11, $0xDF9, v20;
	v21 =	vsel vm11, $0x2DF9, v21  }
0x1f: {  	v22 =	vsel vm11, $0xDFA, v22;
	v23 =	vsel vm11, $0x2DFA, v23;
	v24 =	vsel vm11, $0xDFB, v24  }
0x20: {  	v25 =	vsel vm11, $0x2DFB, v25;
	v26 =	vsel vm11, $0xDFC, v26;
	v27 =	vsel vm11, $0x2DFC, v27  }
0x21: {  	v28 =	vsel vm11, $0xDFD, v28;
	v29 =	vsel vm11, $0x2DFD, v29;
	v30 =	vsel vm11, $0xDFE, v30  }
0x22: {  	v31 =	vsel vm11, $0x2DFE, v31;
	v32 =	vsel vm11, $0xDFF, v32;
	v33 =	vsel vm11, $0x2DFF, v33  }
0x23: {  	v0 =	vsel vm10, $0x200, v0;
	v2 =	vsel vm10, $0x2200, v2;
	v19 =	vsel vm10, $0x2E78, v19  }
0x24: {  	v20 =	vsel vm10, $0xE79, v20;
	v21 =	vsel vm10, $0x2E79, v21;
	v22 =	vsel vm10, $0xE7A, v22  }
0x25: {  	v23 =	vsel vm10, $0x2E7A, v23;
	v24 =	vsel vm10, $0xE7B, v24;
	v25 =	vsel vm10, $0x2E7B, v25  }
0x26: {  	v26 =	vsel vm10, $0xE7C, v26;
	v27 =	vsel vm10, $0x2E7C, v27;
	v28 =	vsel vm10, $0xE7D, v28  }
0x27: {  	v29 =	vsel vm10, $0x2E7D, v29;
	v30 =	vsel vm10, $0xE7E, v30;
	v31 =	vsel vm10, $0x2E7E, v31  }
0x28: {  	v32 =	vsel vm10, $0xE7F, v32;
	v33 =	vsel vm10, $0x2E7F, v33;
	v0 =	vsel vm8, $0x280, v0  }
0x29: {  	v2 =	vsel vm8, $0x2280, v2;
	v19 =	vsel vm8, $0x2EF8, v19;
	v20 =	vsel vm8, $0xEF9, v20  }
0x2a: {  	v21 =	vsel vm8, $0x2EF9, v21;
	v22 =	vsel vm8, $0xEFA, v22;
	v23 =	vsel vm8, $0x2EFA, v23  }
0x2b: {  	v24 =	vsel vm8, $0xEFB, v24;
	v25 =	vsel vm8, $0x2EFB, v25;
	v26 =	vsel vm8, $0xEFC, v26  }
0x2c: {  	v27 =	vsel vm8, $0x2EFC, v27;
	v28 =	vsel vm8, $0xEFD, v28;
	v29 =	vsel vm8, $0x2EFD, v29  }
0x2d: {  	v30 =	vsel vm8, $0xEFE, v30;
	v31 =	vsel vm8, $0x2EFE, v31;
	v32 =	vsel vm8, $0xEFF, v32  }
0x2e: {  	v33 =	vsel vm8, $0x2EFF, v33;
	v0 =	vsel vm9, $0x300, v0;
	v2 =	vsel vm9, $0x2300, v2  }
0x2f: {  	v19 =	vsel vm9, $0x2F78, v19;
	v20 =	vsel vm9, $0xF79, v20;
	v21 =	vsel vm9, $0x2F79, v21  }
0x30: {  	v22 =	vsel vm9, $0xF7A, v22;
	v23 =	vsel vm9, $0x2F7A, v23;
	v24 =	vsel vm9, $0xF7B, v24  }
0x31: {  	v25 =	vsel vm9, $0x2F7B, v25;
	v26 =	vsel vm9, $0xF7C, v26;
	v27 =	vsel vm9, $0x2F7C, v27  }
0x32: {  	v28 =	vsel vm9, $0xF7D, v28;
	v29 =	vsel vm9, $0x2F7D, v29;
	v30 =	vsel vm9, $0xF7E, v30  }
0x33: {  	v31 =	vsel vm9, $0x2F7E, v31;
	v32 =	vsel vm9, $0xF7F, v32;
	v33 =	vsel vm9, $0x2F7F, v33  }
0x34: {  	v0 =	vsel vm7, $0x380, v0;
	v2 =	vsel vm7, $0x2380, v2;
	v19 =	vsel vm7, $0x2FF8, v19  }
0x35: {  	v20 =	vsel vm7, $0xFF9, v20;
	v21 =	vsel vm7, $0x2FF9, v21;
	v22 =	vsel vm7, $0xFFA, v22  }
0x36: {  	v23 =	vsel vm7, $0x2FFA, v23;
	v24 =	vsel vm7, $0xFFB, v24;
	v25 =	vsel vm7, $0x2FFB, v25  }
0x37: {  	v26 =	vsel vm7, $0xFFC, v26;
	v27 =	vsel vm7, $0x2FFC, v27;
	v28 =	vsel vm7, $0xFFD, v28  }
0x38: {  	v29 =	vsel vm7, $0x2FFD, v29;
	v30 =	vsel vm7, $0xFFE, v30;
	v31 =	vsel vm7, $0x2FFE, v31  }
0x39: {  	v32 =	vsel vm7, $0xFFF, v32;
	v33 =	vsel vm7, $0x2FFF, v33;
	v0 =	vsel vm6, $0x1000, v0  }
0x3a: {  	v2 =	vsel vm6, $0x3000, v2;
	v19 =	vsel vm6, $0x3C78, v19;
	v20 =	vsel vm6, $0x1C79, v20  }
0x3b: {  	v21 =	vsel vm6, $0x3C79, v21;
	v22 =	vsel vm6, $0x1C7A, v22;
	v23 =	vsel vm6, $0x3C7A, v23  }
0x3c: {  	v24 =	vsel vm6, $0x1C7B, v24;
	v25 =	vsel vm6, $0x3C7B, v25;
	v26 =	vsel vm6, $0x1C7C, v26  }
0x3d: {  	v27 =	vsel vm6, $0x3C7C, v27;
	v28 =	vsel vm6, $0x1C7D, v28;
	v29 =	vsel vm6, $0x3C7D, v29  }
0x3e: {  	v30 =	vsel vm6, $0x1C7E, v30;
	v31 =	vsel vm6, $0x3C7E, v31;
	v32 =	vsel vm6, $0x1C7F, v32  }
0x3f: {  	v33 =	vsel vm6, $0x3C7F, v33;
	v3 =	vsel vm5, $0x1080, v0;
	v0 =	vmul.u32 $0x80, v1  }
0x40: {  	v2 =	vsel vm5, $0x3080, v2;
	v19 =	vsel vm5, $0x3CF8, v19;
	v20 =	vsel vm5, $0x1CF9, v20  }
0x41: {  	v21 =	vsel vm5, $0x3CF9, v21;
	v22 =	vsel vm5, $0x1CFA, v22;
	v23 =	vsel vm5, $0x3CFA, v23  }
0x42: {  	v24 =	vsel vm5, $0x1CFB, v24;
	v25 =	vsel vm5, $0x3CFB, v25;
	v26 =	vsel vm5, $0x1CFC, v26  }
0x43: {  	v27 =	vsel vm5, $0x3CFC, v27;
	v28 =	vsel vm5, $0x1CFD, v28;
	v29 =	vsel vm5, $0x3CFD, v29  }
0x44: {  	v30 =	vsel vm5, $0x1CFE, v30;
	v31 =	vsel vm5, $0x3CFE, v31;
	v32 =	vsel vm5, $0x1CFF, v32  }
0x45: {  	v33 =	vsel vm5, $0x3CFF, v33;
	v1 =	vsel vm4, $0x1100, v3;
	v3 =	vimm.s32 $0x1FF8  }
0x46: {  	v2 =	vsel vm4, $0x3100, v2;
	v19 =	vsel vm4, $0x3D78, v19;
	v20 =	vsel vm4, $0x1D79, v20  }
0x47: {  	v21 =	vsel vm4, $0x3D79, v21;
	v22 =	vsel vm4, $0x1D7A, v22;
	v23 =	vsel vm4, $0x3D7A, v23  }
0x48: {  	v24 =	vsel vm4, $0x1D7B, v24;
	v25 =	vsel vm4, $0x3D7B, v25;
	v26 =	vsel vm4, $0x1D7C, v26  }
0x49: {  	v27 =	vsel vm4, $0x3D7C, v27;
	v28 =	vsel vm4, $0x1D7D, v28;
	v29 =	vsel vm4, $0x3D7D, v29  }
0x4a: {  	v30 =	vsel vm4, $0x1D7E, v30;
	v31 =	vsel vm4, $0x3D7E, v31;
	v32 =	vsel vm4, $0x1D7F, v32  }
0x4b: {  	v33 =	vsel vm4, $0x3D7F, v33;
	v1 =	vsel vm0, $0x1180, v1;
	v3 =	vsel vm14, $0xC78, v3  }
0x4c: {  	v2 =	vsel vm0, $0x3180, v2;
	v7 =	vor.u32 $0x2800, v0;
	v9 =	vor.u32 $0x3800, v0  }
0x4d: {  	v11 =	vor.u32 $0x4800, v0;
	v13 =	vor.u32 $0x5800, v0;
	v15 =	vor.u32 $0x6800, v0  }
0x4e: {  	v17 =	vor.u32 $0x7800, v0;
	v19 =	vsel vm0, $0x3DF8, v19;
	v20 =	vsel vm0, $0x1DF9, v20  }
0x4f: {  	v21 =	vsel vm0, $0x3DF9, v21;
	v22 =	vsel vm0, $0x1DFA, v22;
	v23 =	vsel vm0, $0x3DFA, v23  }
0x50: {  	v24 =	vsel vm0, $0x1DFB, v24;
	v25 =	vsel vm0, $0x3DFB, v25;
	v26 =	vsel vm0, $0x1DFC, v26  }
0x51: {  	v27 =	vsel vm0, $0x3DFC, v27;
	v28 =	vsel vm0, $0x1DFD, v28;
	v29 =	vsel vm0, $0x3DFD, v29  }
0x52: {  	v30 =	vsel vm0, $0x1DFE, v30;
	v31 =	vsel vm0, $0x3DFE, v31;
	v32 =	vsel vm0, $0x1DFF, v32  }
0x53: {  	v33 =	vsel vm0, $0x3DFF, v33;
	v3 =	vsel vm13, $0xCF8, v3;
	v1 =	vsel vm1, $0x1200, v1  }
0x54: {  	v2 =	vsel vm1, $0x3200, v2;
	v19 =	vsel vm1, $0x3E78, v19;
	v20 =	vsel vm1, $0x1E79, v20  }
0x55: {  	v21 =	vsel vm1, $0x3E79, v21;
	v22 =	vsel vm1, $0x1E7A, v22;
	v23 =	vsel vm1, $0x3E7A, v23  }
0x56: {  	v24 =	vsel vm1, $0x1E7B, v24;
	v25 =	vsel vm1, $0x3E7B, v25;
	v26 =	vsel vm1, $0x1E7C, v26  }
0x57: {  	v27 =	vsel vm1, $0x3E7C, v27;
	v28 =	vsel vm1, $0x1E7D, v28;
	v29 =	vsel vm1, $0x3E7D, v29  }
0x58: {  	v30 =	vsel vm1, $0x1E7E, v30;
	v31 =	vsel vm1, $0x3E7E, v31;
	v32 =	vsel vm1, $0x1E7F, v32  }
0x59: {  	v33 =	vsel vm1, $0x3E7F, v33;
	v3 =	vsel vm12, $0xD78, v3;
	v1 =	vsel vm2, $0x1280, v1  }
0x5a: {  	s1 =	rddreg [dreg:$0x0];
	v4 =	vsel vm2, $0x3280, v2;
	v2 =	vor.u32 $0x800, v0;
	v19 =	vsel vm2, $0x3EF8, v19  }
0x5b: {  	s0 =	rddreg [dreg:$0x1];
	s2 =	srdreg.scid;
	v20 =	vsel vm2, $0x1EF9, v20;
	v21 =	vsel vm2, $0x3EF9, v21;
	v22 =	vsel vm2, $0x1EFA, v22  }
0x5c: {  	s4 =	rddreg [dreg:$0x2];
	s3 =	stileid.u32;
	v23 =	vsel vm2, $0x3EFA, v23;
	v24 =	vsel vm2, $0x1EFB, v24;
	v25 =	vsel vm2, $0x3EFB, v25  }
0x5d: {  	s8 =	simm.s32 $0x280;
	s23 =	simm.s32 $0x680;
	s28 =	simm.s32 $0x1680;
	v26 =	vsel vm2, $0x1EFC, v26;
	v27 =	vsel vm2, $0x3EFC, v27;
	v28 =	vsel vm2, $0x1EFD, v28  }
0x5e: {  	s29 =	simm.s32 $0x1A80;
	s9 =	simm.s32 $0x3680;
	s10 =	simm.s32 $0x3A80;
	v29 =	vsel vm2, $0x3EFD, v29;
	v30 =	vsel vm2, $0x1EFE, v30;
	v31 =	vsel vm2, $0x3EFE, v31  }
0x5f: {  	s11 =	simm.s32 $0x3E80;
	s30 =	simm.s32 $0x4280;
	s31 =	simm.s32 $0x4680;
	v32 =	vsel vm2, $0x1EFF, v32;
	v33 =	vsel vm2, $0x3EFF, v33;
	v3 =	vsel vm11, $0xDF8, v3  }
0x60: {  	s12 =	simm.s32 $0x2;
	s13 =	simm.s32 $0x8280;
	s14 =	simm.s32 $0x3;
	v1 =	vsel vm3, $0x1300, v1;
	v19 =	vsel vm3, $0x3F78, v19;
	v20 =	vsel vm3, $0x1F79, v20  }
0x61: {  	s15 =	simm.s32 $0x4;
	s16 =	simm.s32 $0x5;
	s17 =	simm.s32 $0x6;
	v21 =	vsel vm3, $0x3F79, v21;
	v22 =	vsel vm3, $0x1F7A, v22;
	v3 =	vsel vm10, $0xE78, v3  }
0x62: {  	s18 =	simm.s32 $0x7;
	s19 =	simm.s32 $0x8;
	s20 =	simm.s32 $0x9;
	v23 =	vsel vm3, $0x3F7A, v23;
	v24 =	vsel vm3, $0x1F7B, v24;
	v3 =	vsel vm8, $0xEF8, v3  }
0x63: {  	s22 =	simm.s32 $0x0;
	s2 =	sand.u32 $0x1, s2;
	s5 =	sshll.u32 s3, $0xA;
	v25 =	vsel vm3, $0x3F7B, v25;
	v26 =	vsel vm3, $0x1F7C, v26;
	v5 =	vsel vm9, $0xF78, v3  }
0x64: {  	s3 =	simm.s32 $0x0;
	s6 =	sshll.u32 s2, $0x9;
	s2 =	ssub.s32 $0x2, s2;
	v27 =	vsel vm3, $0x3F7C, v27;
	v28 =	vsel vm3, $0x1F7D, v28;
	v6 =	vsel vm7, $0xFF8, v5  }
0x65: {  	[smem:$0x7FF] =	sst s3;
	s5 =	sor.u32 s6, s5;
	s24 =	sshrl.u32 s2, $0x1;
	v29 =	vsel vm3, $0x3F7D, v29;
	v30 =	vsel vm3, $0x1F7E, v30;
	v8 =	vsel vm6, $0x1C78, v6  }
0x66: {  	_ =	strace $0x80000047;
	s6 =	simm.s32 $0x2E80;
	s7 =	sshrl.u32 s5, $0x3;
	v31 =	vsel vm3, $0x3F7E, v31;
	v32 =	vsel vm3, $0x1F7F, v32;
	v10 =	vsel vm5, $0x1CF8, v8  }
0x67: {  	s2 =	ssub.s32 s2, s24;
	s25 =	sadd.s32 s4, s5;
	s24 =	simm.s32 $0xA80;
	v33 =	vsel vm3, $0x3F7F, v33;
	v3 =	vsel vm3, $0x3300, v4;
	v12 =	vsel vm4, $0x1D78, v10  }
0x68: {  	s4 =	simm.s32 $0x2680;
	s5 =	simm.s32 $0x2A80;
	s1 =	sadd.s32 s1, s7;
	v4 =	vor.u32 $0x1000, v0;
	v5 =	vor.u32 $0x1800, v0;
	v14 =	vsel vm0, $0x1DF8, v12  }
0x69: {  	[dreg:$0x5] =	wrdreg s25;
	s26 =	smax.u32 s2, $0x1;
	s25 =	simm.s32 $0xE80;
	v6 =	vor.u32 $0x2000, v0;
	v8 =	vor.u32 $0x3000, v0;
	v16 =	vsel vm1, $0x1E78, v14  }
0x6a: {  	s2 =	simm.s32 $0x1E80;
	s7 =	simm.s32 $0x3280;
	[dreg:$0x4] =	wrdreg s1;
	v10 =	vor.u32 $0x4000, v0;
	v12 =	vor.u32 $0x5000, v0;
	v18 =	vsel vm2, $0x1EF8, v16  }
0x6b: {  	[dreg:$0x6] =	wrdreg s26;
	s26 =	simm.s32 $0x1280;
	s1 =	simm.s32 $0x2280;
	v14 =	vor.u32 $0x6000, v0;
	v16 =	vor.u32 $0x7000, v0;
	v18 =	vsel vm3, $0x1F78, v18  }
.LBB2_1:
0x6c: {  	[dreg:$0x7] =	wrdreg s22  }
0x6d: {  	s21 =	rddreg [dreg:$0x4];
	s22 =	simm.s32 $0x1  }
0x6e: {  	[tilespmem:s3], [sflag:$0x1] =	stream.linear.gather [hbm4b:s21+s3], $0x200, $0x38;
	[tilespmem:$0xC280] =	vst v63  }
0x6f: {  	_ =	swait.ge [sflag:s22], $0x200  }
0x70: {  	[sflag:s22] =	ssyncset.done $0x0  }
0x71: {  	[sflag:s22] =	ssyncadd.s32 $0xFFFFFE00  }
0x72: {  	v34 =	vld [tilespmem:$0x0];
	_ =	sdelay $0x4  }
0x73: {  	(v2sf) =	vpush v34, $0x0;
	_ =	sdelay $0xe  }
0x74: {  	s21 =	spop (v2sf)  }
0x75: {  	s22 =	sand.u32 $0x7F, s21  }
0x76: {  	p1 =	slt.s32 s21, $0x1;
	p0 =	sne.s32 s22, $0x0;
	s22 =	sshra.s32 s21, $0x1F  }
0x77: {  	s22 =	sshrl.u32 s22, $0x19;
	p0 =	por !p1, !p0  }
0x78: {  	s21 =	sadd.s32 s22, s21;
	p0 =	por !p0, !p0;
	s22 =	simm.s32 $0x1  }
0x79: {  	s21 =	sshrl.u32 s21, $0x7;
	s22 =	simm.s32 @!p0 $0x0  }
0x7a: {  	s21 =	ssub.s32 s21, s22  }
0x7b: {  	s21 =	sshll.u32 s21, $0xA  }
0x7c: {  	s22 =	sshrl.u32 s21, $0x3  }
0x7d: {  	s22 =	sadd.s32 s0, s22  }
0x7e: {  	[tilespmem:s8], [sflag:$0x2] =	stream.linear.gather [hbm4b:s22+s3], $0x400, $0x38;
	[tilespmem:$0xC280] =	vst v63  }
0x7f: {  	s22 =	sadd.s32 $0x7A1400, s21  }
0x80: {  	s22 =	sshrl.u32 s22, $0x3  }
0x81: {  	s22 =	sadd.s32 s0, s22  }
0x82: {  	[tilespmem:s23], [sflag:$0x2] =	stream.linear.gather [hbm4b:s22+s3], $0x400, $0x38;
	[tilespmem:$0xC280] =	vst v63  }
0x83: {  	s23 =	sadd.s32 $0xF42800, s21  }
0x84: {  	s21 =	sadd.s32 $0x16E3C00, s21;
	s22 =	sshrl.u32 s23, $0x3  }
0x85: {  	s21 =	sshrl.u32 s21, $0x3;
	s22 =	sadd.s32 s0, s22  }
0x86: {  	[tilespmem:s24], [sflag:$0x2] =	stream.linear.gather [hbm4b:s22+s3], $0x400, $0x38;
	[tilespmem:$0xC280] =	vst v63  }
0x87: {  	s21 =	sadd.s32 s0, s21  }
0x88: {  	[tilespmem:s25], [sflag:$0x2] =	stream.linear.gather [hbm4b:s21+s3], $0x400, $0x38;
	[tilespmem:$0xC280] =	vst v63  }
0x89: {  	v57 =	vld [tilespmem:$0x1];
	_ =	sdelay $0x4  }
0x8a: {  	(v2sf) =	vpush v57, $0x0;
	_ =	sdelay $0xe  }
0x8b: {  	s24 =	spop (v2sf)  }
0x8c: {  	s25 =	sand.u32 $0x7F, s24  }
0x8d: {  	s23 =	sshra.s32 s24, $0x1F;
	p6 =	slt.s32 s24, $0x1;
	p5 =	sne.s32 s25, $0x0  }
0x8e: {  	s22 =	sshrl.u32 s23, $0x19;
	p0 =	por !p6, !p5  }
0x8f: {  	s21 =	sadd.s32 s22, s24;
	s22 =	simm.s32 $0x1;
	p0 =	por !p0, !p0  }
0x90: {  	s21 =	sshrl.u32 s21, $0x7;
	s22 =	simm.s32 @!p0 $0x0  }
0x91: {  	s21 =	ssub.s32 s21, s22  }
0x92: {  	s21 =	sshll.u32 s21, $0xA  }
0x93: {  	s24 =	sshrl.u32 s21, $0x3  }
0x94: {  	s25 =	sadd.s32 $0x7A1400, s21;
	s22 =	sadd.s32 s0, s24  }
0x95: {  	[tilespmem:s26], [sflag:$0x3] =	stream.linear.gather [hbm4b:s22+s3], $0x400, $0x38;
	[tilespmem:$0xC280] =	vst v63  }
0x96: {  	s22 =	sshrl.u32 s25, $0x3  }
0x97: {  	s26 =	sadd.s32 $0xF42800, s21;
	s22 =	sadd.s32 s0, s22  }
0x98: {  	[tilespmem:s28], [sflag:$0x3] =	stream.linear.gather [hbm4b:s22+s3], $0x400, $0x38;
	[tilespmem:$0xC280] =	vst v63  }
0x99: {  	s21 =	sadd.s32 $0x16E3C00, s21;
	s22 =	sshrl.u32 s26, $0x3  }
0x9a: {  	s21 =	sshrl.u32 s21, $0x3;
	s22 =	sadd.s32 s0, s22  }
0x9b: {  	[tilespmem:s29], [sflag:$0x3] =	stream.linear.gather [hbm4b:s22+s3], $0x400, $0x38;
	[tilespmem:$0xC280] =	vst v63  }
0x9c: {  	s21 =	sadd.s32 s0, s21  }
0x9d: {  	[tilespmem:s2], [sflag:$0x3] =	stream.linear.gather [hbm4b:s21+s3], $0x400, $0x38;
	[tilespmem:$0xC280] =	vst v63  }
0x9e: {  	v58 =	vld [tilespmem:$0x2];
	_ =	sdelay $0x4  }
0x9f: {  	(v2sf) =	vpush v58, $0x0;
	_ =	sdelay $0xe  }
0xa0: {  	s23 =	spop (v2sf)  }
0xa1: {  	s24 =	sand.u32 $0x7F, s23  }
0xa2: {  	s25 =	sshra.s32 s23, $0x1F;
	p2 =	slt.s32 s23, $0x1;
	p1 =	sne.s32 s24, $0x0  }
0xa3: {  	s22 =	sshrl.u32 s25, $0x19;
	p0 =	por !p2, !p1  }
0xa4: {  	s21 =	sadd.s32 s22, s23;
	s22 =	simm.s32 $0x1;
	p0 =	por !p0, !p0  }
0xa5: {  	s21 =	sshrl.u32 s21, $0x7;
	s22 =	simm.s32 @!p0 $0x0  }
0xa6: {  	s21 =	ssub.s32 s21, s22  }
0xa7: {  	s21 =	sshll.u32 s21, $0xA  }
0xa8: {  	s26 =	sshrl.u32 s21, $0x3  }
0xa9: {  	s2 =	sadd.s32 $0x7A1400, s21;
	s22 =	sadd.s32 s0, s26  }
0xaa: {  	[tilespmem:s1], [sflag:$0x4] =	stream.linear.gather [hbm4b:s22+s3], $0x400, $0x38;
	[tilespmem:$0xC280] =	vst v63  }
0xab: {  	s22 =	sshrl.u32 s2, $0x3  }
0xac: {  	s23 =	sadd.s32 $0xF42800, s21;
	s22 =	sadd.s32 s0, s22  }
0xad: {  	[tilespmem:s4], [sflag:$0x4] =	stream.linear.gather [hbm4b:s22+s3], $0x400, $0x38;
	[tilespmem:$0xC280] =	vst v63  }
0xae: {  	s21 =	sadd.s32 $0x16E3C00, s21;
	s22 =	sshrl.u32 s23, $0x3  }
0xaf: {  	s21 =	sshrl.u32 s21, $0x3;
	s22 =	sadd.s32 s0, s22  }
0xb0: {  	[tilespmem:s5], [sflag:$0x4] =	stream.linear.gather [hbm4b:s22+s3], $0x400, $0x38;
	[tilespmem:$0xC280] =	vst v63  }
0xb1: {  	s21 =	sadd.s32 s0, s21  }
0xb2: {  	[tilespmem:s6], [sflag:$0x4] =	stream.linear.gather [hbm4b:s21+s3], $0x400, $0x38;
	[tilespmem:$0xC280] =	vst v63  }
0xb3: {  	v59 =	vld [tilespmem:$0x3];
	_ =	sdelay $0x4  }
0xb4: {  	(v2sf) =	vpush v59, $0x0;
	_ =	sdelay $0xe  }
0xb5: {  	s24 =	spop (v2sf)  }
0xb6: {  	s25 =	sand.u32 $0x7F, s24  }
0xb7: {  	s26 =	sshra.s32 s24, $0x1F;
	p4 =	slt.s32 s24, $0x1;
	p3 =	sne.s32 s25, $0x0  }
0xb8: {  	s22 =	sshrl.u32 s26, $0x19;
	p0 =	por !p4, !p3  }
0xb9: {  	s21 =	sadd.s32 s22, s24;
	s22 =	simm.s32 $0x1;
	p0 =	por !p0, !p0  }
0xba: {  	s21 =	sshrl.u32 s21, $0x7;
	s22 =	simm.s32 @!p0 $0x0  }
0xbb: {  	s21 =	ssub.s32 s21, s22  }
0xbc: {  	s21 =	sshll.u32 s21, $0xA  }
0xbd: {  	s1 =	sshrl.u32 s21, $0x3  }
0xbe: {  	s2 =	sadd.s32 $0x7A1400, s21;
	s22 =	sadd.s32 s0, s1  }
0xbf: {  	[tilespmem:s7], [sflag:$0x5] =	stream.linear.gather [hbm4b:s22+s3], $0x400, $0x38;
	[tilespmem:$0xC280] =	vst v63  }
0xc0: {  	s22 =	sshrl.u32 s2, $0x3  }
0xc1: {  	s4 =	sadd.s32 $0xF42800, s21;
	s22 =	sadd.s32 s0, s22  }
0xc2: {  	[tilespmem:s9], [sflag:$0x5] =	stream.linear.gather [hbm4b:s22+s3], $0x400, $0x38;
	[tilespmem:$0xC280] =	vst v63  }
0xc3: {  	s21 =	sadd.s32 $0x16E3C00, s21;
	s22 =	sshrl.u32 s4, $0x3  }
0xc4: {  	s21 =	sshrl.u32 s21, $0x3;
	s22 =	sadd.s32 s0, s22  }
0xc5: {  	[tilespmem:s10], [sflag:$0x5] =	stream.linear.gather [hbm4b:s22+s3], $0x400, $0x38;
	[tilespmem:$0xC280] =	vst v63  }
0xc6: {  	s21 =	sadd.s32 s0, s21  }
0xc7: {  	[tilespmem:s11], [sflag:$0x5] =	stream.linear.gather [hbm4b:s21+s3], $0x400, $0x38;
	[tilespmem:$0xC280] =	vst v63  }
0xc8: {  	v60 =	vld [tilespmem:$0x4];
	_ =	sdelay $0x4  }
0xc9: {  	(v2sf) =	vpush v60, $0x0;
	_ =	sdelay $0xe  }
0xca: {  	s5 =	spop (v2sf)  }
0xcb: {  	s6 =	sand.u32 $0x7F, s5  }
0xcc: {  	s7 =	sshra.s32 s5, $0x1F;
	p6 =	slt.s32 s5, $0x1;
	p5 =	sne.s32 s6, $0x0  }
0xcd: {  	s22 =	sshrl.u32 s7, $0x19;
	p0 =	por !p6, !p5  }
0xce: {  	s21 =	sadd.s32 s22, s5;
	s22 =	simm.s32 $0x1;
	p0 =	por !p0, !p0  }
0xcf: {  	s21 =	sshrl.u32 s21, $0x7;
	s22 =	simm.s32 @!p0 $0x0  }
0xd0: {  	s21 =	ssub.s32 s21, s22  }
0xd1: {  	s21 =	sshll.u32 s21, $0xA  }
0xd2: {  	s9 =	sshrl.u32 s21, $0x3  }
0xd3: {  	s10 =	sadd.s32 $0x7A1400, s21;
	s22 =	sadd.s32 s0, s9  }
0xd4: {  	[tilespmem:s30], [sflag:$0x6] =	stream.linear.gather [hbm4b:s22+s3], $0x400, $0x38;
	[tilespmem:$0xC280] =	vst v63  }
0xd5: {  	s22 =	sshrl.u32 s10, $0x3  }
0xd6: {  	s11 =	sadd.s32 $0xF42800, s21;
	s22 =	sadd.s32 s0, s22  }
0xd7: {  	[tilespmem:s31], [sflag:$0x6] =	stream.linear.gather [hbm4b:s22+s3], $0x400, $0x38;
	[tilespmem:$0xC280] =	vst v63  }
0xd8: {  	s21 =	sadd.s32 $0x16E3C00, s21;
	s22 =	sshrl.u32 s11, $0x3  }
0xd9: {  	s23 =	simm.s32 $0x4A80;
	s21 =	sshrl.u32 s21, $0x3;
	s22 =	sadd.s32 s0, s22  }
0xda: {  	[tilespmem:s23], [sflag:$0x6] =	stream.linear.gather [hbm4b:s22+s3], $0x400, $0x38;
	[tilespmem:$0xC280] =	vst v63  }
0xdb: {  	s24 =	simm.s32 $0x4E80;
	s21 =	sadd.s32 s0, s21  }
0xdc: {  	[tilespmem:s24], [sflag:$0x6] =	stream.linear.gather [hbm4b:s21+s3], $0x400, $0x38;
	[tilespmem:$0xC280] =	vst v63  }
0xdd: {  	v61 =	vld [tilespmem:$0x5];
	_ =	sdelay $0x4  }
0xde: {  	(v2sf) =	vpush v61, $0x0;
	_ =	sdelay $0xe  }
0xdf: {  	s25 =	spop (v2sf)  }
0xe0: {  	s26 =	sand.u32 $0x7F, s25  }
0xe1: {  	s1 =	sshra.s32 s25, $0x1F;
	p2 =	slt.s32 s25, $0x1;
	p1 =	sne.s32 s26, $0x0  }
0xe2: {  	s22 =	sshrl.u32 s1, $0x19;
	p0 =	por !p2, !p1  }
0xe3: {  	s21 =	sadd.s32 s22, s25;
	s22 =	simm.s32 $0x1;
	p0 =	por !p0, !p0  }
0xe4: {  	s21 =	sshrl.u32 s21, $0x7;
	s22 =	simm.s32 @!p0 $0x0  }
0xe5: {  	s21 =	ssub.s32 s21, s22  }
0xe6: {  	s21 =	sshll.u32 s21, $0xA  }
0xe7: {  	s2 =	sshrl.u32 s21, $0x3  }
0xe8: {  	s4 =	simm.s32 $0x5280;
	s5 =	sadd.s32 $0x7A1400, s21;
	s22 =	sadd.s32 s0, s2  }
0xe9: {  	[tilespmem:s4], [sflag:$0x7] =	stream.linear.gather [hbm4b:s22+s3], $0x400, $0x38;
	[tilespmem:$0xC280] =	vst v63  }
0xea: {  	s22 =	sshrl.u32 s5, $0x3  }
0xeb: {  	s6 =	simm.s32 $0x5680;
	s7 =	sadd.s32 $0xF42800, s21;
	s22 =	sadd.s32 s0, s22  }
0xec: {  	[tilespmem:s6], [sflag:$0x7] =	stream.linear.gather [hbm4b:s22+s3], $0x400, $0x38;
	[tilespmem:$0xC280] =	vst v63  }
0xed: {  	s21 =	sadd.s32 $0x16E3C00, s21;
	s22 =	sshrl.u32 s7, $0x3  }
0xee: {  	s9 =	simm.s32 $0x5A80;
	s21 =	sshrl.u32 s21, $0x3;
	s22 =	sadd.s32 s0, s22  }
0xef: {  	[tilespmem:s9], [sflag:$0x7] =	stream.linear.gather [hbm4b:s22+s3], $0x400, $0x38;
	[tilespmem:$0xC280] =	vst v63  }
0xf0: {  	s10 =	simm.s32 $0x5E80;
	s21 =	sadd.s32 s0, s21  }
0xf1: {  	[tilespmem:s10], [sflag:$0x7] =	stream.linear.gather [hbm4b:s21+s3], $0x400, $0x38;
	[tilespmem:$0xC280] =	vst v63  }
0xf2: {  	v62 =	vld [tilespmem:$0x6];
	_ =	sdelay $0x4  }
0xf3: {  	(v2sf) =	vpush v62, $0x0;
	_ =	sdelay $0xe  }
0xf4: {  	s11 =	spop (v2sf)  }
0xf5: {  	s23 =	sand.u32 $0x7F, s11  }
0xf6: {  	s24 =	sshra.s32 s11, $0x1F;
	p4 =	slt.s32 s11, $0x1;
	p3 =	sne.s32 s23, $0x0  }
0xf7: {  	s22 =	sshrl.u32 s24, $0x19;
	p0 =	por !p4, !p3  }
0xf8: {  	s21 =	sadd.s32 s22, s11;
	s22 =	simm.s32 $0x1;
	p0 =	por !p0, !p0  }
0xf9: {  	s21 =	sshrl.u32 s21, $0x7;
	s22 =	simm.s32 @!p0 $0x0  }
0xfa: {  	s21 =	ssub.s32 s21, s22  }
0xfb: {  	s21 =	sshll.u32 s21, $0xA  }
0xfc: {  	s25 =	sshrl.u32 s21, $0x3  }
0xfd: {  	s26 =	simm.s32 $0x6280;
	s2 =	sadd.s32 $0x7A1400, s21;
	s22 =	sadd.s32 s0, s25  }
0xfe: {  	[tilespmem:s26], [sflag:$0x8] =	stream.linear.gather [hbm4b:s22+s3], $0x400, $0x38;
	[tilespmem:$0xC280] =	vst v63  }
0xff: {  	s22 =	sshrl.u32 s2, $0x3  }
0x100: {  	s4 =	simm.s32 $0x6680;
	s5 =	sadd.s32 $0xF42800, s21;
	s22 =	sadd.s32 s0, s22  }
0x101: {  	[tilespmem:s4], [sflag:$0x8] =	stream.linear.gather [hbm4b:s22+s3], $0x400, $0x38;
	[tilespmem:$0xC280] =	vst v63  }
0x102: {  	s21 =	sadd.s32 $0x16E3C00, s21;
	s22 =	sshrl.u32 s5, $0x3  }
0x103: {  	s6 =	simm.s32 $0x6A80;
	s21 =	sshrl.u32 s21, $0x3;
	s22 =	sadd.s32 s0, s22  }
0x104: {  	[tilespmem:s6], [sflag:$0x8] =	stream.linear.gather [hbm4b:s22+s3], $0x400, $0x38;
	[tilespmem:$0xC280] =	vst v63  }
0x105: {  	s7 =	simm.s32 $0x6E80;
	s21 =	sadd.s32 s0, s21  }
0x106: {  	[tilespmem:s7], [sflag:$0x8] =	stream.linear.gather [hbm4b:s21+s3], $0x400, $0x38;
	[tilespmem:$0xC280] =	vst v63  }
0x107: {  	v63 =	vld [tilespmem:$0x7];
	_ =	sdelay $0x4  }
0x108: {  	(v2sf) =	vpush v63, $0x0;
	_ =	sdelay $0xe  }
0x109: {  	s9 =	spop (v2sf)  }
0x10a: {  	s10 =	sand.u32 $0x7F, s9  }
0x10b: {  	s11 =	sshra.s32 s9, $0x1F;
	p6 =	slt.s32 s9, $0x1;
	p5 =	sne.s32 s10, $0x0  }
0x10c: {  	s22 =	sshrl.u32 s11, $0x19;
	p0 =	por !p6, !p5  }
0x10d: {  	s21 =	sadd.s32 s22, s9;
	s22 =	simm.s32 $0x1;
	p0 =	por !p0, !p0  }
0x10e: {  	s21 =	sshrl.u32 s21, $0x7;
	s22 =	simm.s32 @!p0 $0x0  }
0x10f: {  	s28 =	simm.s32 $0x4680;
	s29 =	simm.s32 $0x1280;
	s21 =	ssub.s32 s21, s22  }
0x110: {  	s30 =	simm.s32 $0x7A80;
	s31 =	simm.s32 $0x1A80;
	s21 =	sshll.u32 s21, $0xA  }
0x111: {  	s1 =	simm.s32 $0x7E80;
	s24 =	simm.s32 $0x7280;
	s23 =	sshrl.u32 s21, $0x3  }
0x112: {  	s2 =	simm.s32 $0x4280;
	s25 =	sadd.s32 $0x7A1400, s21;
	s22 =	sadd.s32 s0, s23  }
0x113: {  	[tilespmem:s24], [sflag:$0x9] =	stream.linear.gather [hbm4b:s22+s3], $0x400, $0x38;
	[tilespmem:$0xC280] =	vst v63  }
0x114: {  	s4 =	simm.s32 $0x2680;
	s5 =	simm.s32 $0x2A80;
	s22 =	sshrl.u32 s25, $0x3  }
0x115: {  	s26 =	sadd.s32 $0xF42800, s21;
	s25 =	simm.s32 $0x7680;
	s22 =	sadd.s32 s0, s22  }
0x116: {  	[tilespmem:s25], [sflag:$0x9] =	stream.linear.gather [hbm4b:s22+s3], $0x400, $0x38;
	[tilespmem:$0xC280] =	vst v63  }
0x117: {  	s6 =	simm.s32 $0x2E80;
	s21 =	sadd.s32 $0x16E3C00, s21;
	s22 =	sshrl.u32 s26, $0x3  }
0x118: {  	s7 =	simm.s32 $0x3280;
	s21 =	sshrl.u32 s21, $0x3;
	s22 =	sadd.s32 s0, s22  }
0x119: {  	[tilespmem:s30], [sflag:$0x9] =	stream.linear.gather [hbm4b:s22+s3], $0x400, $0x38;
	[tilespmem:$0xC280] =	vst v63  }
0x11a: {  	s10 =	simm.s32 $0x3A80;
	s11 =	simm.s32 $0x3E80;
	s21 =	sadd.s32 s0, s21  }
0x11b: {  	[tilespmem:s1], [sflag:$0x9] =	stream.linear.gather [hbm4b:s21+s3], $0x400, $0x38;
	[tilespmem:$0xC280] =	vst v63  }
0x11c: {  	s9 =	simm.s32 $0x3680;
	s22 =	simm.s32 $0x7;
	s21 =	simm.s32 $0x8  }
.LBB2_2:
0x11d: {  	_ =	swait.ge [sflag:s12], $0x1000  }
0x11e: {  	[sflag:s12] =	ssyncset.done $0x0  }
0x11f: {  	[sflag:s12] =	ssyncadd.s32 $0xFFFFF000  }
0x120: {  	v34 =	vld [tilespmem:s21+$0xFFFFFFF8];
	_ =	sdelay $0x4  }
0x121: {  	(v2sf) =	vpush v34, $0x0;
	_ =	sdelay $0xe  }
0x122: {  	s23 =	spop (v2sf)  }
0x123: {  	s23 =	sand.u32 $0x7F, s23  }
0x124: {  	s24 =	sadd.s32 $0xFFFFFFF9, s22;
	v53 =	vor.u32 s23, v0  }
0x125: {  	v35 =	vmov s24  }
0x126: {  	v36 =	vshll.u32 v35, $0x3  }
0x127: {  	v35 =	vand.u32 $0x78, v35;
	v36 =	vand.u32 $0xC00, v36  }
0x128: {  	v35 =	vor.u32 v35, v36  }
0x129: {  	v36 =	vor.u32 v1, v35;
	v34 =	vld.idx.msk [tilespmem:v53+s8+$0x0], $0xffff  }
0x12a: {  	v37 =	vor.u32 s23, v2;
	_ =	sdelay $0x3  }
0x12b: {  	[tilespmem:v36+s13+$0x0] =	vst.idx.msk $0xffff, v34  }
0x12c: {  	v35 =	vor.u32 v3, v35;
	v34 =	vld.idx.msk [tilespmem:v37+s8+$0x0], $0xffff;
	_ =	sdelay $0x4  }
0x12d: {  	[tilespmem:v35+s13+$0x0] =	vst.idx.msk $0xffff, v34  }
0x12e: {  	v34 =	vld [tilespmem:s21+$0x0];
	_ =	sdelay $0x4  }
0x12f: {  	(v2sf) =	vpush v34, $0x0;
	_ =	sdelay $0xe  }
0x130: {  	s23 =	spop (v2sf)  }
0x131: {  	s26 =	sand.u32 $0x7F, s23  }
0x132: {  	p1 =	slt.s32 s23, $0x1;
	p0 =	sne.s32 s26, $0x0;
	s26 =	sshra.s32 s23, $0x1F  }
0x133: {  	s24 =	sshrl.u32 s26, $0x19;
	p0 =	por !p1, !p0  }
0x134: {  	s23 =	sadd.s32 s24, s23;
	p0 =	por !p0, !p0;
	s24 =	simm.s32 $0x1  }
0x135: {  	s23 =	sshrl.u32 s23, $0x7;
	s24 =	simm.s32 @!p0 $0x0  }
0x136: {  	s23 =	ssub.s32 s23, s24  }
0x137: {  	s23 =	sshll.u32 s23, $0xA  }
0x138: {  	s26 =	sshrl.u32 s23, $0x3  }
0x139: {  	s24 =	sadd.s32 s0, s26;
	s26 =	sadd.s32 $0x7A1400, s23  }
0x13a: {  	[tilespmem:s8], [sflag:$0x2] =	stream.linear.gather [hbm4b:s24+s3], $0x400, $0x38;
	[tilespmem:$0xC280] =	vst v63  }
0x13b: {  	s24 =	sshrl.u32 s26, $0x3  }
0x13c: {  	s26 =	simm.s32 $0x680;
	s24 =	sadd.s32 s0, s24  }
0x13d: {  	[tilespmem:s26], [sflag:$0x2] =	stream.linear.gather [hbm4b:s24+s3], $0x400, $0x38;
	[tilespmem:$0xC280] =	vst v63  }
0x13e: {  	s26 =	sadd.s32 $0xF42800, s23  }
0x13f: {  	s23 =	sadd.s32 $0x16E3C00, s23;
	s24 =	sshrl.u32 s26, $0x3  }
0x140: {  	s26 =	simm.s32 $0xA80;
	s23 =	sshrl.u32 s23, $0x3;
	s24 =	sadd.s32 s0, s24  }
0x141: {  	[tilespmem:s26], [sflag:$0x2] =	stream.linear.gather [hbm4b:s24+s3], $0x400, $0x38;
	[tilespmem:$0xC280] =	vst v63  }
0x142: {  	s23 =	sadd.s32 s0, s23;
	s26 =	simm.s32 $0xE80  }
0x143: {  	[tilespmem:s26], [sflag:$0x2] =	stream.linear.gather [hbm4b:s23+s3], $0x400, $0x38;
	[tilespmem:$0xC280] =	vst v63  }
0x144: {  	_ =	swait.ge [sflag:s14], $0x1000  }
0x145: {  	[sflag:s14] =	ssyncset.done $0x0  }
0x146: {  	[sflag:s14] =	ssyncadd.s32 $0xFFFFF000  }
0x147: {  	v54 =	vld [tilespmem:s21+$0xFFFFFFF9];
	_ =	sdelay $0x4  }
0x148: {  	(v2sf) =	vpush v54, $0x0;
	_ =	sdelay $0xe  }
0x149: {  	s24 =	spop (v2sf)  }
0x14a: {  	s23 =	sand.u32 $0x7F, s24  }
0x14b: {  	s26 =	sadd.s32 $0xFFFFFFFA, s22;
	v55 =	vor.u32 s23, v4  }
0x14c: {  	v56 =	vmov s26  }
0x14d: {  	v57 =	vshll.u32 v56, $0x3  }
0x14e: {  	v35 =	vand.u32 $0x79, v56;
	v36 =	vand.u32 $0xC00, v57  }
0x14f: {  	v35 =	vor.u32 v35, v36  }
0x150: {  	v36 =	vor.u32 v1, v35;
	v34 =	vld.idx.msk [tilespmem:v55+s8+$0x0], $0xffff  }
0x151: {  	v58 =	vor.u32 s23, v5;
	_ =	sdelay $0x3  }
0x152: {  	[tilespmem:v36+s13+$0x0] =	vst.idx.msk $0xffff, v34  }
0x153: {  	v35 =	vor.u32 v3, v35;
	v34 =	vld.idx.msk [tilespmem:v58+s8+$0x0], $0xffff;
	_ =	sdelay $0x4  }
0x154: {  	[tilespmem:v35+s13+$0x0] =	vst.idx.msk $0xffff, v34  }
0x155: {  	v34 =	vld [tilespmem:s21+$0x1];
	_ =	sdelay $0x4  }
0x156: {  	(v2sf) =	vpush v34, $0x0;
	_ =	sdelay $0xe  }
0x157: {  	s23 =	spop (v2sf)  }
0x158: {  	s26 =	sand.u32 $0x7F, s23  }
0x159: {  	p6 =	slt.s32 s23, $0x1;
	p5 =	sne.s32 s26, $0x0;
	s26 =	sshra.s32 s23, $0x1F  }
0x15a: {  	s24 =	sshrl.u32 s26, $0x19;
	p0 =	por !p6, !p5  }
0x15b: {  	s23 =	sadd.s32 s24, s23;
	p0 =	por !p0, !p0;
	s24 =	simm.s32 $0x1  }
0x15c: {  	s23 =	sshrl.u32 s23, $0x7;
	s24 =	simm.s32 @!p0 $0x0  }
0x15d: {  	s23 =	ssub.s32 s23, s24  }
0x15e: {  	s23 =	sshll.u32 s23, $0xA  }
0x15f: {  	s26 =	sshrl.u32 s23, $0x3  }
0x160: {  	s24 =	sadd.s32 s0, s26;
	s26 =	sadd.s32 $0x7A1400, s23  }
0x161: {  	[tilespmem:s29], [sflag:$0x3] =	stream.linear.gather [hbm4b:s24+s3], $0x400, $0x38;
	[tilespmem:$0xC280] =	vst v63  }
0x162: {  	s24 =	sshrl.u32 s26, $0x3  }
0x163: {  	s26 =	simm.s32 $0x1680;
	s24 =	sadd.s32 s0, s24  }
0x164: {  	[tilespmem:s26], [sflag:$0x3] =	stream.linear.gather [hbm4b:s24+s3], $0x400, $0x38;
	[tilespmem:$0xC280] =	vst v63  }
0x165: {  	s26 =	sadd.s32 $0xF42800, s23  }
0x166: {  	s23 =	sadd.s32 $0x16E3C00, s23;
	s24 =	sshrl.u32 s26, $0x3  }
0x167: {  	s23 =	sshrl.u32 s23, $0x3;
	s24 =	sadd.s32 s0, s24  }
0x168: {  	[tilespmem:s31], [sflag:$0x3] =	stream.linear.gather [hbm4b:s24+s3], $0x400, $0x38;
	[tilespmem:$0xC280] =	vst v63  }
0x169: {  	s26 =	simm.s32 $0x1E80;
	s23 =	sadd.s32 s0, s23  }
0x16a: {  	[tilespmem:s26], [sflag:$0x3] =	stream.linear.gather [hbm4b:s23+s3], $0x400, $0x38;
	[tilespmem:$0xC280] =	vst v63  }
0x16b: {  	_ =	swait.ge [sflag:s15], $0x1000  }
0x16c: {  	[sflag:s15] =	ssyncset.done $0x0  }
0x16d: {  	[sflag:s15] =	ssyncadd.s32 $0xFFFFF000  }
0x16e: {  	v59 =	vld [tilespmem:s21+$0xFFFFFFFA];
	_ =	sdelay $0x4  }
0x16f: {  	(v2sf) =	vpush v59, $0x0;
	_ =	sdelay $0xe  }
0x170: {  	s24 =	spop (v2sf)  }
0x171: {  	s23 =	sand.u32 $0x7F, s24  }
0x172: {  	s26 =	sadd.s32 $0xFFFFFFFB, s22;
	v60 =	vor.u32 s23, v6  }
0x173: {  	v61 =	vmov s26  }
0x174: {  	v62 =	vshll.u32 v61, $0x3  }
0x175: {  	v35 =	vand.u32 $0x7A, v61;
	v36 =	vand.u32 $0xC00, v62  }
0x176: {  	v35 =	vor.u32 v35, v36  }
0x177: {  	v36 =	vor.u32 v1, v35;
	v34 =	vld.idx.msk [tilespmem:v60+s8+$0x0], $0xffff  }
0x178: {  	v63 =	vor.u32 s23, v7;
	_ =	sdelay $0x3  }
0x179: {  	[tilespmem:v36+s13+$0x0] =	vst.idx.msk $0xffff, v34  }
0x17a: {  	v35 =	vor.u32 v3, v35;
	v34 =	vld.idx.msk [tilespmem:v63+s8+$0x0], $0xffff;
	_ =	sdelay $0x4  }
0x17b: {  	[tilespmem:v35+s13+$0x0] =	vst.idx.msk $0xffff, v34  }
0x17c: {  	v34 =	vld [tilespmem:s21+$0x2];
	_ =	sdelay $0x4  }
0x17d: {  	(v2sf) =	vpush v34, $0x0;
	_ =	sdelay $0xe  }
0x17e: {  	s23 =	spop (v2sf)  }
0x17f: {  	s26 =	sand.u32 $0x7F, s23  }
0x180: {  	p2 =	slt.s32 s23, $0x1;
	p1 =	sne.s32 s26, $0x0;
	s26 =	sshra.s32 s23, $0x1F  }
0x181: {  	s24 =	sshrl.u32 s26, $0x19;
	p0 =	por !p2, !p1  }
0x182: {  	s23 =	sadd.s32 s24, s23;
	p0 =	por !p0, !p0;
	s24 =	simm.s32 $0x1  }
0x183: {  	s23 =	sshrl.u32 s23, $0x7;
	s24 =	simm.s32 @!p0 $0x0  }
0x184: {  	s23 =	ssub.s32 s23, s24  }
0x185: {  	s23 =	sshll.u32 s23, $0xA  }
0x186: {  	s26 =	sshrl.u32 s23, $0x3  }
0x187: {  	s24 =	sadd.s32 s0, s26;
	s26 =	simm.s32 $0x2280  }
0x188: {  	[tilespmem:s26], [sflag:$0x4] =	stream.linear.gather [hbm4b:s24+s3], $0x400, $0x38;
	[tilespmem:$0xC280] =	vst v63  }
0x189: {  	s26 =	sadd.s32 $0x7A1400, s23  }
0x18a: {  	s24 =	sshrl.u32 s26, $0x3  }
0x18b: {  	s26 =	sadd.s32 $0xF42800, s23;
	s24 =	sadd.s32 s0, s24  }
0x18c: {  	[tilespmem:s4], [sflag:$0x4] =	stream.linear.gather [hbm4b:s24+s3], $0x400, $0x38;
	[tilespmem:$0xC280] =	vst v63  }
0x18d: {  	s23 =	sadd.s32 $0x16E3C00, s23;
	s24 =	sshrl.u32 s26, $0x3  }
0x18e: {  	s23 =	sshrl.u32 s23, $0x3;
	s24 =	sadd.s32 s0, s24  }
0x18f: {  	[tilespmem:s5], [sflag:$0x4] =	stream.linear.gather [hbm4b:s24+s3], $0x400, $0x38;
	[tilespmem:$0xC280] =	vst v63  }
0x190: {  	s23 =	sadd.s32 s0, s23  }
0x191: {  	[tilespmem:s6], [sflag:$0x4] =	stream.linear.gather [hbm4b:s23+s3], $0x400, $0x38;
	[tilespmem:$0xC280] =	vst v63  }
0x192: {  	_ =	swait.ge [sflag:s16], $0x1000  }
0x193: {  	[sflag:s16] =	ssyncset.done $0x0  }
0x194: {  	[sflag:s16] =	ssyncadd.s32 $0xFFFFF000  }
0x195: {  	v39 =	vld [tilespmem:s21+$0xFFFFFFFB];
	_ =	sdelay $0x4  }
0x196: {  	(v2sf) =	vpush v39, $0x0;
	_ =	sdelay $0xe  }
0x197: {  	s24 =	spop (v2sf)  }
0x198: {  	s23 =	sand.u32 $0x7F, s24  }
0x199: {  	s26 =	sadd.s32 $0xFFFFFFFC, s22;
	v40 =	vor.u32 s23, v8  }
0x19a: {  	v41 =	vmov s26  }
0x19b: {  	v42 =	vshll.u32 v41, $0x3  }
0x19c: {  	v35 =	vand.u32 $0x7B, v41;
	v36 =	vand.u32 $0xC00, v42  }
0x19d: {  	v35 =	vor.u32 v35, v36  }
0x19e: {  	v36 =	vor.u32 v1, v35;
	v34 =	vld.idx.msk [tilespmem:v40+s8+$0x0], $0xffff  }
0x19f: {  	v43 =	vor.u32 s23, v9;
	_ =	sdelay $0x3  }
0x1a0: {  	[tilespmem:v36+s13+$0x0] =	vst.idx.msk $0xffff, v34  }
0x1a1: {  	v35 =	vor.u32 v3, v35;
	v34 =	vld.idx.msk [tilespmem:v43+s8+$0x0], $0xffff;
	_ =	sdelay $0x4  }
0x1a2: {  	[tilespmem:v35+s13+$0x0] =	vst.idx.msk $0xffff, v34  }
0x1a3: {  	v34 =	vld [tilespmem:s21+$0x3];
	_ =	sdelay $0x4  }
0x1a4: {  	(v2sf) =	vpush v34, $0x0;
	_ =	sdelay $0xe  }
0x1a5: {  	s23 =	spop (v2sf)  }
0x1a6: {  	s26 =	sand.u32 $0x7F, s23  }
0x1a7: {  	p4 =	slt.s32 s23, $0x1;
	p3 =	sne.s32 s26, $0x0;
	s26 =	sshra.s32 s23, $0x1F  }
0x1a8: {  	s24 =	sshrl.u32 s26, $0x19;
	p0 =	por !p4, !p3  }
0x1a9: {  	s23 =	sadd.s32 s24, s23;
	p0 =	por !p0, !p0;
	s24 =	simm.s32 $0x1  }
0x1aa: {  	s23 =	sshrl.u32 s23, $0x7;
	s24 =	simm.s32 @!p0 $0x0  }
0x1ab: {  	s23 =	ssub.s32 s23, s24  }
0x1ac: {  	s23 =	sshll.u32 s23, $0xA  }
0x1ad: {  	s26 =	sshrl.u32 s23, $0x3  }
0x1ae: {  	s24 =	sadd.s32 s0, s26;
	s26 =	sadd.s32 $0x7A1400, s23  }
0x1af: {  	[tilespmem:s7], [sflag:$0x5] =	stream.linear.gather [hbm4b:s24+s3], $0x400, $0x38;
	[tilespmem:$0xC280] =	vst v63  }
0x1b0: {  	s24 =	sshrl.u32 s26, $0x3  }
0x1b1: {  	s26 =	sadd.s32 $0xF42800, s23;
	s24 =	sadd.s32 s0, s24  }
0x1b2: {  	[tilespmem:s9], [sflag:$0x5] =	stream.linear.gather [hbm4b:s24+s3], $0x400, $0x38;
	[tilespmem:$0xC280] =	vst v63  }
0x1b3: {  	s23 =	sadd.s32 $0x16E3C00, s23;
	s24 =	sshrl.u32 s26, $0x3  }
0x1b4: {  	s23 =	sshrl.u32 s23, $0x3;
	s24 =	sadd.s32 s0, s24  }
0x1b5: {  	[tilespmem:s10], [sflag:$0x5] =	stream.linear.gather [hbm4b:s24+s3], $0x400, $0x38;
	[tilespmem:$0xC280] =	vst v63  }
0x1b6: {  	s23 =	sadd.s32 s0, s23  }
0x1b7: {  	[tilespmem:s11], [sflag:$0x5] =	stream.linear.gather [hbm4b:s23+s3], $0x400, $0x38;
	[tilespmem:$0xC280] =	vst v63  }
0x1b8: {  	_ =	swait.ge [sflag:s17], $0x1000  }
0x1b9: {  	[sflag:s17] =	ssyncset.done $0x0  }
0x1ba: {  	[sflag:s17] =	ssyncadd.s32 $0xFFFFF000  }
0x1bb: {  	v44 =	vld [tilespmem:s21+$0xFFFFFFFC];
	_ =	sdelay $0x4  }
0x1bc: {  	(v2sf) =	vpush v44, $0x0;
	_ =	sdelay $0xe  }
0x1bd: {  	s24 =	spop (v2sf)  }
0x1be: {  	s23 =	sand.u32 $0x7F, s24  }
0x1bf: {  	s26 =	sadd.s32 $0xFFFFFFFD, s22;
	v45 =	vor.u32 s23, v10  }
0x1c0: {  	v46 =	vmov s26  }
0x1c1: {  	v47 =	vshll.u32 v46, $0x3  }
0x1c2: {  	v35 =	vand.u32 $0x7C, v46;
	v36 =	vand.u32 $0xC00, v47  }
0x1c3: {  	v35 =	vor.u32 v35, v36  }
0x1c4: {  	v36 =	vor.u32 v1, v35;
	v34 =	vld.idx.msk [tilespmem:v45+s8+$0x0], $0xffff  }
0x1c5: {  	v48 =	vor.u32 s23, v11;
	_ =	sdelay $0x3  }
0x1c6: {  	[tilespmem:v36+s13+$0x0] =	vst.idx.msk $0xffff, v34  }
0x1c7: {  	v35 =	vor.u32 v3, v35;
	v34 =	vld.idx.msk [tilespmem:v48+s8+$0x0], $0xffff;
	_ =	sdelay $0x4  }
0x1c8: {  	[tilespmem:v35+s13+$0x0] =	vst.idx.msk $0xffff, v34  }
0x1c9: {  	v34 =	vld [tilespmem:s21+$0x4];
	_ =	sdelay $0x4  }
0x1ca: {  	(v2sf) =	vpush v34, $0x0;
	_ =	sdelay $0xe  }
0x1cb: {  	s23 =	spop (v2sf)  }
0x1cc: {  	s26 =	sand.u32 $0x7F, s23  }
0x1cd: {  	p6 =	slt.s32 s23, $0x1;
	p5 =	sne.s32 s26, $0x0;
	s26 =	sshra.s32 s23, $0x1F  }
0x1ce: {  	s24 =	sshrl.u32 s26, $0x19;
	p0 =	por !p6, !p5  }
0x1cf: {  	s23 =	sadd.s32 s24, s23;
	p0 =	por !p0, !p0;
	s24 =	simm.s32 $0x1  }
0x1d0: {  	s23 =	sshrl.u32 s23, $0x7;
	s24 =	simm.s32 @!p0 $0x0  }
0x1d1: {  	s23 =	ssub.s32 s23, s24  }
0x1d2: {  	s23 =	sshll.u32 s23, $0xA  }
0x1d3: {  	s26 =	sshrl.u32 s23, $0x3  }
0x1d4: {  	s24 =	sadd.s32 s0, s26;
	s26 =	sadd.s32 $0x7A1400, s23  }
0x1d5: {  	[tilespmem:s2], [sflag:$0x6] =	stream.linear.gather [hbm4b:s24+s3], $0x400, $0x38;
	[tilespmem:$0xC280] =	vst v63  }
0x1d6: {  	s24 =	sshrl.u32 s26, $0x3  }
0x1d7: {  	s26 =	sadd.s32 $0xF42800, s23;
	s24 =	sadd.s32 s0, s24  }
0x1d8: {  	[tilespmem:s28], [sflag:$0x6] =	stream.linear.gather [hbm4b:s24+s3], $0x400, $0x38;
	[tilespmem:$0xC280] =	vst v63  }
0x1d9: {  	s23 =	sadd.s32 $0x16E3C00, s23;
	s24 =	sshrl.u32 s26, $0x3  }
0x1da: {  	s23 =	sshrl.u32 s23, $0x3;
	s26 =	simm.s32 $0x4A80;
	s24 =	sadd.s32 s0, s24  }
0x1db: {  	[tilespmem:s26], [sflag:$0x6] =	stream.linear.gather [hbm4b:s24+s3], $0x400, $0x38;
	[tilespmem:$0xC280] =	vst v63  }
0x1dc: {  	s23 =	sadd.s32 s0, s23;
	s26 =	simm.s32 $0x4E80  }
0x1dd: {  	[tilespmem:s26], [sflag:$0x6] =	stream.linear.gather [hbm4b:s23+s3], $0x400, $0x38;
	[tilespmem:$0xC280] =	vst v63  }
0x1de: {  	_ =	swait.ge [sflag:s18], $0x1000  }
0x1df: {  	[sflag:s18] =	ssyncset.done $0x0  }
0x1e0: {  	[sflag:s18] =	ssyncadd.s32 $0xFFFFF000  }
0x1e1: {  	v49 =	vld [tilespmem:s21+$0xFFFFFFFD];
	_ =	sdelay $0x4  }
0x1e2: {  	(v2sf) =	vpush v49, $0x0;
	_ =	sdelay $0xe  }
0x1e3: {  	s24 =	spop (v2sf)  }
0x1e4: {  	s23 =	sand.u32 $0x7F, s24  }
0x1e5: {  	s26 =	sadd.s32 $0xFFFFFFFE, s22;
	v50 =	vor.u32 s23, v12  }
0x1e6: {  	v51 =	vmov s26  }
0x1e7: {  	v52 =	vshll.u32 v51, $0x3  }
0x1e8: {  	v35 =	vand.u32 $0x7D, v51;
	v36 =	vand.u32 $0xC00, v52  }
0x1e9: {  	v35 =	vor.u32 v35, v36  }
0x1ea: {  	v36 =	vor.u32 v1, v35;
	v34 =	vld.idx.msk [tilespmem:v50+s8+$0x0], $0xffff  }
0x1eb: {  	v53 =	vor.u32 s23, v13;
	_ =	sdelay $0x3  }
0x1ec: {  	[tilespmem:v36+s13+$0x0] =	vst.idx.msk $0xffff, v34  }
0x1ed: {  	v35 =	vor.u32 v3, v35;
	v34 =	vld.idx.msk [tilespmem:v53+s8+$0x0], $0xffff;
	_ =	sdelay $0x4  }
0x1ee: {  	[tilespmem:v35+s13+$0x0] =	vst.idx.msk $0xffff, v34  }
0x1ef: {  	v34 =	vld [tilespmem:s21+$0x5];
	_ =	sdelay $0x4  }
0x1f0: {  	(v2sf) =	vpush v34, $0x0;
	_ =	sdelay $0xe  }
0x1f1: {  	s23 =	spop (v2sf)  }
0x1f2: {  	s26 =	sand.u32 $0x7F, s23  }
0x1f3: {  	p2 =	slt.s32 s23, $0x1;
	p1 =	sne.s32 s26, $0x0;
	s26 =	sshra.s32 s23, $0x1F  }
0x1f4: {  	s24 =	sshrl.u32 s26, $0x19;
	p0 =	por !p2, !p1  }
0x1f5: {  	s23 =	sadd.s32 s24, s23;
	p0 =	por !p0, !p0;
	s24 =	simm.s32 $0x1  }
0x1f6: {  	s23 =	sshrl.u32 s23, $0x7;
	s24 =	simm.s32 @!p0 $0x0  }
0x1f7: {  	s23 =	ssub.s32 s23, s24  }
0x1f8: {  	s23 =	sshll.u32 s23, $0xA  }
0x1f9: {  	s26 =	sshrl.u32 s23, $0x3  }
0x1fa: {  	s24 =	sadd.s32 s0, s26;
	s26 =	simm.s32 $0x5280  }
0x1fb: {  	[tilespmem:s26], [sflag:$0x7] =	stream.linear.gather [hbm4b:s24+s3], $0x400, $0x38;
	[tilespmem:$0xC280] =	vst v63  }
0x1fc: {  	s26 =	sadd.s32 $0x7A1400, s23  }
0x1fd: {  	s24 =	sshrl.u32 s26, $0x3  }
0x1fe: {  	s26 =	simm.s32 $0x5680;
	s24 =	sadd.s32 s0, s24  }
0x1ff: {  	[tilespmem:s26], [sflag:$0x7] =	stream.linear.gather [hbm4b:s24+s3], $0x400, $0x38;
	[tilespmem:$0xC280] =	vst v63  }
0x200: {  	s26 =	sadd.s32 $0xF42800, s23  }
0x201: {  	s23 =	sadd.s32 $0x16E3C00, s23;
	s24 =	sshrl.u32 s26, $0x3  }
0x202: {  	s26 =	simm.s32 $0x5A80;
	s23 =	sshrl.u32 s23, $0x3;
	s24 =	sadd.s32 s0, s24  }
0x203: {  	[tilespmem:s26], [sflag:$0x7] =	stream.linear.gather [hbm4b:s24+s3], $0x400, $0x38;
	[tilespmem:$0xC280] =	vst v63  }
0x204: {  	s23 =	sadd.s32 s0, s23;
	s26 =	simm.s32 $0x5E80  }
0x205: {  	[tilespmem:s26], [sflag:$0x7] =	stream.linear.gather [hbm4b:s23+s3], $0x400, $0x38;
	[tilespmem:$0xC280] =	vst v63  }
0x206: {  	_ =	swait.ge [sflag:s19], $0x1000  }
0x207: {  	[sflag:s19] =	ssyncset.done $0x0  }
0x208: {  	[sflag:s19] =	ssyncadd.s32 $0xFFFFF000  }
0x209: {  	v54 =	vld [tilespmem:s21+$0xFFFFFFFE];
	_ =	sdelay $0x4  }
0x20a: {  	(v2sf) =	vpush v54, $0x0;
	_ =	sdelay $0xe  }
0x20b: {  	s24 =	spop (v2sf)  }
0x20c: {  	s23 =	sand.u32 $0x7F, s24  }
0x20d: {  	s26 =	sadd.s32 $0xFFFFFFFF, s22;
	v55 =	vor.u32 s23, v14  }
0x20e: {  	v56 =	vmov s26  }
0x20f: {  	v57 =	vshll.u32 v56, $0x3  }
0x210: {  	v35 =	vand.u32 $0x7E, v56;
	v36 =	vand.u32 $0xC00, v57  }
0x211: {  	v35 =	vor.u32 v35, v36  }
0x212: {  	v36 =	vor.u32 v1, v35;
	v34 =	vld.idx.msk [tilespmem:v55+s8+$0x0], $0xffff  }
0x213: {  	v58 =	vor.u32 s23, v15;
	_ =	sdelay $0x3  }
0x214: {  	[tilespmem:v36+s13+$0x0] =	vst.idx.msk $0xffff, v34  }
0x215: {  	v35 =	vor.u32 v3, v35;
	v34 =	vld.idx.msk [tilespmem:v58+s8+$0x0], $0xffff;
	_ =	sdelay $0x4  }
0x216: {  	[tilespmem:v35+s13+$0x0] =	vst.idx.msk $0xffff, v34  }
0x217: {  	v34 =	vld [tilespmem:s21+$0x6];
	_ =	sdelay $0x4  }
0x218: {  	(v2sf) =	vpush v34, $0x0;
	_ =	sdelay $0xe  }
0x219: {  	s23 =	spop (v2sf)  }
0x21a: {  	s26 =	sand.u32 $0x7F, s23  }
0x21b: {  	p4 =	slt.s32 s23, $0x1;
	p3 =	sne.s32 s26, $0x0;
	s26 =	sshra.s32 s23, $0x1F  }
0x21c: {  	s24 =	sshrl.u32 s26, $0x19;
	p0 =	por !p4, !p3  }
0x21d: {  	s23 =	sadd.s32 s24, s23;
	p0 =	por !p0, !p0;
	s24 =	simm.s32 $0x1  }
0x21e: {  	s23 =	sshrl.u32 s23, $0x7;
	s24 =	simm.s32 @!p0 $0x0  }
0x21f: {  	s23 =	ssub.s32 s23, s24  }
0x220: {  	s23 =	sshll.u32 s23, $0xA  }
0x221: {  	s26 =	sshrl.u32 s23, $0x3  }
0x222: {  	s24 =	sadd.s32 s0, s26;
	s26 =	simm.s32 $0x6280  }
0x223: {  	[tilespmem:s26], [sflag:$0x8] =	stream.linear.gather [hbm4b:s24+s3], $0x400, $0x38;
	[tilespmem:$0xC280] =	vst v63  }
0x224: {  	s26 =	sadd.s32 $0x7A1400, s23  }
0x225: {  	s24 =	sshrl.u32 s26, $0x3  }
0x226: {  	s26 =	simm.s32 $0x6680;
	s24 =	sadd.s32 s0, s24  }
0x227: {  	[tilespmem:s26], [sflag:$0x8] =	stream.linear.gather [hbm4b:s24+s3], $0x400, $0x38;
	[tilespmem:$0xC280] =	vst v63  }
0x228: {  	s26 =	sadd.s32 $0xF42800, s23  }
0x229: {  	s23 =	sadd.s32 $0x16E3C00, s23;
	s24 =	sshrl.u32 s26, $0x3  }
0x22a: {  	s26 =	simm.s32 $0x6A80;
	s23 =	sshrl.u32 s23, $0x3;
	s24 =	sadd.s32 s0, s24  }
0x22b: {  	[tilespmem:s26], [sflag:$0x8] =	stream.linear.gather [hbm4b:s24+s3], $0x400, $0x38;
	[tilespmem:$0xC280] =	vst v63  }
0x22c: {  	s23 =	sadd.s32 s0, s23;
	s26 =	simm.s32 $0x6E80  }
0x22d: {  	[tilespmem:s26], [sflag:$0x8] =	stream.linear.gather [hbm4b:s23+s3], $0x400, $0x38;
	[tilespmem:$0xC280] =	vst v63  }
0x22e: {  	_ =	swait.ge [sflag:s20], $0x1000  }
0x22f: {  	[sflag:s20] =	ssyncset.done $0x0  }
0x230: {  	[sflag:s20] =	ssyncadd.s32 $0xFFFFF000  }
0x231: {  	v59 =	vld [tilespmem:s21+$0xFFFFFFFF];
	_ =	sdelay $0x4  }
0x232: {  	(v2sf) =	vpush v59, $0x0;
	_ =	sdelay $0xe  }
0x233: {  	s24 =	spop (v2sf)  }
0x234: {  	s23 =	sand.u32 $0x7F, s24  }
0x235: {  	v60 =	vor.u32 s23, v16  }
0x236: {  	v61 =	vmov s22  }
0x237: {  	v62 =	vshll.u32 v61, $0x3  }
0x238: {  	v36 =	vand.u32 $0xC00, v62;
	v35 =	vand.u32 $0x7F, v61  }
0x239: {  	v35 =	vor.u32 v35, v36  }
0x23a: {  	v36 =	vor.u32 v1, v35;
	v34 =	vld.idx.msk [tilespmem:v60+s8+$0x0], $0xffff  }
0x23b: {  	v63 =	vor.u32 s23, v17;
	_ =	sdelay $0x3  }
0x23c: {  	[tilespmem:v36+s13+$0x0] =	vst.idx.msk $0xffff, v34  }
0x23d: {  	v35 =	vor.u32 v3, v35;
	v34 =	vld.idx.msk [tilespmem:v63+s8+$0x0], $0xffff;
	_ =	sdelay $0x4  }
0x23e: {  	[tilespmem:v35+s13+$0x0] =	vst.idx.msk $0xffff, v34  }
0x23f: {  	v34 =	vld [tilespmem:s21+$0x7];
	_ =	sdelay $0x4  }
0x240: {  	(v2sf) =	vpush v34, $0x0;
	_ =	sdelay $0xe  }
0x241: {  	s23 =	spop (v2sf)  }
0x242: {  	s26 =	sand.u32 $0x7F, s23  }
0x243: {  	p6 =	slt.s32 s23, $0x1;
	p5 =	sne.s32 s26, $0x0;
	s26 =	sshra.s32 s23, $0x1F  }
0x244: {  	s24 =	sshrl.u32 s26, $0x19;
	p0 =	por !p6, !p5  }
0x245: {  	s23 =	sadd.s32 s24, s23;
	p0 =	por !p0, !p0;
	s24 =	simm.s32 $0x1  }
0x246: {  	s23 =	sshrl.u32 s23, $0x7;
	s24 =	simm.s32 @!p0 $0x0  }
0x247: {  	s23 =	ssub.s32 s23, s24  }
0x248: {  	s23 =	sshll.u32 s23, $0xA  }
0x249: {  	s26 =	sshrl.u32 s23, $0x3  }
0x24a: {  	s24 =	sadd.s32 s0, s26;
	s26 =	simm.s32 $0x7280  }
0x24b: {  	[tilespmem:s26], [sflag:$0x9] =	stream.linear.gather [hbm4b:s24+s3], $0x400, $0x38;
	[tilespmem:$0xC280] =	vst v63  }
0x24c: {  	s26 =	sadd.s32 $0x7A1400, s23  }
0x24d: {  	s24 =	sshrl.u32 s26, $0x3  }
0x24e: {  	p0 =	sne.s32 s22, $0x1F7;
	s26 =	sadd.s32 $0xF42800, s23;
	s24 =	sadd.s32 s0, s24  }
0x24f: {  	[tilespmem:s25], [sflag:$0x9] =	stream.linear.gather [hbm4b:s24+s3], $0x400, $0x38;
	[tilespmem:$0xC280] =	vst v63  }
.Ltmp0:
0x250: {  	s23 =	sadd.s32 $0x16E3C00, s23;
	s24 =	sshrl.u32 s26, $0x3;
	(pc) =	sbr.rel @p0 .LBB2_2-.Ltmp0, $4  }
0x251: {  	s23 =	sshrl.u32 s23, $0x3;
	s24 =	sadd.s32 s0, s24  }
0x252: {  	[tilespmem:s30], [sflag:$0x9] =	stream.linear.gather [hbm4b:s24+s3], $0x400, $0x38;
	[tilespmem:$0xC280] =	vst v63  }
0x253: {  	s21 =	sadd.s32 $0x8, s21;
	s22 =	sadd.s32 $0x8, s22;
	s23 =	sadd.s32 s0, s23  }
0x254: {  	[tilespmem:s1], [sflag:$0x9] =	stream.linear.gather [hbm4b:s23+s3], $0x400, $0x38;
	[tilespmem:$0xC280] =	vst v63  }
0x255: {  	_ =	swait.ge [sflag:s12], $0x1000  }
0x256: {  	[sflag:s12] =	ssyncset.done $0x0  }
0x257: {  	[sflag:s12] =	ssyncadd.s32 $0xFFFFF000  }
0x258: {  	v34 =	vld [tilespmem:$0x1F8];
	_ =	sdelay $0x4  }
0x259: {  	(v2sf) =	vpush v34, $0x0;
	_ =	sdelay $0xe  }
0x25a: {  	s21 =	spop (v2sf)  }
0x25b: {  	s21 =	sand.u32 $0x7F, s21  }
0x25c: {  	v42 =	vor.u32 s21, v0;
	_ =	sdelay $0x4  }
0x25d: {  	v34 =	vld.idx.msk [tilespmem:v42+s8+$0x0], $0xffff  }
0x25e: {  	v35 =	vor.u32 s21, v2;
	_ =	sdelay $0x3  }
0x25f: {  	[tilespmem:v18+s13+$0x0] =	vst.idx.msk $0xffff, v34  }
0x260: {  	v34 =	vld.idx.msk [tilespmem:v35+s8+$0x0], $0xffff;
	_ =	sdelay $0x4  }
0x261: {  	[tilespmem:v19+s13+$0x0] =	vst.idx.msk $0xffff, v34  }
0x262: {  	_ =	swait.ge [sflag:s14], $0x1000  }
0x263: {  	[sflag:s14] =	ssyncset.done $0x0  }
0x264: {  	[sflag:s14] =	ssyncadd.s32 $0xFFFFF000  }
0x265: {  	v43 =	vld [tilespmem:$0x1F9];
	_ =	sdelay $0x4  }
0x266: {  	(v2sf) =	vpush v43, $0x0;
	_ =	sdelay $0xe  }
0x267: {  	s6 =	spop (v2sf)  }
0x268: {  	s21 =	sand.u32 $0x7F, s6  }
0x269: {  	v44 =	vor.u32 s21, v4;
	_ =	sdelay $0x4  }
0x26a: {  	v34 =	vld.idx.msk [tilespmem:v44+s8+$0x0], $0xffff  }
0x26b: {  	v45 =	vor.u32 s21, v5;
	_ =	sdelay $0x3  }
0x26c: {  	[tilespmem:v20+s13+$0x0] =	vst.idx.msk $0xffff, v34  }
0x26d: {  	v34 =	vld.idx.msk [tilespmem:v45+s8+$0x0], $0xffff;
	_ =	sdelay $0x4  }
0x26e: {  	[tilespmem:v21+s13+$0x0] =	vst.idx.msk $0xffff, v34  }
0x26f: {  	_ =	swait.ge [sflag:s15], $0x1000  }
0x270: {  	[sflag:s15] =	ssyncset.done $0x0  }
0x271: {  	[sflag:s15] =	ssyncadd.s32 $0xFFFFF000  }
0x272: {  	v46 =	vld [tilespmem:$0x1FA];
	_ =	sdelay $0x4  }
0x273: {  	(v2sf) =	vpush v46, $0x0;
	_ =	sdelay $0xe  }
0x274: {  	s7 =	spop (v2sf)  }
0x275: {  	s21 =	sand.u32 $0x7F, s7  }
0x276: {  	v47 =	vor.u32 s21, v6;
	_ =	sdelay $0x4  }
0x277: {  	v34 =	vld.idx.msk [tilespmem:v47+s8+$0x0], $0xffff  }
0x278: {  	v48 =	vor.u32 s21, v7;
	_ =	sdelay $0x3  }
0x279: {  	[tilespmem:v22+s13+$0x0] =	vst.idx.msk $0xffff, v34  }
0x27a: {  	v34 =	vld.idx.msk [tilespmem:v48+s8+$0x0], $0xffff;
	_ =	sdelay $0x4  }
0x27b: {  	[tilespmem:v23+s13+$0x0] =	vst.idx.msk $0xffff, v34  }
0x27c: {  	_ =	swait.ge [sflag:s16], $0x1000  }
0x27d: {  	[sflag:s16] =	ssyncset.done $0x0  }
0x27e: {  	[sflag:s16] =	ssyncadd.s32 $0xFFFFF000  }
0x27f: {  	v49 =	vld [tilespmem:$0x1FB];
	_ =	sdelay $0x4  }
0x280: {  	(v2sf) =	vpush v49, $0x0;
	_ =	sdelay $0xe  }
0x281: {  	s9 =	spop (v2sf)  }
0x282: {  	s21 =	sand.u32 $0x7F, s9  }
0x283: {  	v50 =	vor.u32 s21, v8;
	_ =	sdelay $0x4  }
0x284: {  	v34 =	vld.idx.msk [tilespmem:v50+s8+$0x0], $0xffff  }
0x285: {  	v51 =	vor.u32 s21, v9;
	_ =	sdelay $0x3  }
0x286: {  	[tilespmem:v24+s13+$0x0] =	vst.idx.msk $0xffff, v34  }
0x287: {  	v34 =	vld.idx.msk [tilespmem:v51+s8+$0x0], $0xffff;
	_ =	sdelay $0x4  }
0x288: {  	[tilespmem:v25+s13+$0x0] =	vst.idx.msk $0xffff, v34  }
0x289: {  	_ =	swait.ge [sflag:s17], $0x1000  }
0x28a: {  	[sflag:s17] =	ssyncset.done $0x0  }
0x28b: {  	[sflag:s17] =	ssyncadd.s32 $0xFFFFF000  }
0x28c: {  	v52 =	vld [tilespmem:$0x1FC];
	_ =	sdelay $0x4  }
0x28d: {  	(v2sf) =	vpush v52, $0x0;
	_ =	sdelay $0xe  }
0x28e: {  	s10 =	spop (v2sf)  }
0x28f: {  	s21 =	sand.u32 $0x7F, s10  }
0x290: {  	v53 =	vor.u32 s21, v10;
	_ =	sdelay $0x4  }
0x291: {  	v34 =	vld.idx.msk [tilespmem:v53+s8+$0x0], $0xffff  }
0x292: {  	v54 =	vor.u32 s21, v11;
	_ =	sdelay $0x3  }
0x293: {  	[tilespmem:v26+s13+$0x0] =	vst.idx.msk $0xffff, v34  }
0x294: {  	v34 =	vld.idx.msk [tilespmem:v54+s8+$0x0], $0xffff;
	_ =	sdelay $0x4  }
0x295: {  	[tilespmem:v27+s13+$0x0] =	vst.idx.msk $0xffff, v34  }
0x296: {  	_ =	swait.ge [sflag:s18], $0x1000  }
0x297: {  	[sflag:s18] =	ssyncset.done $0x0  }
0x298: {  	[sflag:s18] =	ssyncadd.s32 $0xFFFFF000  }
0x299: {  	v55 =	vld [tilespmem:$0x1FD];
	_ =	sdelay $0x4  }
0x29a: {  	(v2sf) =	vpush v55, $0x0;
	_ =	sdelay $0xe  }
0x29b: {  	s11 =	spop (v2sf)  }
0x29c: {  	s21 =	sand.u32 $0x7F, s11  }
0x29d: {  	v56 =	vor.u32 s21, v12;
	_ =	sdelay $0x4  }
0x29e: {  	v34 =	vld.idx.msk [tilespmem:v56+s8+$0x0], $0xffff  }
0x29f: {  	v57 =	vor.u32 s21, v13;
	_ =	sdelay $0x3  }
0x2a0: {  	[tilespmem:v28+s13+$0x0] =	vst.idx.msk $0xffff, v34  }
0x2a1: {  	v34 =	vld.idx.msk [tilespmem:v57+s8+$0x0], $0xffff;
	_ =	sdelay $0x4  }
0x2a2: {  	[tilespmem:v29+s13+$0x0] =	vst.idx.msk $0xffff, v34  }
0x2a3: {  	_ =	swait.ge [sflag:s19], $0x1000  }
0x2a4: {  	[sflag:s19] =	ssyncset.done $0x0  }
0x2a5: {  	[sflag:s19] =	ssyncadd.s32 $0xFFFFF000  }
0x2a6: {  	v58 =	vld [tilespmem:$0x1FE];
	_ =	sdelay $0x4  }
0x2a7: {  	(v2sf) =	vpush v58, $0x0;
	_ =	sdelay $0xe  }
0x2a8: {  	s22 =	spop (v2sf)  }
0x2a9: {  	s21 =	sand.u32 $0x7F, s22  }
0x2aa: {  	v59 =	vor.u32 s21, v14;
	_ =	sdelay $0x4  }
0x2ab: {  	v34 =	vld.idx.msk [tilespmem:v59+s8+$0x0], $0xffff  }
0x2ac: {  	v60 =	vor.u32 s21, v15;
	_ =	sdelay $0x3  }
0x2ad: {  	[tilespmem:v30+s13+$0x0] =	vst.idx.msk $0xffff, v34  }
0x2ae: {  	v34 =	vld.idx.msk [tilespmem:v60+s8+$0x0], $0xffff;
	_ =	sdelay $0x4  }
0x2af: {  	[tilespmem:v31+s13+$0x0] =	vst.idx.msk $0xffff, v34  }
0x2b0: {  	_ =	swait.ge [sflag:s20], $0x1000  }
0x2b1: {  	[sflag:s20] =	ssyncset.done $0x0  }
0x2b2: {  	[sflag:s20] =	ssyncadd.s32 $0xFFFFF000  }
0x2b3: {  	v61 =	vld [tilespmem:$0x1FF];
	_ =	sdelay $0x4  }
0x2b4: {  	(v2sf) =	vpush v61, $0x0;
	_ =	sdelay $0xe  }
0x2b5: {  	s23 =	spop (v2sf)  }
0x2b6: {  	s21 =	sand.u32 $0x7F, s23  }
0x2b7: {  	v62 =	vor.u32 s21, v16;
	_ =	sdelay $0x4  }
0x2b8: {  	v34 =	vld.idx.msk [tilespmem:v62+s8+$0x0], $0xffff  }
0x2b9: {  	v63 =	vor.u32 s21, v17;
	_ =	sdelay $0x3  }
0x2ba: {  	[tilespmem:v32+s13+$0x0] =	vst.idx.msk $0xffff, v34  }
0x2bb: {  	v34 =	vld.idx.msk [tilespmem:v63+s8+$0x0], $0xffff;
	_ =	sdelay $0x3  }
0x2bc: {  	s1 =	simm.s32 $0x1000  }
0x2bd: {  	s2 =	simm.s32 $0x20000;
	s25 =	simm.s32 $0xA;
	s24 =	rddreg [dreg:$0x5];
	[tilespmem:v33+s13+$0x0] =	vst.idx.msk $0xffff, v34  }
0x2be: {  	[hbm4b:s24+s1] =	stream.strided.scatter [tilespmem:s13], [sflag:$0xA], $0x4000, s2, s1, $0x38;
	[tilespmem:$0xC280] =	vst v63  }
0x2bf: {  	_ =	swait.ge [sflag:s25], $0x4000  }
0x2c0: {  	s28 =	simm.s32 $0x1680;
	s29 =	simm.s32 $0x1A80;
	s22 =	rddreg [dreg:$0x7]  }
0x2c1: {  	s4 =	simm.s32 $0x2680;
	s26 =	rddreg [dreg:$0x6];
	s22 =	sadd.s32 $0x1, s22  }
0x2c2: {  	s5 =	simm.s32 $0x2A80;
	s30 =	simm.s32 $0x4280;
	p0 =	sne.s32 s22, s26  }
.Ltmp1:
0x2c3: {  	s31 =	simm.s32 $0x4680;
	s6 =	simm.s32 $0x2E80;
	(pc) =	sbr.rel @p0 .LBB2_1-.Ltmp1, $4  }
0x2c4: {  	s7 =	simm.s32 $0x3280;
	s9 =	simm.s32 $0x3680;
	s10 =	simm.s32 $0x3A80  }
0x2c5: {  	s11 =	simm.s32 $0x3E80;
	s23 =	simm.s32 $0x680;
	s24 =	simm.s32 $0xA80  }
0x2c6: {  	s2 =	simm.s32 $0x1E80;
	s1 =	simm.s32 $0x2280;
	[sflag:s25] =	ssyncset.done $0x0  }
0x2c7: {  	[sflag:s25] =	ssyncadd.s32 $0xFFFFC000;
	s25 =	simm.s32 $0xE80;
	s26 =	simm.s32 $0x1280  }
0x2c8: {  	_ =	sfence.sel $0x180000  }
0x2c9: {  	[bflag:$0x0] =	sbarrier.arrive $0xFFFF  }
0x2ca: {  	_ =	strace $0x90000047  }
0x2cb: {  	s0 =	stileid.u32;
	[bflag:$0x2] =	sbarrier.arrive $0xFFFF  }
0x2cc: {  	p0 =	sne.s32 s0, $0x0;
	s0 =	rddreg [dreg:$0x3]  }
0x2cd: {  	s0 =	sadd.s32 @!p0 $0x100000, s0  }
0x2ce: {  	[sflag:s0] =	ssyncadd.tile.s32 @!p0 $0x1;
	_ =	shalt  }
.Lfunc_end2:
_tile_overlayer_lowered:
.L_overlay_start_2:
0x2cf: {  	(tag) =	ssettag $0x2  }
0x2d0: {  	s0 =	rddreg [dreg:$0x0];
	s2 =	stileid.u32  }
0x2d1: {  	s1 =	rddreg [dreg:$0x1];
	p0 =	sne.s32 s2, $0x0  }
0x2d2: {  	s3 =	rddreg [dreg:$0x2];
	[bflag:$0x3] =	sbarrier.arrive $0xFFFF;
	s2 =	simm.s32 @!p0 $0x1C0A  }
0x2d3: {  	[timem:s3], [sflag:s2] =	dma.local @!p0 [hbm:s0], s1  }
0x2d4: {  	s0 =	simm.s32 @!p0 $0xA  }
0x2d5: {  	_ =	swait.ge @!p0 [sflag:s0], s1  }
0x2d6: {  	s1 =	ssub.s32 @!p0 $0x0, s1;
	[sflag:s0] =	ssyncset.done @!p0 $0x0  }
0x2d7: {  	[sflag:s0] =	ssyncadd.s32 @!p0 s1  }
0x2d8: {  	[bflag:$0x3] =	sbarrier.arrive $0xFFFF  }
0x2d9: {  	_ =	shalt  }

</sc_bundles>
